<compile_context>
chip_gen: v7x
topology: tpu7x:2x2x1
jax: 0.10.2.dev20260603
libtpu: 0.0.44.dev20260713+nightly
codegen_flags: <defaults>
</compile_context>

<pallas_src>
import functools

import jax
import jax.numpy as jnp
from jax import lax
from jax.experimental import pallas as pl
from jax.experimental.pallas import tpu as pltpu
from jax.experimental.pallas import tpu_sc as plsc

N = 50000
E = 800000
C = 128
HEADS = 4
HID = 16
NEG_SLOPE = 0.2

NC = 2
NS = 16
CH = 2048
K_PER_TILE = 14
NCHUNKS = NC * NS * K_PER_TILE
E_PAD = NCHUNKS * CH
WPN = C // 4
SC_WORDS = N * WPN
NPAD = 512
SC_TAIL = NPAD * 32 + 32
TILE_WORDS = SC_WORDS // NS
ZB = 4000

TILE_N = 2000
GRID_N = N // TILE_N


def _sc_hist_body(src_hbm, dst_hbm, nid_hbm, cnt_hbm,
                  src_v, dst_v, nid_v, idxb, valb, zbuf, zbuf2, cntsh,
                  semst, sems, semz, semd1, semd2):
    cid = lax.axis_index("c")
    sid = lax.axis_index("s")

    pltpu.sync_copy(nid_hbm, nid_v)

    def _zfill(i, _):
        zbuf[pl.ds(i * 16, 16)] = jnp.zeros((16,), jnp.int32)
        return 0
    lax.fori_loop(0, ZB // 16, _zfill, 0)

    def _zcopy(i, _):
        pltpu.async_copy(
            zbuf, cntsh.at[pl.ds(sid * TILE_WORDS + i * ZB, ZB)], semz)
        return 0
    lax.fori_loop(0, TILE_WORDS // ZB, _zcopy, 0)

    def _zdrain(i, _):
        pltpu.make_async_copy(
            zbuf, cntsh.at[pl.ds(sid * TILE_WORDS, ZB)], semz).wait()
        return 0
    lax.fori_loop(0, TILE_WORDS // ZB, _zdrain, 0)

    plsc.subcore_barrier()

    def _chunk(kk, _):
        row0 = (kk * NC * NS + cid * NS + sid) * NS
        h1 = pltpu.async_copy(src_hbm.at[pl.ds(row0, NS)], src_v, semst)
        h2 = pltpu.async_copy(dst_hbm.at[pl.ds(row0, NS)], dst_v, semst)
        h1.wait()
        h2.wait()

        sh = []
        for j in range(NS):
            def _group(g, _, j=j):
                off = g * 16
                s = src_v[j, pl.ds(off, 16)]
                d = dst_v[j, pl.ds(off, 16)]
                w = plsc.load_gather(nid_v, [s >> 2])
                cs = (lax.shift_right_logical(w, (s & 3) << 3)) & 0xFF
                idxb[j, pl.ds(off, 16)] = (d << 5) + (cs >> 2)
                valb[j, pl.ds(off, 16)] = 1 << ((cs & 3) << 3)
                return 0
            lax.fori_loop(0, 8, _group, 0)
            sh.append(
                pltpu.async_copy(valb.at[j], cntsh.at[idxb.at[j]], sems,
                                 add=True))
        for h in sh:
            h.wait()
        return 0
    lax.fori_loop(0, K_PER_TILE, _chunk, 0)

    plsc.subcore_barrier()

    def _sl_sh(i):
        return pl.ds(sid * TILE_WORDS + i * ZB, ZB)

    def _sl_out(i):
        return pl.ds(cid * SC_WORDS + sid * TILE_WORDS + i * ZB, ZB)

    pltpu.sync_copy(cntsh.at[_sl_sh(0)], zbuf)
    pltpu.async_copy(zbuf, cnt_hbm.at[_sl_out(0)], semd1)

    def _dpair(p, _):
        @pl.when(p > 1)
        def _():
            pltpu.make_async_copy(zbuf2, cnt_hbm.at[_sl_out(0)],
                                  semd2).wait()
        pltpu.sync_copy(cntsh.at[_sl_sh(2 * p - 1)], zbuf2)
        pltpu.async_copy(zbuf2, cnt_hbm.at[_sl_out(2 * p - 1)], semd2)
        pltpu.make_async_copy(zbuf, cnt_hbm.at[_sl_out(0)], semd1).wait()
        pltpu.sync_copy(cntsh.at[_sl_sh(2 * p)], zbuf)
        pltpu.async_copy(zbuf, cnt_hbm.at[_sl_out(2 * p)], semd1)
        return 0
    lax.fori_loop(1, (TILE_WORDS // ZB - 1) // 2 + 1, _dpair, 0)
    pltpu.make_async_copy(zbuf2, cnt_hbm.at[_sl_out(0)], semd2).wait()
    pltpu.make_async_copy(zbuf, cnt_hbm.at[_sl_out(0)], semd1).wait()


def _sc_histogram(src_p, dst_p, node_ids):
    mesh = plsc.VectorSubcoreMesh(core_axis_name="c", subcore_axis_name="s")
    return pl.kernel(
        _sc_hist_body,
        out_type=jax.ShapeDtypeStruct((NC * SC_WORDS,), jnp.int32),
        mesh=mesh,
        compiler_params=pltpu.CompilerParams(needs_layout_passes=False),
        scratch_types=[
            pltpu.VMEM((NS, 128), jnp.int32),
            pltpu.VMEM((NS, 128), jnp.int32),
            pltpu.VMEM((N // 4,), jnp.int32),
            pltpu.VMEM((NS, 128), jnp.int32),
            pltpu.VMEM((NS, 128), jnp.int32),
            pltpu.VMEM((ZB,), jnp.int32),
            pltpu.VMEM((ZB,), jnp.int32),
            pltpu.VMEM_SHARED((SC_WORDS + SC_TAIL,), jnp.int32),
            pltpu.SemaphoreType.DMA,
            pltpu.SemaphoreType.DMA,
            pltpu.SemaphoreType.DMA,
            pltpu.SemaphoreType.DMA,
            pltpu.SemaphoreType.DMA,
        ],
    )(src_p, dst_p, node_ids)


def _tc_body(cnt_ref, cls_ref, ex_ref, ft_ref, out_ref):
    cw = cnt_ref[...]
    w = cw[0] + cw[1]
    b0 = (w & 0xFF).astype(jnp.float32)
    b1 = (lax.shift_right_logical(w, 8) & 0xFF).astype(jnp.float32)
    b2 = (lax.shift_right_logical(w, 16) & 0xFF).astype(jnp.float32)
    b3 = lax.shift_right_logical(w, 24).astype(jnp.float32)
    cnt = jnp.concatenate([b0, b1, b2, b3], axis=1)
    k = cls_ref[0, 0, :]
    iota = lax.broadcasted_iota(jnp.int32, (TILE_N, C), 1)
    oh = (k[:, None] == iota).astype(jnp.float32)
    ex = jnp.dot(oh, ex_ref[...], preferred_element_type=jnp.float32)
    ft = ft_ref[...]
    y = jnp.dot(cnt * ex[:, 0:C], ft[0:C, :],
                preferred_element_type=jnp.float32)
    for hp in range(1, HEADS):
        y = y + jnp.dot(cnt * ex[:, hp * C:(hp + 1) * C],
                        ft[hp * C:(hp + 1) * C, :],
                        preferred_element_type=jnp.float32)
    num = y[:, :HEADS * HID]
    denr = y[:, HEADS * HID:]
    good = denr > 0.0
    r = jnp.where(good, num / jnp.where(good, denr, 1.0), 0.0)
    out_ref[...] = jnp.where(r > 0.0, r, jnp.exp(jnp.minimum(r, 0.0)) - 1.0)


def _tc_finish(cnt_w, cls3, exptab2, ft2):
    return pl.pallas_call(
        _tc_body,
        grid=(GRID_N,),
        in_specs=[
            pl.BlockSpec((NC, TILE_N, WPN), lambda i: (0, i, 0)),
            pl.BlockSpec((1, 1, TILE_N), lambda i: (i, 0, 0)),
            pl.BlockSpec((C, HEADS * C), lambda i: (0, 0)),
            pl.BlockSpec((HEADS * C, 128), lambda i: (0, 0)),
        ],
        out_specs=pl.BlockSpec((TILE_N, HEADS * HID), lambda i: (i, 0)),
        out_shape=jax.ShapeDtypeStruct((N, HEADS * HID), jnp.float32),
    )(cnt_w, cls3, exptab2, ft2)


def kernel(node_ids, edge_index, fc_weight, attn_l, attn_r):
    node_ids = node_ids.astype(jnp.int32)
    ft3 = fc_weight.T.reshape(C, HEADS, HID)
    el_tab = jnp.sum(ft3 * attn_l[None, :, :], axis=-1)
    er_tab = jnp.sum(ft3 * attn_r[None, :, :], axis=-1)
    e_tab = jax.nn.leaky_relu(
        el_tab[:, None, :] + er_tab[None, :, :], negative_slope=NEG_SLOPE)
    etab = jnp.exp(e_tab)
    perm = jnp.concatenate(
        [4 * jnp.arange(0, WPN) + b for b in range(4)]).astype(jnp.int32)
    etp = etab[perm]
    exptab2 = jnp.transpose(etp, (1, 2, 0)).reshape(C, HEADS * C)
    ftp = ft3[perm]
    eye = jnp.eye(HEADS, dtype=jnp.float32)
    blocks = ftp[:, None, :, :] * eye[None, :, :, None]
    ft_part = jnp.transpose(blocks, (1, 0, 2, 3)).reshape(
        HEADS * C, HEADS * HID)
    den_part = jnp.tile(eye, (C, 1)).reshape(C, HEADS, HEADS)
    den_part = jnp.transpose(den_part, (1, 0, 2)).reshape(HEADS * C, HEADS)
    den_wide = jnp.repeat(den_part, HID, axis=1)
    ft2 = jnp.concatenate([ft_part, den_wide], axis=1)

    src = edge_index[0].astype(jnp.int32)
    dst = edge_index[1].astype(jnp.int32)
    src_p = jnp.concatenate(
        [src, jnp.zeros((E_PAD - E,), jnp.int32)]).reshape(NCHUNKS * NS, 128)
    pad_dst = N + (jnp.arange(E_PAD - E, dtype=jnp.int32) % NPAD)
    dst_p = jnp.concatenate([dst, pad_dst]).reshape(NCHUNKS * NS, 128)

    nid_b = node_ids.reshape(N // 4, 4)
    nid4 = (nid_b[:, 0] | (nid_b[:, 1] << 8) | (nid_b[:, 2] << 16)
            | (nid_b[:, 3] << 24))
    cnt_w = _sc_histogram(src_p, dst_p, nid4).reshape(NC, N, WPN)
    cls3 = node_ids.reshape(GRID_N, 1, TILE_N)
    return _tc_finish(cnt_w, cls3, exptab2, ft2)

# --- scband reference (transcript-rebuilt; emitter-appended) ---
"""Pipeline reference for scband-gatembeddings-51788715655450 (READ-ONLY COPY).

The authoritative reference and input builder live on the scoring server;
editing this copy changes nothing except your own understanding.
"""

import jax, jax.numpy as jnp
import numpy as np

N = 50000
E = 800000
IN_DIM = 128
HEADS = 4
HID = 16
NEG_SLOPE = 0.2


def setup_inputs(seed: int = 0) -> dict:
    key = jax.random.key(seed)
    k1, k2, k3, k4, k5 = jax.random.split(key, 5)
    node_ids = jax.random.randint(k1, (N,), 0, IN_DIM, dtype=jnp.int64 if jax.config.jax_enable_x64 else jnp.int32)
    edge_index = jax.random.randint(k2, (2, E), 0, N, dtype=jnp.int64 if jax.config.jax_enable_x64 else jnp.int32)
    # GATConv params (DGL-style): fc (no bias), attn_l, attn_r
    fc_weight = jax.random.normal(k3, (HEADS * HID, IN_DIM), dtype=jnp.float32) * 0.05
    attn_l = jax.random.normal(k4, (HEADS, HID), dtype=jnp.float32) * 0.05
    attn_r = jax.random.normal(k5, (HEADS, HID), dtype=jnp.float32) * 0.05
    return {
        "node_ids": node_ids,
        "edge_index": edge_index,
        "fc_weight": fc_weight,
        "attn_l": attn_l,
        "attn_r": attn_r,
    }


def reference(node_ids, edge_index, fc_weight, attn_l, attn_r):
    # GATEmbeddings.forward: one-hot node features, then a single GATConv, flatten heads.
    inputs = jax.nn.one_hot(node_ids, IN_DIM, dtype=jnp.float32)  # [N, IN_DIM]
    # feat_drop = 0.0 -> identity
    feat = (inputs @ fc_weight.T).reshape(N, HEADS, HID)  # [N, H, D]
    el = jnp.sum(feat * attn_l[None, :, :], axis=-1)  # [N, H]
    er = jnp.sum(feat * attn_r[None, :, :], axis=-1)  # [N, H]
    src = edge_index[0]
    dst = edge_index[1]
    # edge attention logits: e_ij = leaky_relu(el[src] + er[dst])
    e = jax.nn.leaky_relu(el[src] + er[dst], negative_slope=NEG_SLOPE)  # [E, H]
    # edge softmax over incoming edges per destination node, per head
    emax = jax.ops.segment_max(e, dst, num_segments=N)  # [N, H]
    eexp = jnp.exp(e - emax[dst])  # [E, H]
    denom = jax.ops.segment_sum(eexp, dst, num_segments=N)  # [N, H]
    alpha = eexp / denom[dst]  # [E, H]  (attn_drop = 0.0 -> identity)
    # message passing: sum_j alpha_ij * feat_j
    msg = feat[src] * alpha[:, :, None]  # [E, H, D]
    out = jax.ops.segment_sum(msg, dst, num_segments=N)  # [N, H, D]
    out = jax.nn.elu(out)  # activation = F.elu
    return out.reshape(N, HEADS * HID)  # .flatten(1)

if __name__ == "__main__":
    import jax
    _d = setup_inputs()
    print(jax.jit(kernel)(*tuple(_d.values())))

</pallas_src>

<mosaic_0001>
#map = affine_map<(d0, d1) -> (0, 0)>
#map1 = affine_map<(d0, d1) -> (0)>
module attributes {stable_mosaic.version = 14 : i64} {
  func.func @_sc_hist_body(%arg0: i32, %arg1: i32, %arg2: memref<7168x128xi32, #tpu.memory_space<hbm>>, %arg3: memref<7168x128xi32, #tpu.memory_space<hbm>>, %arg4: memref<12500xi32, #tpu.memory_space<hbm>>, %arg5: memref<3200000xi32, #tpu.memory_space<hbm>>, %arg6: memref<16x128xi32, #tpu.memory_space<vmem>>, %arg7: memref<16x128xi32, #tpu.memory_space<vmem>>, %arg8: memref<12500xi32, #tpu.memory_space<vmem>>, %arg9: memref<16x128xi32, #tpu.memory_space<vmem>>, %arg10: memref<16x128xi32, #tpu.memory_space<vmem>>, %arg11: memref<4000xi32, #tpu.memory_space<vmem>>, %arg12: memref<4000xi32, #tpu.memory_space<vmem>>, %arg13: memref<1616416xi32, #tpu.memory_space<vmem_shared>>, %arg14: memref<!tpu.dma_semaphore, #tpu.memory_space<semaphore_mem>>, %arg15: memref<!tpu.dma_semaphore, #tpu.memory_space<semaphore_mem>>, %arg16: memref<!tpu.dma_semaphore, #tpu.memory_space<semaphore_mem>>, %arg17: memref<!tpu.dma_semaphore, #tpu.memory_space<semaphore_mem>>, %arg18: memref<!tpu.dma_semaphore, #tpu.memory_space<semaphore_mem>>) attributes {dimension_semantics = [#tpu.dimension_semantics<core_parallel>, #tpu.dimension_semantics<subcore_parallel>], iteration_bounds = array<i64: 2, 16>, scalar_prefetch = 0 : i64, scratch_operands = 13 : i64, tpu.core_type = #tpu.core_type<sc_vector_subcore>, window_params = [{transform_indices = #map}, {transform_indices = #map}, {transform_indices = #map1}, {transform_indices = #map1}]} {
    "tpu.region"() ({
      %run_scoped3A = tpu.sem_alloc : memref<!tpu.dma_semaphore, #tpu.memory_space<semaphore_mem>>
      tpu.enqueue_dma source(%arg4 : memref<12500xi32, #tpu.memory_space<hbm>>) target(%arg8 : memref<12500xi32, #tpu.memory_space<vmem>>) target_semaphore(%run_scoped3A : memref<!tpu.dma_semaphore, #tpu.memory_space<semaphore_mem>>)
      tpu.wait_dma2 semaphore(%run_scoped3A : memref<!tpu.dma_semaphore, #tpu.memory_space<semaphore_mem>>) src(%arg4 : memref<12500xi32, #tpu.memory_space<hbm>>) dst(%arg8 : memref<12500xi32, #tpu.memory_space<vmem>>)
      tpu.yield
    }) : () -> ()
    %scan3A = arith.constant 0 : i32
    %scan3A_0 = arith.constant 0 : i32
    %scan3A_1 = arith.constant 250 : i32
    %scan3A_2 = arith.addi %scan3A_0, %scan3A_1 : i32
    %scan3A_3 = arith.constant 1 : i32
    %scan3A_4 = scf.for %scan3A_62 = %scan3A_0 to %scan3A_2 step %scan3A_3 iter_args(%scan3A_63 = %scan3A) -> (i32)  : i32 {
      %broadcast_in_dim3A = arith.constant 0 : i32
      %broadcast_in_dim3A_64 = vector.broadcast %broadcast_in_dim3A : i32 to vector<16xi32>
      %mul3A_65 = arith.constant 16 : i32
      %mul3A_66 = arith.muli %scan3A_62, %mul3A_65 : i32
      %swap3A = arith.index_cast %mul3A_66 : i32 to index
      %swap3A_67 = tpu.vector_load %arg11[%swap3A] {strides = array<i32>} : memref<4000xi32, #tpu.memory_space<vmem>>, vector<16xi32>,
      tpu.vector_store %arg11[%swap3A], %broadcast_in_dim3A_64 {strides = array<i32>} : memref<4000xi32, #tpu.memory_space<vmem>>, vector<16xi32>,
      %scan3A_68 = arith.constant 0 : i32
      scf.yield %scan3A_68 : i32
    }
    %scan3A_5 = arith.constant 250 : i32
    %scan3A_6 = arith.constant 0 : i32
    %scan3A_7 = arith.constant 0 : i32
    %scan3A_8 = arith.constant 25 : i32
    %scan3A_9 = arith.addi %scan3A_7, %scan3A_8 : i32
    %scan3A_10 = arith.constant 1 : i32
    %scan3A_11 = scf.for %scan3A_62 = %scan3A_7 to %scan3A_9 step %scan3A_10 iter_args(%scan3A_63 = %scan3A_6) -> (i32)  : i32 {
      %mul3A_64 = arith.constant 100000 : i32
      %mul3A_65 = arith.muli %arg1, %mul3A_64 : i32
      %mul3A_66 = arith.constant 4000 : i32
      %mul3A_67 = arith.muli %scan3A_62, %mul3A_66 : i32
      %add3A_68 = arith.addi %mul3A_65, %mul3A_67 : i32
      %dma_start3A_69 = tpu.memref_slice %arg13[%add3A_68] : memref<1616416xi32, #tpu.memory_space<vmem_shared>> -> memref<4000xi32, #tpu.memory_space<vmem_shared>>
      %dma_start3A_70 = tpu.memref_slice %arg13[%add3A_68] : memref<1616416xi32, #tpu.memory_space<vmem_shared>> -> memref<4000xi32, #tpu.memory_space<vmem_shared>>
      tpu.enqueue_dma source(%arg11 : memref<4000xi32, #tpu.memory_space<vmem>>) target(%dma_start3A_70 : memref<4000xi32, #tpu.memory_space<vmem_shared>>) target_semaphore(%arg16 : memref<!tpu.dma_semaphore, #tpu.memory_space<semaphore_mem>>)
      %scan3A_71 = arith.constant 0 : i32
      scf.yield %scan3A_71 : i32
    }
    %scan3A_12 = arith.constant 25 : i32
    %scan3A_13 = arith.constant 0 : i32
    %scan3A_14 = arith.constant 0 : i32
    %scan3A_15 = arith.constant 25 : i32
    %scan3A_16 = arith.addi %scan3A_14, %scan3A_15 : i32
    %scan3A_17 = arith.constant 1 : i32
    %scan3A_18 = scf.for %scan3A_62 = %scan3A_14 to %scan3A_16 step %scan3A_17 iter_args(%scan3A_63 = %scan3A_13) -> (i32)  : i32 {
      %mul3A_64 = arith.constant 100000 : i32
      %mul3A_65 = arith.muli %arg1, %mul3A_64 : i32
      %dma_wait3A_66 = tpu.memref_slice %arg13[%mul3A_65] : memref<1616416xi32, #tpu.memory_space<vmem_shared>> -> memref<4000xi32, #tpu.memory_space<vmem_shared>>
      %dma_wait3A_67 = tpu.memref_slice %arg13[%mul3A_65] : memref<1616416xi32, #tpu.memory_space<vmem_shared>> -> memref<4000xi32, #tpu.memory_space<vmem_shared>>
      tpu.wait_dma2 semaphore(%arg16 : memref<!tpu.dma_semaphore, #tpu.memory_space<semaphore_mem>>) src(%arg11 : memref<4000xi32, #tpu.memory_space<vmem>>) dst(%dma_wait3A_67 : memref<4000xi32, #tpu.memory_space<vmem_shared>>)
      %scan3A_68 = arith.constant 0 : i32
      scf.yield %scan3A_68 : i32
    }
    %scan3A_19 = arith.constant 25 : i32
    %barrier3A = arith.constant 0 : index
    tpu.barrier barrier_id(%barrier3A)
    %scan3A_20 = arith.constant 0 : i32
    %scan3A_21 = arith.constant 0 : i32
    %scan3A_22 = arith.constant 14 : i32
    %scan3A_23 = arith.addi %scan3A_21, %scan3A_22 : i32
    %scan3A_24 = arith.constant 1 : i32
    %scan3A_25 = scf.for %scan3A_62 = %scan3A_21 to %scan3A_23 step %scan3A_24 iter_args(%scan3A_63 = %scan3A_20) -> (i32)  : i32 {
      %mul3A_64 = arith.constant 2 : i32
      %mul3A_65 = arith.muli %scan3A_62, %mul3A_64 : i32
      %mul3A_66 = arith.constant 16 : i32
      %mul3A_67 = arith.muli %mul3A_65, %mul3A_66 : i32
      %mul3A_68 = arith.constant 16 : i32
      %mul3A_69 = arith.muli %arg0, %mul3A_68 : i32
      %add3A_70 = arith.addi %mul3A_67, %mul3A_69 : i32
      %add3A_71 = arith.addi %add3A_70, %arg1 : i32
      %mul3A_72 = arith.constant 16 : i32
      %mul3A_73 = arith.muli %add3A_71, %mul3A_72 : i32
      %dma_start3A_74 = arith.constant 0 : i32
      %dma_start3A_75 = tpu.memref_slice %arg2[%mul3A_73, %dma_start3A_74] : memref<7168x128xi32, #tpu.memory_space<hbm>> -> memref<16x128xi32, #tpu.memory_space<hbm>>
      %dma_start3A_76 = arith.constant 0 : i32
      %dma_start3A_77 = tpu.memref_slice %arg2[%mul3A_73, %dma_start3A_76] : memref<7168x128xi32, #tpu.memory_space<hbm>> -> memref<16x128xi32, #tpu.memory_space<hbm>>
      tpu.enqueue_dma source(%dma_start3A_77 : memref<16x128xi32, #tpu.memory_space<hbm>>) target(%arg6 : memref<16x128xi32, #tpu.memory_space<vmem>>) target_semaphore(%arg14 : memref<!tpu.dma_semaphore, #tpu.memory_space<semaphore_mem>>)
      %dma_start3A_78 = arith.constant 0 : i32
      %dma_start3A_79 = tpu.memref_slice %arg3[%mul3A_73, %dma_start3A_78] : memref<7168x128xi32, #tpu.memory_space<hbm>> -> memref<16x128xi32, #tpu.memory_space<hbm>>
      %dma_start3A_80 = arith.constant 0 : i32
      %dma_start3A_81 = tpu.memref_slice %arg3[%mul3A_73, %dma_start3A_80] : memref<7168x128xi32, #tpu.memory_space<hbm>> -> memref<16x128xi32, #tpu.memory_space<hbm>>
      tpu.enqueue_dma source(%dma_start3A_81 : memref<16x128xi32, #tpu.memory_space<hbm>>) target(%arg7 : memref<16x128xi32, #tpu.memory_space<vmem>>) target_semaphore(%arg14 : memref<!tpu.dma_semaphore, #tpu.memory_space<semaphore_mem>>)
      %dma_wait3A_82 = arith.constant 0 : i32
      %dma_wait3A_83 = tpu.memref_slice %arg2[%mul3A_73, %dma_wait3A_82] : memref<7168x128xi32, #tpu.memory_space<hbm>> -> memref<16x128xi32, #tpu.memory_space<hbm>>
      %dma_wait3A_84 = arith.constant 0 : i32
      %dma_wait3A_85 = tpu.memref_slice %arg2[%mul3A_73, %dma_wait3A_84] : memref<7168x128xi32, #tpu.memory_space<hbm>> -> memref<16x128xi32, #tpu.memory_space<hbm>>
      tpu.wait_dma2 semaphore(%arg14 : memref<!tpu.dma_semaphore, #tpu.memory_space<semaphore_mem>>) src(%dma_wait3A_85 : memref<16x128xi32, #tpu.memory_space<hbm>>) dst(%arg6 : memref<16x128xi32, #tpu.memory_space<vmem>>)
      %dma_wait3A_86 = arith.constant 0 : i32
      %dma_wait3A_87 = tpu.memref_slice %arg3[%mul3A_73, %dma_wait3A_86] : memref<7168x128xi32, #tpu.memory_space<hbm>> -> memref<16x128xi32, #tpu.memory_space<hbm>>
      %dma_wait3A_88 = arith.constant 0 : i32
      %dma_wait3A_89 = tpu.memref_slice %arg3[%mul3A_73, %dma_wait3A_88] : memref<7168x128xi32, #tpu.memory_space<hbm>> -> memref<16x128xi32, #tpu.memory_space<hbm>>
      tpu.wait_dma2 semaphore(%arg14 : memref<!tpu.dma_semaphore, #tpu.memory_space<semaphore_mem>>) src(%dma_wait3A_89 : memref<16x128xi32, #tpu.memory_space<hbm>>) dst(%arg7 : memref<16x128xi32, #tpu.memory_space<vmem>>)
      %scan3A_90 = arith.constant 0 : i32
      %scan3A_91 = arith.constant 0 : i32
      %scan3A_92 = arith.constant 8 : i32
      %scan3A_93 = arith.addi %scan3A_91, %scan3A_92 : i32
      %scan3A_94 = arith.constant 1 : i32
      %scan3A_95 = scf.for %scan3A_523 = %scan3A_91 to %scan3A_93 step %scan3A_94 iter_args(%scan3A_524 = %scan3A_90) -> (i32)  : i32 {
        %mul3A_525 = arith.constant 16 : i32
        %mul3A_526 = arith.muli %scan3A_523, %mul3A_525 : i32
        %get3A = arith.constant 0 : i32
        %get3A_527 = arith.index_cast %get3A : i32 to index
        %get3A_528 = arith.index_cast %mul3A_526 : i32 to index
        %get3A_529 = tpu.vector_load %arg6[%get3A_527, %get3A_528] {strides = array<i32>} : memref<16x128xi32, #tpu.memory_space<vmem>>, vector<16xi32>,
        %get3A_530 = arith.constant 0 : i32
        %get3A_531 = arith.index_cast %get3A_530 : i32 to index
        %get3A_532 = arith.index_cast %mul3A_526 : i32 to index
        %get3A_533 = tpu.vector_load %arg7[%get3A_531, %get3A_532] {strides = array<i32>} : memref<16x128xi32, #tpu.memory_space<vmem>>, vector<16xi32>,
        %shift_right_arithmetic3A = arith.constant 2 : i32
        %shift_right_arithmetic3A_534 = vector.broadcast %shift_right_arithmetic3A : i32 to vector<16xi32>
        %shift_right_arithmetic3A_535 = arith.shrsi %get3A_529, %shift_right_arithmetic3A_534 : vector<16xi32>
        %gather3A = tpu.vector_load_idx %arg8[%shift_right_arithmetic3A_535] : memref<12500xi32, #tpu.memory_space<vmem>>[vector<16xi32>], vector<16xi32>,
        %and3A = arith.constant 3 : i32
        %and3A_536 = vector.broadcast %and3A : i32 to vector<16xi32>
        %and3A_537 = arith.andi %get3A_529, %and3A_536 : vector<16xi32>
        %shift_left3A = arith.constant 3 : i32
        %shift_left3A_538 = vector.broadcast %shift_left3A : i32 to vector<16xi32>
        %shift_left3A_539 = arith.shli %and3A_537, %shift_left3A_538 : vector<16xi32>
        %shift_right_logical3A = arith.shrui %gather3A, %shift_left3A_539 : vector<16xi32>
        %and3A_540 = arith.constant 255 : i32
        %and3A_541 = vector.broadcast %and3A_540 : i32 to vector<16xi32>
        %and3A_542 = arith.andi %shift_right_logical3A, %and3A_541 : vector<16xi32>
        %shift_left3A_543 = arith.constant 5 : i32
        %shift_left3A_544 = vector.broadcast %shift_left3A_543 : i32 to vector<16xi32>
        %shift_left3A_545 = arith.shli %get3A_533, %shift_left3A_544 : vector<16xi32>
        %shift_right_arithmetic3A_546 = arith.constant 2 : i32
        %shift_right_arithmetic3A_547 = vector.broadcast %shift_right_arithmetic3A_546 : i32 to vector<16xi32>
        %shift_right_arithmetic3A_548 = arith.shrsi %and3A_542, %shift_right_arithmetic3A_547 : vector<16xi32>
        %add3A_549 = arith.addi %shift_left3A_545, %shift_right_arithmetic3A_548 : vector<16xi32>
        %swap3A = arith.constant 0 : i32
        %swap3A_550 = arith.index_cast %swap3A : i32 to index
        %swap3A_551 = arith.index_cast %mul3A_526 : i32 to index
        %swap3A_552 = tpu.vector_load %arg9[%swap3A_550, %swap3A_551] {strides = array<i32>} : memref<16x128xi32, #tpu.memory_space<vmem>>, vector<16xi32>,
        tpu.vector_store %arg9[%swap3A_550, %swap3A_551], %add3A_549 {strides = array<i32>} : memref<16x128xi32, #tpu.memory_space<vmem>>, vector<16xi32>,
        %and3A_553 = arith.constant 3 : i32
        %and3A_554 = vector.broadcast %and3A_553 : i32 to vector<16xi32>
        %and3A_555 = arith.andi %and3A_542, %and3A_554 : vector<16xi32>
        %shift_left3A_556 = arith.constant 3 : i32
        %shift_left3A_557 = vector.broadcast %shift_left3A_556 : i32 to vector<16xi32>
        %shift_left3A_558 = arith.shli %and3A_555, %shift_left3A_557 : vector<16xi32>
        %shift_left3A_559 = arith.constant 1 : i32
        %shift_left3A_560 = vector.broadcast %shift_left3A_559 : i32 to vector<16xi32>
        %shift_left3A_561 = arith.shli %shift_left3A_560, %shift_left3A_558 : vector<16xi32>
        %swap3A_562 = arith.constant 0 : i32
        %swap3A_563 = arith.index_cast %swap3A_562 : i32 to index
        %swap3A_564 = arith.index_cast %mul3A_526 : i32 to index
        %swap3A_565 = tpu.vector_load %arg10[%swap3A_563, %swap3A_564] {strides = array<i32>} : memref<16x128xi32, #tpu.memory_space<vmem>>, vector<16xi32>,
        tpu.vector_store %arg10[%swap3A_563, %swap3A_564], %shift_left3A_561 {strides = array<i32>} : memref<16x128xi32, #tpu.memory_space<vmem>>, vector<16xi32>,
        %scan3A_566 = arith.constant 0 : i32
        scf.yield %scan3A_566 : i32
      }
      %scan3A_96 = arith.constant 8 : i32
      %dma_start3A_97 = arith.constant 0 : i32
      %dma_start3A_98 = arith.constant 0 : i32
      %dma_start3A_99 = arith.constant 0 : i32
      %dma_start3A_100 = tpu.memref_slice %arg10[%dma_start3A_97, %dma_start3A_99] : memref<16x128xi32, #tpu.memory_space<vmem>> -> memref<1x128xi32, #tpu.memory_space<vmem>>
      %dma_start3A_101 = tpu.memref_squeeze %dma_start3A_100 : memref<1x128xi32, #tpu.memory_space<vmem>> -> memref<128xi32, #tpu.memory_space<vmem>>
      %dma_start3A_102 = arith.constant 0 : i32
      %dma_start3A_103 = tpu.memref_slice %arg9[%dma_start3A_98, %dma_start3A_102] : memref<16x128xi32, #tpu.memory_space<vmem>> -> memref<1x128xi32, #tpu.memory_space<vmem>>
      %dma_start3A_104 = tpu.memref_squeeze %dma_start3A_103 : memref<1x128xi32, #tpu.memory_space<vmem>> -> memref<128xi32, #tpu.memory_space<vmem>>
      %dma_start3A_105 = arith.constant 0 : i32
      %dma_start3A_106 = tpu.memref_slice %arg13[%dma_start3A_105] : memref<1616416xi32, #tpu.memory_space<vmem_shared>> -> memref<1616416xi32, #tpu.memory_space<vmem_shared>>
      tpu.enqueue_indirect_dma source(%dma_start3A_101 : memref<128xi32, #tpu.memory_space<vmem>>) target(%dma_start3A_106 : memref<1616416xi32, #tpu.memory_space<vmem_shared>>) offsets(%dma_start3A_104 : memref<128xi32, #tpu.memory_space<vmem>>) semaphore(%arg15 : memref<!tpu.dma_semaphore, #tpu.memory_space<semaphore_mem>>) {add = true}
      %scan3A_107 = arith.constant 0 : i32
      %scan3A_108 = arith.constant 0 : i32
      %scan3A_109 = arith.constant 8 : i32
      %scan3A_110 = arith.addi %scan3A_108, %scan3A_109 : i32
      %scan3A_111 = arith.constant 1 : i32
      %scan3A_112 = scf.for %scan3A_523 = %scan3A_108 to %scan3A_110 step %scan3A_111 iter_args(%scan3A_524 = %scan3A_107) -> (i32)  : i32 {
        %mul3A_525 = arith.constant 16 : i32
        %mul3A_526 = arith.muli %scan3A_523, %mul3A_525 : i32
        %get3A = arith.constant 1 : i32
        %get3A_527 = arith.index_cast %get3A : i32 to index
        %get3A_528 = arith.index_cast %mul3A_526 : i32 to index
        %get3A_529 = tpu.vector_load %arg6[%get3A_527, %get3A_528] {strides = array<i32>} : memref<16x128xi32, #tpu.memory_space<vmem>>, vector<16xi32>,
        %get3A_530 = arith.constant 1 : i32
        %get3A_531 = arith.index_cast %get3A_530 : i32 to index
        %get3A_532 = arith.index_cast %mul3A_526 : i32 to index
        %get3A_533 = tpu.vector_load %arg7[%get3A_531, %get3A_532] {strides = array<i32>} : memref<16x128xi32, #tpu.memory_space<vmem>>, vector<16xi32>,
        %shift_right_arithmetic3A = arith.constant 2 : i32
        %shift_right_arithmetic3A_534 = vector.broadcast %shift_right_arithmetic3A : i32 to vector<16xi32>
        %shift_right_arithmetic3A_535 = arith.shrsi %get3A_529, %shift_right_arithmetic3A_534 : vector<16xi32>
        %gather3A = tpu.vector_load_idx %arg8[%shift_right_arithmetic3A_535] : memref<12500xi32, #tpu.memory_space<vmem>>[vector<16xi32>], vector<16xi32>,
        %and3A = arith.constant 3 : i32
        %and3A_536 = vector.broadcast %and3A : i32 to vector<16xi32>
        %and3A_537 = arith.andi %get3A_529, %and3A_536 : vector<16xi32>
        %shift_left3A = arith.constant 3 : i32
        %shift_left3A_538 = vector.broadcast %shift_left3A : i32 to vector<16xi32>
        %shift_left3A_539 = arith.shli %and3A_537, %shift_left3A_538 : vector<16xi32>
        %shift_right_logical3A = arith.shrui %gather3A, %shift_left3A_539 : vector<16xi32>
        %and3A_540 = arith.constant 255 : i32
        %and3A_541 = vector.broadcast %and3A_540 : i32 to vector<16xi32>
        %and3A_542 = arith.andi %shift_right_logical3A, %and3A_541 : vector<16xi32>
        %shift_left3A_543 = arith.constant 5 : i32
        %shift_left3A_544 = vector.broadcast %shift_left3A_543 : i32 to vector<16xi32>
        %shift_left3A_545 = arith.shli %get3A_533, %shift_left3A_544 : vector<16xi32>
        %shift_right_arithmetic3A_546 = arith.constant 2 : i32
        %shift_right_arithmetic3A_547 = vector.broadcast %shift_right_arithmetic3A_546 : i32 to vector<16xi32>
        %shift_right_arithmetic3A_548 = arith.shrsi %and3A_542, %shift_right_arithmetic3A_547 : vector<16xi32>
        %add3A_549 = arith.addi %shift_left3A_545, %shift_right_arithmetic3A_548 : vector<16xi32>
        %swap3A = arith.constant 1 : i32
        %swap3A_550 = arith.index_cast %swap3A : i32 to index
        %swap3A_551 = arith.index_cast %mul3A_526 : i32 to index
        %swap3A_552 = tpu.vector_load %arg9[%swap3A_550, %swap3A_551] {strides = array<i32>} : memref<16x128xi32, #tpu.memory_space<vmem>>, vector<16xi32>,
        tpu.vector_store %arg9[%swap3A_550, %swap3A_551], %add3A_549 {strides = array<i32>} : memref<16x128xi32, #tpu.memory_space<vmem>>, vector<16xi32>,
        %and3A_553 = arith.constant 3 : i32
        %and3A_554 = vector.broadcast %and3A_553 : i32 to vector<16xi32>
        %and3A_555 = arith.andi %and3A_542, %and3A_554 : vector<16xi32>
        %shift_left3A_556 = arith.constant 3 : i32
        %shift_left3A_557 = vector.broadcast %shift_left3A_556 : i32 to vector<16xi32>
        %shift_left3A_558 = arith.shli %and3A_555, %shift_left3A_557 : vector<16xi32>
        %shift_left3A_559 = arith.constant 1 : i32
        %shift_left3A_560 = vector.broadcast %shift_left3A_559 : i32 to vector<16xi32>
        %shift_left3A_561 = arith.shli %shift_left3A_560, %shift_left3A_558 : vector<16xi32>
        %swap3A_562 = arith.constant 1 : i32
        %swap3A_563 = arith.index_cast %swap3A_562 : i32 to index
        %swap3A_564 = arith.index_cast %mul3A_526 : i32 to index
        %swap3A_565 = tpu.vector_load %arg10[%swap3A_563, %swap3A_564] {strides = array<i32>} : memref<16x128xi32, #tpu.memory_space<vmem>>, vector<16xi32>,
        tpu.vector_store %arg10[%swap3A_563, %swap3A_564], %shift_left3A_561 {strides = array<i32>} : memref<16x128xi32, #tpu.memory_space<vmem>>, vector<16xi32>,
        %scan3A_566 = arith.constant 0 : i32
        scf.yield %scan3A_566 : i32
      }
      %scan3A_113 = arith.constant 8 : i32
      %dma_start3A_114 = arith.constant 1 : i32
      %dma_start3A_115 = arith.constant 1 : i32
      %dma_start3A_116 = arith.constant 0 : i32
      %dma_start3A_117 = tpu.memref_slice %arg10[%dma_start3A_114, %dma_start3A_116] : memref<16x128xi32, #tpu.memory_space<vmem>> -> memref<1x128xi32, #tpu.memory_space<vmem>>
      %dma_start3A_118 = tpu.memref_squeeze %dma_start3A_117 : memref<1x128xi32, #tpu.memory_space<vmem>> -> memref<128xi32, #tpu.memory_space<vmem>>
      %dma_start3A_119 = arith.constant 0 : i32
      %dma_start3A_120 = tpu.memref_slice %arg9[%dma_start3A_115, %dma_start3A_119] : memref<16x128xi32, #tpu.memory_space<vmem>> -> memref<1x128xi32, #tpu.memory_space<vmem>>
      %dma_start3A_121 = tpu.memref_squeeze %dma_start3A_120 : memref<1x128xi32, #tpu.memory_space<vmem>> -> memref<128xi32, #tpu.memory_space<vmem>>
      %dma_start3A_122 = arith.constant 0 : i32
      %dma_start3A_123 = tpu.memref_slice %arg13[%dma_start3A_122] : memref<1616416xi32, #tpu.memory_space<vmem_shared>> -> memref<1616416xi32, #tpu.memory_space<vmem_shared>>
      tpu.enqueue_indirect_dma source(%dma_start3A_118 : memref<128xi32, #tpu.memory_space<vmem>>) target(%dma_start3A_123 : memref<1616416xi32, #tpu.memory_space<vmem_shared>>) offsets(%dma_start3A_121 : memref<128xi32, #tpu.memory_space<vmem>>) semaphore(%arg15 : memref<!tpu.dma_semaphore, #tpu.memory_space<semaphore_mem>>) {add = true}
      %scan3A_124 = arith.constant 0 : i32
      %scan3A_125 = arith.constant 0 : i32
      %scan3A_126 = arith.constant 8 : i32
      %scan3A_127 = arith.addi %scan3A_125, %scan3A_126 : i32
      %scan3A_128 = arith.constant 1 : i32
      %scan3A_129 = scf.for %scan3A_523 = %scan3A_125 to %scan3A_127 step %scan3A_128 iter_args(%scan3A_524 = %scan3A_124) -> (i32)  : i32 {
        %mul3A_525 = arith.constant 16 : i32
        %mul3A_526 = arith.muli %scan3A_523, %mul3A_525 : i32
        %get3A = arith.constant 2 : i32
        %get3A_527 = arith.index_cast %get3A : i32 to index
        %get3A_528 = arith.index_cast %mul3A_526 : i32 to index
        %get3A_529 = tpu.vector_load %arg6[%get3A_527, %get3A_528] {strides = array<i32>} : memref<16x128xi32, #tpu.memory_space<vmem>>, vector<16xi32>,
        %get3A_530 = arith.constant 2 : i32
        %get3A_531 = arith.index_cast %get3A_530 : i32 to index
        %get3A_532 = arith.index_cast %mul3A_526 : i32 to index
        %get3A_533 = tpu.vector_load %arg7[%get3A_531, %get3A_532] {strides = array<i32>} : memref<16x128xi32, #tpu.memory_space<vmem>>, vector<16xi32>,
        %shift_right_arithmetic3A = arith.constant 2 : i32
        %shift_right_arithmetic3A_534 = vector.broadcast %shift_right_arithmetic3A : i32 to vector<16xi32>
        %shift_right_arithmetic3A_535 = arith.shrsi %get3A_529, %shift_right_arithmetic3A_534 : vector<16xi32>
        %gather3A = tpu.vector_load_idx %arg8[%shift_right_arithmetic3A_535] : memref<12500xi32, #tpu.memory_space<vmem>>[vector<16xi32>], vector<16xi32>,
        %and3A = arith.constant 3 : i32
        %and3A_536 = vector.broadcast %and3A : i32 to vector<16xi32>
        %and3A_537 = arith.andi %get3A_529, %and3A_536 : vector<16xi32>
        %shift_left3A = arith.constant 3 : i32
        %shift_left3A_538 = vector.broadcast %shift_left3A : i32 to vector<16xi32>
        %shift_left3A_539 = arith.shli %and3A_537, %shift_left3A_538 : vector<16xi32>
        %shift_right_logical3A = arith.shrui %gather3A, %shift_left3A_539 : vector<16xi32>
        %and3A_540 = arith.constant 255 : i32
        %and3A_541 = vector.broadcast %and3A_540 : i32 to vector<16xi32>
        %and3A_542 = arith.andi %shift_right_logical3A, %and3A_541 : vector<16xi32>
        %shift_left3A_543 = arith.constant 5 : i32
        %shift_left3A_544 = vector.broadcast %shift_left3A_543 : i32 to vector<16xi32>
        %shift_left3A_545 = arith.shli %get3A_533, %shift_left3A_544 : vector<16xi32>
        %shift_right_arithmetic3A_546 = arith.constant 2 : i32
        %shift_right_arithmetic3A_547 = vector.broadcast %shift_right_arithmetic3A_546 : i32 to vector<16xi32>
        %shift_right_arithmetic3A_548 = arith.shrsi %and3A_542, %shift_right_arithmetic3A_547 : vector<16xi32>
        %add3A_549 = arith.addi %shift_left3A_545, %shift_right_arithmetic3A_548 : vector<16xi32>
        %swap3A = arith.constant 2 : i32
        %swap3A_550 = arith.index_cast %swap3A : i32 to index
        %swap3A_551 = arith.index_cast %mul3A_526 : i32 to index
        %swap3A_552 = tpu.vector_load %arg9[%swap3A_550, %swap3A_551] {strides = array<i32>} : memref<16x128xi32, #tpu.memory_space<vmem>>, vector<16xi32>,
        tpu.vector_store %arg9[%swap3A_550, %swap3A_551], %add3A_549 {strides = array<i32>} : memref<16x128xi32, #tpu.memory_space<vmem>>, vector<16xi32>,
        %and3A_553 = arith.constant 3 : i32
        %and3A_554 = vector.broadcast %and3A_553 : i32 to vector<16xi32>
        %and3A_555 = arith.andi %and3A_542, %and3A_554 : vector<16xi32>
        %shift_left3A_556 = arith.constant 3 : i32
        %shift_left3A_557 = vector.broadcast %shift_left3A_556 : i32 to vector<16xi32>
        %shift_left3A_558 = arith.shli %and3A_555, %shift_left3A_557 : vector<16xi32>
        %shift_left3A_559 = arith.constant 1 : i32
        %shift_left3A_560 = vector.broadcast %shift_left3A_559 : i32 to vector<16xi32>
        %shift_left3A_561 = arith.shli %shift_left3A_560, %shift_left3A_558 : vector<16xi32>
        %swap3A_562 = arith.constant 2 : i32
        %swap3A_563 = arith.index_cast %swap3A_562 : i32 to index
        %swap3A_564 = arith.index_cast %mul3A_526 : i32 to index
        %swap3A_565 = tpu.vector_load %arg10[%swap3A_563, %swap3A_564] {strides = array<i32>} : memref<16x128xi32, #tpu.memory_space<vmem>>, vector<16xi32>,
        tpu.vector_store %arg10[%swap3A_563, %swap3A_564], %shift_left3A_561 {strides = array<i32>} : memref<16x128xi32, #tpu.memory_space<vmem>>, vector<16xi32>,
        %scan3A_566 = arith.constant 0 : i32
        scf.yield %scan3A_566 : i32
      }
      %scan3A_130 = arith.constant 8 : i32
      %dma_start3A_131 = arith.constant 2 : i32
      %dma_start3A_132 = arith.constant 2 : i32
      %dma_start3A_133 = arith.constant 0 : i32
      %dma_start3A_134 = tpu.memref_slice %arg10[%dma_start3A_131, %dma_start3A_133] : memref<16x128xi32, #tpu.memory_space<vmem>> -> memref<1x128xi32, #tpu.memory_space<vmem>>
      %dma_start3A_135 = tpu.memref_squeeze %dma_start3A_134 : memref<1x128xi32, #tpu.memory_space<vmem>> -> memref<128xi32, #tpu.memory_space<vmem>>
      %dma_start3A_136 = arith.constant 0 : i32
      %dma_start3A_137 = tpu.memref_slice %arg9[%dma_start3A_132, %dma_start3A_136] : memref<16x128xi32, #tpu.memory_space<vmem>> -> memref<1x128xi32, #tpu.memory_space<vmem>>
      %dma_start3A_138 = tpu.memref_squeeze %dma_start3A_137 : memref<1x128xi32, #tpu.memory_space<vmem>> -> memref<128xi32, #tpu.memory_space<vmem>>
      %dma_start3A_139 = arith.constant 0 : i32
      %dma_start3A_140 = tpu.memref_slice %arg13[%dma_start3A_139] : memref<1616416xi32, #tpu.memory_space<vmem_shared>> -> memref<1616416xi32, #tpu.memory_space<vmem_shared>>
      tpu.enqueue_indirect_dma source(%dma_start3A_135 : memref<128xi32, #tpu.memory_space<vmem>>) target(%dma_start3A_140 : memref<1616416xi32, #tpu.memory_space<vmem_shared>>) offsets(%dma_start3A_138 : memref<128xi32, #tpu.memory_space<vmem>>) semaphore(%arg15 : memref<!tpu.dma_semaphore, #tpu.memory_space<semaphore_mem>>) {add = true}
      %scan3A_141 = arith.constant 0 : i32
      %scan3A_142 = arith.constant 0 : i32
      %scan3A_143 = arith.constant 8 : i32
      %scan3A_144 = arith.addi %scan3A_142, %scan3A_143 : i32
      %scan3A_145 = arith.constant 1 : i32
      %scan3A_146 = scf.for %scan3A_523 = %scan3A_142 to %scan3A_144 step %scan3A_145 iter_args(%scan3A_524 = %scan3A_141) -> (i32)  : i32 {
        %mul3A_525 = arith.constant 16 : i32
        %mul3A_526 = arith.muli %scan3A_523, %mul3A_525 : i32
        %get3A = arith.constant 3 : i32
        %get3A_527 = arith.index_cast %get3A : i32 to index
        %get3A_528 = arith.index_cast %mul3A_526 : i32 to index
        %get3A_529 = tpu.vector_load %arg6[%get3A_527, %get3A_528] {strides = array<i32>} : memref<16x128xi32, #tpu.memory_space<vmem>>, vector<16xi32>,
        %get3A_530 = arith.constant 3 : i32
        %get3A_531 = arith.index_cast %get3A_530 : i32 to index
        %get3A_532 = arith.index_cast %mul3A_526 : i32 to index
        %get3A_533 = tpu.vector_load %arg7[%get3A_531, %get3A_532] {strides = array<i32>} : memref<16x128xi32, #tpu.memory_space<vmem>>, vector<16xi32>,
        %shift_right_arithmetic3A = arith.constant 2 : i32
        %shift_right_arithmetic3A_534 = vector.broadcast %shift_right_arithmetic3A : i32 to vector<16xi32>
        %shift_right_arithmetic3A_535 = arith.shrsi %get3A_529, %shift_right_arithmetic3A_534 : vector<16xi32>
        %gather3A = tpu.vector_load_idx %arg8[%shift_right_arithmetic3A_535] : memref<12500xi32, #tpu.memory_space<vmem>>[vector<16xi32>], vector<16xi32>,
        %and3A = arith.constant 3 : i32
        %and3A_536 = vector.broadcast %and3A : i32 to vector<16xi32>
        %and3A_537 = arith.andi %get3A_529, %and3A_536 : vector<16xi32>
        %shift_left3A = arith.constant 3 : i32
        %shift_left3A_538 = vector.broadcast %shift_left3A : i32 to vector<16xi32>
        %shift_left3A_539 = arith.shli %and3A_537, %shift_left3A_538 : vector<16xi32>
        %shift_right_logical3A = arith.shrui %gather3A, %shift_left3A_539 : vector<16xi32>
        %and3A_540 = arith.constant 255 : i32
        %and3A_541 = vector.broadcast %and3A_540 : i32 to vector<16xi32>
        %and3A_542 = arith.andi %shift_right_logical3A, %and3A_541 : vector<16xi32>
        %shift_left3A_543 = arith.constant 5 : i32
        %shift_left3A_544 = vector.broadcast %shift_left3A_543 : i32 to vector<16xi32>
        %shift_left3A_545 = arith.shli %get3A_533, %shift_left3A_544 : vector<16xi32>
        %shift_right_arithmetic3A_546 = arith.constant 2 : i32
        %shift_right_arithmetic3A_547 = vector.broadcast %shift_right_arithmetic3A_546 : i32 to vector<16xi32>
        %shift_right_arithmetic3A_548 = arith.shrsi %and3A_542, %shift_right_arithmetic3A_547 : vector<16xi32>
        %add3A_549 = arith.addi %shift_left3A_545, %shift_right_arithmetic3A_548 : vector<16xi32>
        %swap3A = arith.constant 3 : i32
        %swap3A_550 = arith.index_cast %swap3A : i32 to index
        %swap3A_551 = arith.index_cast %mul3A_526 : i32 to index
        %swap3A_552 = tpu.vector_load %arg9[%swap3A_550, %swap3A_551] {strides = array<i32>} : memref<16x128xi32, #tpu.memory_space<vmem>>, vector<16xi32>,
        tpu.vector_store %arg9[%swap3A_550, %swap3A_551], %add3A_549 {strides = array<i32>} : memref<16x128xi32, #tpu.memory_space<vmem>>, vector<16xi32>,
        %and3A_553 = arith.constant 3 : i32
        %and3A_554 = vector.broadcast %and3A_553 : i32 to vector<16xi32>
        %and3A_555 = arith.andi %and3A_542, %and3A_554 : vector<16xi32>
        %shift_left3A_556 = arith.constant 3 : i32
        %shift_left3A_557 = vector.broadcast %shift_left3A_556 : i32 to vector<16xi32>
        %shift_left3A_558 = arith.shli %and3A_555, %shift_left3A_557 : vector<16xi32>
        %shift_left3A_559 = arith.constant 1 : i32
        %shift_left3A_560 = vector.broadcast %shift_left3A_559 : i32 to vector<16xi32>
        %shift_left3A_561 = arith.shli %shift_left3A_560, %shift_left3A_558 : vector<16xi32>
        %swap3A_562 = arith.constant 3 : i32
        %swap3A_563 = arith.index_cast %swap3A_562 : i32 to index
        %swap3A_564 = arith.index_cast %mul3A_526 : i32 to index
        %swap3A_565 = tpu.vector_load %arg10[%swap3A_563, %swap3A_564] {strides = array<i32>} : memref<16x128xi32, #tpu.memory_space<vmem>>, vector<16xi32>,
        tpu.vector_store %arg10[%swap3A_563, %swap3A_564], %shift_left3A_561 {strides = array<i32>} : memref<16x128xi32, #tpu.memory_space<vmem>>, vector<16xi32>,
        %scan3A_566 = arith.constant 0 : i32
        scf.yield %scan3A_566 : i32
      }
      %scan3A_147 = arith.constant 8 : i32
      %dma_start3A_148 = arith.constant 3 : i32
      %dma_start3A_149 = arith.constant 3 : i32
      %dma_start3A_150 = arith.constant 0 : i32
      %dma_start3A_151 = tpu.memref_slice %arg10[%dma_start3A_148, %dma_start3A_150] : memref<16x128xi32, #tpu.memory_space<vmem>> -> memref<1x128xi32, #tpu.memory_space<vmem>>
      %dma_start3A_152 = tpu.memref_squeeze %dma_start3A_151 : memref<1x128xi32, #tpu.memory_space<vmem>> -> memref<128xi32, #tpu.memory_space<vmem>>
      %dma_start3A_153 = arith.constant 0 : i32
      %dma_start3A_154 = tpu.memref_slice %arg9[%dma_start3A_149, %dma_start3A_153] : memref<16x128xi32, #tpu.memory_space<vmem>> -> memref<1x128xi32, #tpu.memory_space<vmem>>
      %dma_start3A_155 = tpu.memref_squeeze %dma_start3A_154 : memref<1x128xi32, #tpu.memory_space<vmem>> -> memref<128xi32, #tpu.memory_space<vmem>>
      %dma_start3A_156 = arith.constant 0 : i32
      %dma_start3A_157 = tpu.memref_slice %arg13[%dma_start3A_156] : memref<1616416xi32, #tpu.memory_space<vmem_shared>> -> memref<1616416xi32, #tpu.memory_space<vmem_shared>>
      tpu.enqueue_indirect_dma source(%dma_start3A_152 : memref<128xi32, #tpu.memory_space<vmem>>) target(%dma_start3A_157 : memref<1616416xi32, #tpu.memory_space<vmem_shared>>) offsets(%dma_start3A_155 : memref<128xi32, #tpu.memory_space<vmem>>) semaphore(%arg15 : memref<!tpu.dma_semaphore, #tpu.memory_space<semaphore_mem>>) {add = true}
      %scan3A_158 = arith.constant 0 : i32
      %scan3A_159 = arith.constant 0 : i32
      %scan3A_160 = arith.constant 8 : i32
      %scan3A_161 = arith.addi %scan3A_159, %scan3A_160 : i32
      %scan3A_162 = arith.constant 1 : i32
      %scan3A_163 = scf.for %scan3A_523 = %scan3A_159 to %scan3A_161 step %scan3A_162 iter_args(%scan3A_524 = %scan3A_158) -> (i32)  : i32 {
        %mul3A_525 = arith.constant 16 : i32
        %mul3A_526 = arith.muli %scan3A_523, %mul3A_525 : i32
        %get3A = arith.constant 4 : i32
        %get3A_527 = arith.index_cast %get3A : i32 to index
        %get3A_528 = arith.index_cast %mul3A_526 : i32 to index
        %get3A_529 = tpu.vector_load %arg6[%get3A_527, %get3A_528] {strides = array<i32>} : memref<16x128xi32, #tpu.memory_space<vmem>>, vector<16xi32>,
        %get3A_530 = arith.constant 4 : i32
        %get3A_531 = arith.index_cast %get3A_530 : i32 to index
        %get3A_532 = arith.index_cast %mul3A_526 : i32 to index
        %get3A_533 = tpu.vector_load %arg7[%get3A_531, %get3A_532] {strides = array<i32>} : memref<16x128xi32, #tpu.memory_space<vmem>>, vector<16xi32>,
        %shift_right_arithmetic3A = arith.constant 2 : i32
        %shift_right_arithmetic3A_534 = vector.broadcast %shift_right_arithmetic3A : i32 to vector<16xi32>
        %shift_right_arithmetic3A_535 = arith.shrsi %get3A_529, %shift_right_arithmetic3A_534 : vector<16xi32>
        %gather3A = tpu.vector_load_idx %arg8[%shift_right_arithmetic3A_535] : memref<12500xi32, #tpu.memory_space<vmem>>[vector<16xi32>], vector<16xi32>,
        %and3A = arith.constant 3 : i32
        %and3A_536 = vector.broadcast %and3A : i32 to vector<16xi32>
        %and3A_537 = arith.andi %get3A_529, %and3A_536 : vector<16xi32>
        %shift_left3A = arith.constant 3 : i32
        %shift_left3A_538 = vector.broadcast %shift_left3A : i32 to vector<16xi32>
        %shift_left3A_539 = arith.shli %and3A_537, %shift_left3A_538 : vector<16xi32>
        %shift_right_logical3A = arith.shrui %gather3A, %shift_left3A_539 : vector<16xi32>
        %and3A_540 = arith.constant 255 : i32
        %and3A_541 = vector.broadcast %and3A_540 : i32 to vector<16xi32>
        %and3A_542 = arith.andi %shift_right_logical3A, %and3A_541 : vector<16xi32>
        %shift_left3A_543 = arith.constant 5 : i32
        %shift_left3A_544 = vector.broadcast %shift_left3A_543 : i32 to vector<16xi32>
        %shift_left3A_545 = arith.shli %get3A_533, %shift_left3A_544 : vector<16xi32>
        %shift_right_arithmetic3A_546 = arith.constant 2 : i32
        %shift_right_arithmetic3A_547 = vector.broadcast %shift_right_arithmetic3A_546 : i32 to vector<16xi32>
        %shift_right_arithmetic3A_548 = arith.shrsi %and3A_542, %shift_right_arithmetic3A_547 : vector<16xi32>
        %add3A_549 = arith.addi %shift_left3A_545, %shift_right_arithmetic3A_548 : vector<16xi32>
        %swap3A = arith.constant 4 : i32
        %swap3A_550 = arith.index_cast %swap3A : i32 to index
        %swap3A_551 = arith.index_cast %mul3A_526 : i32 to index
        %swap3A_552 = tpu.vector_load %arg9[%swap3A_550, %swap3A_551] {strides = array<i32>} : memref<16x128xi32, #tpu.memory_space<vmem>>, vector<16xi32>,
        tpu.vector_store %arg9[%swap3A_550, %swap3A_551], %add3A_549 {strides = array<i32>} : memref<16x128xi32, #tpu.memory_space<vmem>>, vector<16xi32>,
        %and3A_553 = arith.constant 3 : i32
        %and3A_554 = vector.broadcast %and3A_553 : i32 to vector<16xi32>
        %and3A_555 = arith.andi %and3A_542, %and3A_554 : vector<16xi32>
        %shift_left3A_556 = arith.constant 3 : i32
        %shift_left3A_557 = vector.broadcast %shift_left3A_556 : i32 to vector<16xi32>
        %shift_left3A_558 = arith.shli %and3A_555, %shift_left3A_557 : vector<16xi32>
        %shift_left3A_559 = arith.constant 1 : i32
        %shift_left3A_560 = vector.broadcast %shift_left3A_559 : i32 to vector<16xi32>
        %shift_left3A_561 = arith.shli %shift_left3A_560, %shift_left3A_558 : vector<16xi32>
        %swap3A_562 = arith.constant 4 : i32
        %swap3A_563 = arith.index_cast %swap3A_562 : i32 to index
        %swap3A_564 = arith.index_cast %mul3A_526 : i32 to index
        %swap3A_565 = tpu.vector_load %arg10[%swap3A_563, %swap3A_564] {strides = array<i32>} : memref<16x128xi32, #tpu.memory_space<vmem>>, vector<16xi32>,
        tpu.vector_store %arg10[%swap3A_563, %swap3A_564], %shift_left3A_561 {strides = array<i32>} : memref<16x128xi32, #tpu.memory_space<vmem>>, vector<16xi32>,
        %scan3A_566 = arith.constant 0 : i32
        scf.yield %scan3A_566 : i32
      }
      %scan3A_164 = arith.constant 8 : i32
      %dma_start3A_165 = arith.constant 4 : i32
      %dma_start3A_166 = arith.constant 4 : i32
      %dma_start3A_167 = arith.constant 0 : i32
      %dma_start3A_168 = tpu.memref_slice %arg10[%dma_start3A_165, %dma_start3A_167] : memref<16x128xi32, #tpu.memory_space<vmem>> -> memref<1x128xi32, #tpu.memory_space<vmem>>
      %dma_start3A_169 = tpu.memref_squeeze %dma_start3A_168 : memref<1x128xi32, #tpu.memory_space<vmem>> -> memref<128xi32, #tpu.memory_space<vmem>>
      %dma_start3A_170 = arith.constant 0 : i32
      %dma_start3A_171 = tpu.memref_slice %arg9[%dma_start3A_166, %dma_start3A_170] : memref<16x128xi32, #tpu.memory_space<vmem>> -> memref<1x128xi32, #tpu.memory_space<vmem>>
      %dma_start3A_172 = tpu.memref_squeeze %dma_start3A_171 : memref<1x128xi32, #tpu.memory_space<vmem>> -> memref<128xi32, #tpu.memory_space<vmem>>
      %dma_start3A_173 = arith.constant 0 : i32
      %dma_start3A_174 = tpu.memref_slice %arg13[%dma_start3A_173] : memref<1616416xi32, #tpu.memory_space<vmem_shared>> -> memref<1616416xi32, #tpu.memory_space<vmem_shared>>
      tpu.enqueue_indirect_dma source(%dma_start3A_169 : memref<128xi32, #tpu.memory_space<vmem>>) target(%dma_start3A_174 : memref<1616416xi32, #tpu.memory_space<vmem_shared>>) offsets(%dma_start3A_172 : memref<128xi32, #tpu.memory_space<vmem>>) semaphore(%arg15 : memref<!tpu.dma_semaphore, #tpu.memory_space<semaphore_mem>>) {add = true}
      %scan3A_175 = arith.constant 0 : i32
      %scan3A_176 = arith.constant 0 : i32
      %scan3A_177 = arith.constant 8 : i32
      %scan3A_178 = arith.addi %scan3A_176, %scan3A_177 : i32
      %scan3A_179 = arith.constant 1 : i32
      %scan3A_180 = scf.for %scan3A_523 = %scan3A_176 to %scan3A_178 step %scan3A_179 iter_args(%scan3A_524 = %scan3A_175) -> (i32)  : i32 {
        %mul3A_525 = arith.constant 16 : i32
        %mul3A_526 = arith.muli %scan3A_523, %mul3A_525 : i32
        %get3A = arith.constant 5 : i32
        %get3A_527 = arith.index_cast %get3A : i32 to index
        %get3A_528 = arith.index_cast %mul3A_526 : i32 to index
        %get3A_529 = tpu.vector_load %arg6[%get3A_527, %get3A_528] {strides = array<i32>} : memref<16x128xi32, #tpu.memory_space<vmem>>, vector<16xi32>,
        %get3A_530 = arith.constant 5 : i32
        %get3A_531 = arith.index_cast %get3A_530 : i32 to index
        %get3A_532 = arith.index_cast %mul3A_526 : i32 to index
        %get3A_533 = tpu.vector_load %arg7[%get3A_531, %get3A_532] {strides = array<i32>} : memref<16x128xi32, #tpu.memory_space<vmem>>, vector<16xi32>,
        %shift_right_arithmetic3A = arith.constant 2 : i32
        %shift_right_arithmetic3A_534 = vector.broadcast %shift_right_arithmetic3A : i32 to vector<16xi32>
        %shift_right_arithmetic3A_535 = arith.shrsi %get3A_529, %shift_right_arithmetic3A_534 : vector<16xi32>
        %gather3A = tpu.vector_load_idx %arg8[%shift_right_arithmetic3A_535] : memref<12500xi32, #tpu.memory_space<vmem>>[vector<16xi32>], vector<16xi32>,
        %and3A = arith.constant 3 : i32
        %and3A_536 = vector.broadcast %and3A : i32 to vector<16xi32>
        %and3A_537 = arith.andi %get3A_529, %and3A_536 : vector<16xi32>
        %shift_left3A = arith.constant 3 : i32
        %shift_left3A_538 = vector.broadcast %shift_left3A : i32 to vector<16xi32>
        %shift_left3A_539 = arith.shli %and3A_537, %shift_left3A_538 : vector<16xi32>
        %shift_right_logical3A = arith.shrui %gather3A, %shift_left3A_539 : vector<16xi32>
        %and3A_540 = arith.constant 255 : i32
        %and3A_541 = vector.broadcast %and3A_540 : i32 to vector<16xi32>
        %and3A_542 = arith.andi %shift_right_logical3A, %and3A_541 : vector<16xi32>
        %shift_left3A_543 = arith.constant 5 : i32
        %shift_left3A_544 = vector.broadcast %shift_left3A_543 : i32 to vector<16xi32>
        %shift_left3A_545 = arith.shli %get3A_533, %shift_left3A_544 : vector<16xi32>
        %shift_right_arithmetic3A_546 = arith.constant 2 : i32
        %shift_right_arithmetic3A_547 = vector.broadcast %shift_right_arithmetic3A_546 : i32 to vector<16xi32>
        %shift_right_arithmetic3A_548 = arith.shrsi %and3A_542, %shift_right_arithmetic3A_547 : vector<16xi32>
        %add3A_549 = arith.addi %shift_left3A_545, %shift_right_arithmetic3A_548 : vector<16xi32>
        %swap3A = arith.constant 5 : i32
        %swap3A_550 = arith.index_cast %swap3A : i32 to index
        %swap3A_551 = arith.index_cast %mul3A_526 : i32 to index
        %swap3A_552 = tpu.vector_load %arg9[%swap3A_550, %swap3A_551] {strides = array<i32>} : memref<16x128xi32, #tpu.memory_space<vmem>>, vector<16xi32>,
        tpu.vector_store %arg9[%swap3A_550, %swap3A_551], %add3A_549 {strides = array<i32>} : memref<16x128xi32, #tpu.memory_space<vmem>>, vector<16xi32>,
        %and3A_553 = arith.constant 3 : i32
        %and3A_554 = vector.broadcast %and3A_553 : i32 to vector<16xi32>
        %and3A_555 = arith.andi %and3A_542, %and3A_554 : vector<16xi32>
        %shift_left3A_556 = arith.constant 3 : i32
        %shift_left3A_557 = vector.broadcast %shift_left3A_556 : i32 to vector<16xi32>
        %shift_left3A_558 = arith.shli %and3A_555, %shift_left3A_557 : vector<16xi32>
        %shift_left3A_559 = arith.constant 1 : i32
        %shift_left3A_560 = vector.broadcast %shift_left3A_559 : i32 to vector<16xi32>
        %shift_left3A_561 = arith.shli %shift_left3A_560, %shift_left3A_558 : vector<16xi32>
        %swap3A_562 = arith.constant 5 : i32
        %swap3A_563 = arith.index_cast %swap3A_562 : i32 to index
        %swap3A_564 = arith.index_cast %mul3A_526 : i32 to index
        %swap3A_565 = tpu.vector_load %arg10[%swap3A_563, %swap3A_564] {strides = array<i32>} : memref<16x128xi32, #tpu.memory_space<vmem>>, vector<16xi32>,
        tpu.vector_store %arg10[%swap3A_563, %swap3A_564], %shift_left3A_561 {strides = array<i32>} : memref<16x128xi32, #tpu.memory_space<vmem>>, vector<16xi32>,
        %scan3A_566 = arith.constant 0 : i32
        scf.yield %scan3A_566 : i32
      }
      %scan3A_181 = arith.constant 8 : i32
      %dma_start3A_182 = arith.constant 5 : i32
      %dma_start3A_183 = arith.constant 5 : i32
      %dma_start3A_184 = arith.constant 0 : i32
      %dma_start3A_185 = tpu.memref_slice %arg10[%dma_start3A_182, %dma_start3A_184] : memref<16x128xi32, #tpu.memory_space<vmem>> -> memref<1x128xi32, #tpu.memory_space<vmem>>
      %dma_start3A_186 = tpu.memref_squeeze %dma_start3A_185 : memref<1x128xi32, #tpu.memory_space<vmem>> -> memref<128xi32, #tpu.memory_space<vmem>>
      %dma_start3A_187 = arith.constant 0 : i32
      %dma_start3A_188 = tpu.memref_slice %arg9[%dma_start3A_183, %dma_start3A_187] : memref<16x128xi32, #tpu.memory_space<vmem>> -> memref<1x128xi32, #tpu.memory_space<vmem>>
      %dma_start3A_189 = tpu.memref_squeeze %dma_start3A_188 : memref<1x128xi32, #tpu.memory_space<vmem>> -> memref<128xi32, #tpu.memory_space<vmem>>
      %dma_start3A_190 = arith.constant 0 : i32
      %dma_start3A_191 = tpu.memref_slice %arg13[%dma_start3A_190] : memref<1616416xi32, #tpu.memory_space<vmem_shared>> -> memref<1616416xi32, #tpu.memory_space<vmem_shared>>
      tpu.enqueue_indirect_dma source(%dma_start3A_186 : memref<128xi32, #tpu.memory_space<vmem>>) target(%dma_start3A_191 : memref<1616416xi32, #tpu.memory_space<vmem_shared>>) offsets(%dma_start3A_189 : memref<128xi32, #tpu.memory_space<vmem>>) semaphore(%arg15 : memref<!tpu.dma_semaphore, #tpu.memory_space<semaphore_mem>>) {add = true}
      %scan3A_192 = arith.constant 0 : i32
      %scan3A_193 = arith.constant 0 : i32
      %scan3A_194 = arith.constant 8 : i32
      %scan3A_195 = arith.addi %scan3A_193, %scan3A_194 : i32
      %scan3A_196 = arith.constant 1 : i32
      %scan3A_197 = scf.for %scan3A_523 = %scan3A_193 to %scan3A_195 step %scan3A_196 iter_args(%scan3A_524 = %scan3A_192) -> (i32)  : i32 {
        %mul3A_525 = arith.constant 16 : i32
        %mul3A_526 = arith.muli %scan3A_523, %mul3A_525 : i32
        %get3A = arith.constant 6 : i32
        %get3A_527 = arith.index_cast %get3A : i32 to index
        %get3A_528 = arith.index_cast %mul3A_526 : i32 to index
        %get3A_529 = tpu.vector_load %arg6[%get3A_527, %get3A_528] {strides = array<i32>} : memref<16x128xi32, #tpu.memory_space<vmem>>, vector<16xi32>,
        %get3A_530 = arith.constant 6 : i32
        %get3A_531 = arith.index_cast %get3A_530 : i32 to index
        %get3A_532 = arith.index_cast %mul3A_526 : i32 to index
        %get3A_533 = tpu.vector_load %arg7[%get3A_531, %get3A_532] {strides = array<i32>} : memref<16x128xi32, #tpu.memory_space<vmem>>, vector<16xi32>,
        %shift_right_arithmetic3A = arith.constant 2 : i32
        %shift_right_arithmetic3A_534 = vector.broadcast %shift_right_arithmetic3A : i32 to vector<16xi32>
        %shift_right_arithmetic3A_535 = arith.shrsi %get3A_529, %shift_right_arithmetic3A_534 : vector<16xi32>
        %gather3A = tpu.vector_load_idx %arg8[%shift_right_arithmetic3A_535] : memref<12500xi32, #tpu.memory_space<vmem>>[vector<16xi32>], vector<16xi32>,
        %and3A = arith.constant 3 : i32
        %and3A_536 = vector.broadcast %and3A : i32 to vector<16xi32>
        %and3A_537 = arith.andi %get3A_529, %and3A_536 : vector<16xi32>
        %shift_left3A = arith.constant 3 : i32
        %shift_left3A_538 = vector.broadcast %shift_left3A : i32 to vector<16xi32>
        %shift_left3A_539 = arith.shli %and3A_537, %shift_left3A_538 : vector<16xi32>
        %shift_right_logical3A = arith.shrui %gather3A, %shift_left3A_539 : vector<16xi32>
        %and3A_540 = arith.constant 255 : i32
        %and3A_541 = vector.broadcast %and3A_540 : i32 to vector<16xi32>
        %and3A_542 = arith.andi %shift_right_logical3A, %and3A_541 : vector<16xi32>
        %shift_left3A_543 = arith.constant 5 : i32
        %shift_left3A_544 = vector.broadcast %shift_left3A_543 : i32 to vector<16xi32>
        %shift_left3A_545 = arith.shli %get3A_533, %shift_left3A_544 : vector<16xi32>
        %shift_right_arithmetic3A_546 = arith.constant 2 : i32
        %shift_right_arithmetic3A_547 = vector.broadcast %shift_right_arithmetic3A_546 : i32 to vector<16xi32>
        %shift_right_arithmetic3A_548 = arith.shrsi %and3A_542, %shift_right_arithmetic3A_547 : vector<16xi32>
        %add3A_549 = arith.addi %shift_left3A_545, %shift_right_arithmetic3A_548 : vector<16xi32>
        %swap3A = arith.constant 6 : i32
        %swap3A_550 = arith.index_cast %swap3A : i32 to index
        %swap3A_551 = arith.index_cast %mul3A_526 : i32 to index
        %swap3A_552 = tpu.vector_load %arg9[%swap3A_550, %swap3A_551] {strides = array<i32>} : memref<16x128xi32, #tpu.memory_space<vmem>>, vector<16xi32>,
        tpu.vector_store %arg9[%swap3A_550, %swap3A_551], %add3A_549 {strides = array<i32>} : memref<16x128xi32, #tpu.memory_space<vmem>>, vector<16xi32>,
        %and3A_553 = arith.constant 3 : i32
        %and3A_554 = vector.broadcast %and3A_553 : i32 to vector<16xi32>
        %and3A_555 = arith.andi %and3A_542, %and3A_554 : vector<16xi32>
        %shift_left3A_556 = arith.constant 3 : i32
        %shift_left3A_557 = vector.broadcast %shift_left3A_556 : i32 to vector<16xi32>
        %shift_left3A_558 = arith.shli %and3A_555, %shift_left3A_557 : vector<16xi32>
        %shift_left3A_559 = arith.constant 1 : i32
        %shift_left3A_560 = vector.broadcast %shift_left3A_559 : i32 to vector<16xi32>
        %shift_left3A_561 = arith.shli %shift_left3A_560, %shift_left3A_558 : vector<16xi32>
        %swap3A_562 = arith.constant 6 : i32
        %swap3A_563 = arith.index_cast %swap3A_562 : i32 to index
        %swap3A_564 = arith.index_cast %mul3A_526 : i32 to index
        %swap3A_565 = tpu.vector_load %arg10[%swap3A_563, %swap3A_564] {strides = array<i32>} : memref<16x128xi32, #tpu.memory_space<vmem>>, vector<16xi32>,
        tpu.vector_store %arg10[%swap3A_563, %swap3A_564], %shift_left3A_561 {strides = array<i32>} : memref<16x128xi32, #tpu.memory_space<vmem>>, vector<16xi32>,
        %scan3A_566 = arith.constant 0 : i32
        scf.yield %scan3A_566 : i32
      }
      %scan3A_198 = arith.constant 8 : i32
      %dma_start3A_199 = arith.constant 6 : i32
      %dma_start3A_200 = arith.constant 6 : i32
      %dma_start3A_201 = arith.constant 0 : i32
      %dma_start3A_202 = tpu.memref_slice %arg10[%dma_start3A_199, %dma_start3A_201] : memref<16x128xi32, #tpu.memory_space<vmem>> -> memref<1x128xi32, #tpu.memory_space<vmem>>
      %dma_start3A_203 = tpu.memref_squeeze %dma_start3A_202 : memref<1x128xi32, #tpu.memory_space<vmem>> -> memref<128xi32, #tpu.memory_space<vmem>>
      %dma_start3A_204 = arith.constant 0 : i32
      %dma_start3A_205 = tpu.memref_slice %arg9[%dma_start3A_200, %dma_start3A_204] : memref<16x128xi32, #tpu.memory_space<vmem>> -> memref<1x128xi32, #tpu.memory_space<vmem>>
      %dma_start3A_206 = tpu.memref_squeeze %dma_start3A_205 : memref<1x128xi32, #tpu.memory_space<vmem>> -> memref<128xi32, #tpu.memory_space<vmem>>
      %dma_start3A_207 = arith.constant 0 : i32
      %dma_start3A_208 = tpu.memref_slice %arg13[%dma_start3A_207] : memref<1616416xi32, #tpu.memory_space<vmem_shared>> -> memref<1616416xi32, #tpu.memory_space<vmem_shared>>
      tpu.enqueue_indirect_dma source(%dma_start3A_203 : memref<128xi32, #tpu.memory_space<vmem>>) target(%dma_start3A_208 : memref<1616416xi32, #tpu.memory_space<vmem_shared>>) offsets(%dma_start3A_206 : memref<128xi32, #tpu.memory_space<vmem>>) semaphore(%arg15 : memref<!tpu.dma_semaphore, #tpu.memory_space<semaphore_mem>>) {add = true}
      %scan3A_209 = arith.constant 0 : i32
      %scan3A_210 = arith.constant 0 : i32
      %scan3A_211 = arith.constant 8 : i32
      %scan3A_212 = arith.addi %scan3A_210, %scan3A_211 : i32
      %scan3A_213 = arith.constant 1 : i32
      %scan3A_214 = scf.for %scan3A_523 = %scan3A_210 to %scan3A_212 step %scan3A_213 iter_args(%scan3A_524 = %scan3A_209) -> (i32)  : i32 {
        %mul3A_525 = arith.constant 16 : i32
        %mul3A_526 = arith.muli %scan3A_523, %mul3A_525 : i32
        %get3A = arith.constant 7 : i32
        %get3A_527 = arith.index_cast %get3A : i32 to index
        %get3A_528 = arith.index_cast %mul3A_526 : i32 to index
        %get3A_529 = tpu.vector_load %arg6[%get3A_527, %get3A_528] {strides = array<i32>} : memref<16x128xi32, #tpu.memory_space<vmem>>, vector<16xi32>,
        %get3A_530 = arith.constant 7 : i32
        %get3A_531 = arith.index_cast %get3A_530 : i32 to index
        %get3A_532 = arith.index_cast %mul3A_526 : i32 to index
        %get3A_533 = tpu.vector_load %arg7[%get3A_531, %get3A_532] {strides = array<i32>} : memref<16x128xi32, #tpu.memory_space<vmem>>, vector<16xi32>,
        %shift_right_arithmetic3A = arith.constant 2 : i32
        %shift_right_arithmetic3A_534 = vector.broadcast %shift_right_arithmetic3A : i32 to vector<16xi32>
        %shift_right_arithmetic3A_535 = arith.shrsi %get3A_529, %shift_right_arithmetic3A_534 : vector<16xi32>
        %gather3A = tpu.vector_load_idx %arg8[%shift_right_arithmetic3A_535] : memref<12500xi32, #tpu.memory_space<vmem>>[vector<16xi32>], vector<16xi32>,
        %and3A = arith.constant 3 : i32
        %and3A_536 = vector.broadcast %and3A : i32 to vector<16xi32>
        %and3A_537 = arith.andi %get3A_529, %and3A_536 : vector<16xi32>
        %shift_left3A = arith.constant 3 : i32
        %shift_left3A_538 = vector.broadcast %shift_left3A : i32 to vector<16xi32>
        %shift_left3A_539 = arith.shli %and3A_537, %shift_left3A_538 : vector<16xi32>
        %shift_right_logical3A = arith.shrui %gather3A, %shift_left3A_539 : vector<16xi32>
        %and3A_540 = arith.constant 255 : i32
        %and3A_541 = vector.broadcast %and3A_540 : i32 to vector<16xi32>
        %and3A_542 = arith.andi %shift_right_logical3A, %and3A_541 : vector<16xi32>
        %shift_left3A_543 = arith.constant 5 : i32
        %shift_left3A_544 = vector.broadcast %shift_left3A_543 : i32 to vector<16xi32>
        %shift_left3A_545 = arith.shli %get3A_533, %shift_left3A_544 : vector<16xi32>
        %shift_right_arithmetic3A_546 = arith.constant 2 : i32
        %shift_right_arithmetic3A_547 = vector.broadcast %shift_right_arithmetic3A_546 : i32 to vector<16xi32>
        %shift_right_arithmetic3A_548 = arith.shrsi %and3A_542, %shift_right_arithmetic3A_547 : vector<16xi32>
        %add3A_549 = arith.addi %shift_left3A_545, %shift_right_arithmetic3A_548 : vector<16xi32>
        %swap3A = arith.constant 7 : i32
        %swap3A_550 = arith.index_cast %swap3A : i32 to index
        %swap3A_551 = arith.index_cast %mul3A_526 : i32 to index
        %swap3A_552 = tpu.vector_load %arg9[%swap3A_550, %swap3A_551] {strides = array<i32>} : memref<16x128xi32, #tpu.memory_space<vmem>>, vector<16xi32>,
        tpu.vector_store %arg9[%swap3A_550, %swap3A_551], %add3A_549 {strides = array<i32>} : memref<16x128xi32, #tpu.memory_space<vmem>>, vector<16xi32>,
        %and3A_553 = arith.constant 3 : i32
        %and3A_554 = vector.broadcast %and3A_553 : i32 to vector<16xi32>
        %and3A_555 = arith.andi %and3A_542, %and3A_554 : vector<16xi32>
        %shift_left3A_556 = arith.constant 3 : i32
        %shift_left3A_557 = vector.broadcast %shift_left3A_556 : i32 to vector<16xi32>
        %shift_left3A_558 = arith.shli %and3A_555, %shift_left3A_557 : vector<16xi32>
        %shift_left3A_559 = arith.constant 1 : i32
        %shift_left3A_560 = vector.broadcast %shift_left3A_559 : i32 to vector<16xi32>
        %shift_left3A_561 = arith.shli %shift_left3A_560, %shift_left3A_558 : vector<16xi32>
        %swap3A_562 = arith.constant 7 : i32
        %swap3A_563 = arith.index_cast %swap3A_562 : i32 to index
        %swap3A_564 = arith.index_cast %mul3A_526 : i32 to index
        %swap3A_565 = tpu.vector_load %arg10[%swap3A_563, %swap3A_564] {strides = array<i32>} : memref<16x128xi32, #tpu.memory_space<vmem>>, vector<16xi32>,
        tpu.vector_store %arg10[%swap3A_563, %swap3A_564], %shift_left3A_561 {strides = array<i32>} : memref<16x128xi32, #tpu.memory_space<vmem>>, vector<16xi32>,
        %scan3A_566 = arith.constant 0 : i32
        scf.yield %scan3A_566 : i32
      }
      %scan3A_215 = arith.constant 8 : i32
      %dma_start3A_216 = arith.constant 7 : i32
      %dma_start3A_217 = arith.constant 7 : i32
      %dma_start3A_218 = arith.constant 0 : i32
      %dma_start3A_219 = tpu.memref_slice %arg10[%dma_start3A_216, %dma_start3A_218] : memref<16x128xi32, #tpu.memory_space<vmem>> -> memref<1x128xi32, #tpu.memory_space<vmem>>
      %dma_start3A_220 = tpu.memref_squeeze %dma_start3A_219 : memref<1x128xi32, #tpu.memory_space<vmem>> -> memref<128xi32, #tpu.memory_space<vmem>>
      %dma_start3A_221 = arith.constant 0 : i32
      %dma_start3A_222 = tpu.memref_slice %arg9[%dma_start3A_217, %dma_start3A_221] : memref<16x128xi32, #tpu.memory_space<vmem>> -> memref<1x128xi32, #tpu.memory_space<vmem>>
      %dma_start3A_223 = tpu.memref_squeeze %dma_start3A_222 : memref<1x128xi32, #tpu.memory_space<vmem>> -> memref<128xi32, #tpu.memory_space<vmem>>
      %dma_start3A_224 = arith.constant 0 : i32
      %dma_start3A_225 = tpu.memref_slice %arg13[%dma_start3A_224] : memref<1616416xi32, #tpu.memory_space<vmem_shared>> -> memref<1616416xi32, #tpu.memory_space<vmem_shared>>
      tpu.enqueue_indirect_dma source(%dma_start3A_220 : memref<128xi32, #tpu.memory_space<vmem>>) target(%dma_start3A_225 : memref<1616416xi32, #tpu.memory_space<vmem_shared>>) offsets(%dma_start3A_223 : memref<128xi32, #tpu.memory_space<vmem>>) semaphore(%arg15 : memref<!tpu.dma_semaphore, #tpu.memory_space<semaphore_mem>>) {add = true}
      %scan3A_226 = arith.constant 0 : i32
      %scan3A_227 = arith.constant 0 : i32
      %scan3A_228 = arith.constant 8 : i32
      %scan3A_229 = arith.addi %scan3A_227, %scan3A_228 : i32
      %scan3A_230 = arith.constant 1 : i32
      %scan3A_231 = scf.for %scan3A_523 = %scan3A_227 to %scan3A_229 step %scan3A_230 iter_args(%scan3A_524 = %scan3A_226) -> (i32)  : i32 {
        %mul3A_525 = arith.constant 16 : i32
        %mul3A_526 = arith.muli %scan3A_523, %mul3A_525 : i32
        %get3A = arith.constant 8 : i32
        %get3A_527 = arith.index_cast %get3A : i32 to index
        %get3A_528 = arith.index_cast %mul3A_526 : i32 to index
        %get3A_529 = tpu.vector_load %arg6[%get3A_527, %get3A_528] {strides = array<i32>} : memref<16x128xi32, #tpu.memory_space<vmem>>, vector<16xi32>,
        %get3A_530 = arith.constant 8 : i32
        %get3A_531 = arith.index_cast %get3A_530 : i32 to index
        %get3A_532 = arith.index_cast %mul3A_526 : i32 to index
        %get3A_533 = tpu.vector_load %arg7[%get3A_531, %get3A_532] {strides = array<i32>} : memref<16x128xi32, #tpu.memory_space<vmem>>, vector<16xi32>,
        %shift_right_arithmetic3A = arith.constant 2 : i32
        %shift_right_arithmetic3A_534 = vector.broadcast %shift_right_arithmetic3A : i32 to vector<16xi32>
        %shift_right_arithmetic3A_535 = arith.shrsi %get3A_529, %shift_right_arithmetic3A_534 : vector<16xi32>
        %gather3A = tpu.vector_load_idx %arg8[%shift_right_arithmetic3A_535] : memref<12500xi32, #tpu.memory_space<vmem>>[vector<16xi32>], vector<16xi32>,
        %and3A = arith.constant 3 : i32
        %and3A_536 = vector.broadcast %and3A : i32 to vector<16xi32>
        %and3A_537 = arith.andi %get3A_529, %and3A_536 : vector<16xi32>
        %shift_left3A = arith.constant 3 : i32
        %shift_left3A_538 = vector.broadcast %shift_left3A : i32 to vector<16xi32>
        %shift_left3A_539 = arith.shli %and3A_537, %shift_left3A_538 : vector<16xi32>
        %shift_right_logical3A = arith.shrui %gather3A, %shift_left3A_539 : vector<16xi32>
        %and3A_540 = arith.constant 255 : i32
        %and3A_541 = vector.broadcast %and3A_540 : i32 to vector<16xi32>
        %and3A_542 = arith.andi %shift_right_logical3A, %and3A_541 : vector<16xi32>
        %shift_left3A_543 = arith.constant 5 : i32
        %shift_left3A_544 = vector.broadcast %shift_left3A_543 : i32 to vector<16xi32>
        %shift_left3A_545 = arith.shli %get3A_533, %shift_left3A_544 : vector<16xi32>
        %shift_right_arithmetic3A_546 = arith.constant 2 : i32
        %shift_right_arithmetic3A_547 = vector.broadcast %shift_right_arithmetic3A_546 : i32 to vector<16xi32>
        %shift_right_arithmetic3A_548 = arith.shrsi %and3A_542, %shift_right_arithmetic3A_547 : vector<16xi32>
        %add3A_549 = arith.addi %shift_left3A_545, %shift_right_arithmetic3A_548 : vector<16xi32>
        %swap3A = arith.constant 8 : i32
        %swap3A_550 = arith.index_cast %swap3A : i32 to index
        %swap3A_551 = arith.index_cast %mul3A_526 : i32 to index
        %swap3A_552 = tpu.vector_load %arg9[%swap3A_550, %swap3A_551] {strides = array<i32>} : memref<16x128xi32, #tpu.memory_space<vmem>>, vector<16xi32>,
        tpu.vector_store %arg9[%swap3A_550, %swap3A_551], %add3A_549 {strides = array<i32>} : memref<16x128xi32, #tpu.memory_space<vmem>>, vector<16xi32>,
        %and3A_553 = arith.constant 3 : i32
        %and3A_554 = vector.broadcast %and3A_553 : i32 to vector<16xi32>
        %and3A_555 = arith.andi %and3A_542, %and3A_554 : vector<16xi32>
        %shift_left3A_556 = arith.constant 3 : i32
        %shift_left3A_557 = vector.broadcast %shift_left3A_556 : i32 to vector<16xi32>
        %shift_left3A_558 = arith.shli %and3A_555, %shift_left3A_557 : vector<16xi32>
        %shift_left3A_559 = arith.constant 1 : i32
        %shift_left3A_560 = vector.broadcast %shift_left3A_559 : i32 to vector<16xi32>
        %shift_left3A_561 = arith.shli %shift_left3A_560, %shift_left3A_558 : vector<16xi32>
        %swap3A_562 = arith.constant 8 : i32
        %swap3A_563 = arith.index_cast %swap3A_562 : i32 to index
        %swap3A_564 = arith.index_cast %mul3A_526 : i32 to index
        %swap3A_565 = tpu.vector_load %arg10[%swap3A_563, %swap3A_564] {strides = array<i32>} : memref<16x128xi32, #tpu.memory_space<vmem>>, vector<16xi32>,
        tpu.vector_store %arg10[%swap3A_563, %swap3A_564], %shift_left3A_561 {strides = array<i32>} : memref<16x128xi32, #tpu.memory_space<vmem>>, vector<16xi32>,
        %scan3A_566 = arith.constant 0 : i32
        scf.yield %scan3A_566 : i32
      }
      %scan3A_232 = arith.constant 8 : i32
      %dma_start3A_233 = arith.constant 8 : i32
      %dma_start3A_234 = arith.constant 8 : i32
      %dma_start3A_235 = arith.constant 0 : i32
      %dma_start3A_236 = tpu.memref_slice %arg10[%dma_start3A_233, %dma_start3A_235] : memref<16x128xi32, #tpu.memory_space<vmem>> -> memref<1x128xi32, #tpu.memory_space<vmem>>
      %dma_start3A_237 = tpu.memref_squeeze %dma_start3A_236 : memref<1x128xi32, #tpu.memory_space<vmem>> -> memref<128xi32, #tpu.memory_space<vmem>>
      %dma_start3A_238 = arith.constant 0 : i32
      %dma_start3A_239 = tpu.memref_slice %arg9[%dma_start3A_234, %dma_start3A_238] : memref<16x128xi32, #tpu.memory_space<vmem>> -> memref<1x128xi32, #tpu.memory_space<vmem>>
      %dma_start3A_240 = tpu.memref_squeeze %dma_start3A_239 : memref<1x128xi32, #tpu.memory_space<vmem>> -> memref<128xi32, #tpu.memory_space<vmem>>
      %dma_start3A_241 = arith.constant 0 : i32
      %dma_start3A_242 = tpu.memref_slice %arg13[%dma_start3A_241] : memref<1616416xi32, #tpu.memory_space<vmem_shared>> -> memref<1616416xi32, #tpu.memory_space<vmem_shared>>
      tpu.enqueue_indirect_dma source(%dma_start3A_237 : memref<128xi32, #tpu.memory_space<vmem>>) target(%dma_start3A_242 : memref<1616416xi32, #tpu.memory_space<vmem_shared>>) offsets(%dma_start3A_240 : memref<128xi32, #tpu.memory_space<vmem>>) semaphore(%arg15 : memref<!tpu.dma_semaphore, #tpu.memory_space<semaphore_mem>>) {add = true}
      %scan3A_243 = arith.constant 0 : i32
      %scan3A_244 = arith.constant 0 : i32
      %scan3A_245 = arith.constant 8 : i32
      %scan3A_246 = arith.addi %scan3A_244, %scan3A_245 : i32
      %scan3A_247 = arith.constant 1 : i32
      %scan3A_248 = scf.for %scan3A_523 = %scan3A_244 to %scan3A_246 step %scan3A_247 iter_args(%scan3A_524 = %scan3A_243) -> (i32)  : i32 {
        %mul3A_525 = arith.constant 16 : i32
        %mul3A_526 = arith.muli %scan3A_523, %mul3A_525 : i32
        %get3A = arith.constant 9 : i32
        %get3A_527 = arith.index_cast %get3A : i32 to index
        %get3A_528 = arith.index_cast %mul3A_526 : i32 to index
        %get3A_529 = tpu.vector_load %arg6[%get3A_527, %get3A_528] {strides = array<i32>} : memref<16x128xi32, #tpu.memory_space<vmem>>, vector<16xi32>,
        %get3A_530 = arith.constant 9 : i32
        %get3A_531 = arith.index_cast %get3A_530 : i32 to index
        %get3A_532 = arith.index_cast %mul3A_526 : i32 to index
        %get3A_533 = tpu.vector_load %arg7[%get3A_531, %get3A_532] {strides = array<i32>} : memref<16x128xi32, #tpu.memory_space<vmem>>, vector<16xi32>,
        %shift_right_arithmetic3A = arith.constant 2 : i32
        %shift_right_arithmetic3A_534 = vector.broadcast %shift_right_arithmetic3A : i32 to vector<16xi32>
        %shift_right_arithmetic3A_535 = arith.shrsi %get3A_529, %shift_right_arithmetic3A_534 : vector<16xi32>
        %gather3A = tpu.vector_load_idx %arg8[%shift_right_arithmetic3A_535] : memref<12500xi32, #tpu.memory_space<vmem>>[vector<16xi32>], vector<16xi32>,
        %and3A = arith.constant 3 : i32
        %and3A_536 = vector.broadcast %and3A : i32 to vector<16xi32>
        %and3A_537 = arith.andi %get3A_529, %and3A_536 : vector<16xi32>
        %shift_left3A = arith.constant 3 : i32
        %shift_left3A_538 = vector.broadcast %shift_left3A : i32 to vector<16xi32>
        %shift_left3A_539 = arith.shli %and3A_537, %shift_left3A_538 : vector<16xi32>
        %shift_right_logical3A = arith.shrui %gather3A, %shift_left3A_539 : vector<16xi32>
        %and3A_540 = arith.constant 255 : i32
        %and3A_541 = vector.broadcast %and3A_540 : i32 to vector<16xi32>
        %and3A_542 = arith.andi %shift_right_logical3A, %and3A_541 : vector<16xi32>
        %shift_left3A_543 = arith.constant 5 : i32
        %shift_left3A_544 = vector.broadcast %shift_left3A_543 : i32 to vector<16xi32>
        %shift_left3A_545 = arith.shli %get3A_533, %shift_left3A_544 : vector<16xi32>
        %shift_right_arithmetic3A_546 = arith.constant 2 : i32
        %shift_right_arithmetic3A_547 = vector.broadcast %shift_right_arithmetic3A_546 : i32 to vector<16xi32>
        %shift_right_arithmetic3A_548 = arith.shrsi %and3A_542, %shift_right_arithmetic3A_547 : vector<16xi32>
        %add3A_549 = arith.addi %shift_left3A_545, %shift_right_arithmetic3A_548 : vector<16xi32>
        %swap3A = arith.constant 9 : i32
        %swap3A_550 = arith.index_cast %swap3A : i32 to index
        %swap3A_551 = arith.index_cast %mul3A_526 : i32 to index
        %swap3A_552 = tpu.vector_load %arg9[%swap3A_550, %swap3A_551] {strides = array<i32>} : memref<16x128xi32, #tpu.memory_space<vmem>>, vector<16xi32>,
        tpu.vector_store %arg9[%swap3A_550, %swap3A_551], %add3A_549 {strides = array<i32>} : memref<16x128xi32, #tpu.memory_space<vmem>>, vector<16xi32>,
        %and3A_553 = arith.constant 3 : i32
        %and3A_554 = vector.broadcast %and3A_553 : i32 to vector<16xi32>
        %and3A_555 = arith.andi %and3A_542, %and3A_554 : vector<16xi32>
        %shift_left3A_556 = arith.constant 3 : i32
        %shift_left3A_557 = vector.broadcast %shift_left3A_556 : i32 to vector<16xi32>
        %shift_left3A_558 = arith.shli %and3A_555, %shift_left3A_557 : vector<16xi32>
        %shift_left3A_559 = arith.constant 1 : i32
        %shift_left3A_560 = vector.broadcast %shift_left3A_559 : i32 to vector<16xi32>
        %shift_left3A_561 = arith.shli %shift_left3A_560, %shift_left3A_558 : vector<16xi32>
        %swap3A_562 = arith.constant 9 : i32
        %swap3A_563 = arith.index_cast %swap3A_562 : i32 to index
        %swap3A_564 = arith.index_cast %mul3A_526 : i32 to index
        %swap3A_565 = tpu.vector_load %arg10[%swap3A_563, %swap3A_564] {strides = array<i32>} : memref<16x128xi32, #tpu.memory_space<vmem>>, vector<16xi32>,
        tpu.vector_store %arg10[%swap3A_563, %swap3A_564], %shift_left3A_561 {strides = array<i32>} : memref<16x128xi32, #tpu.memory_space<vmem>>, vector<16xi32>,
        %scan3A_566 = arith.constant 0 : i32
        scf.yield %scan3A_566 : i32
      }
      %scan3A_249 = arith.constant 8 : i32
      %dma_start3A_250 = arith.constant 9 : i32
      %dma_start3A_251 = arith.constant 9 : i32
      %dma_start3A_252 = arith.constant 0 : i32
      %dma_start3A_253 = tpu.memref_slice %arg10[%dma_start3A_250, %dma_start3A_252] : memref<16x128xi32, #tpu.memory_space<vmem>> -> memref<1x128xi32, #tpu.memory_space<vmem>>
      %dma_start3A_254 = tpu.memref_squeeze %dma_start3A_253 : memref<1x128xi32, #tpu.memory_space<vmem>> -> memref<128xi32, #tpu.memory_space<vmem>>
      %dma_start3A_255 = arith.constant 0 : i32
      %dma_start3A_256 = tpu.memref_slice %arg9[%dma_start3A_251, %dma_start3A_255] : memref<16x128xi32, #tpu.memory_space<vmem>> -> memref<1x128xi32, #tpu.memory_space<vmem>>
      %dma_start3A_257 = tpu.memref_squeeze %dma_start3A_256 : memref<1x128xi32, #tpu.memory_space<vmem>> -> memref<128xi32, #tpu.memory_space<vmem>>
      %dma_start3A_258 = arith.constant 0 : i32
      %dma_start3A_259 = tpu.memref_slice %arg13[%dma_start3A_258] : memref<1616416xi32, #tpu.memory_space<vmem_shared>> -> memref<1616416xi32, #tpu.memory_space<vmem_shared>>
      tpu.enqueue_indirect_dma source(%dma_start3A_254 : memref<128xi32, #tpu.memory_space<vmem>>) target(%dma_start3A_259 : memref<1616416xi32, #tpu.memory_space<vmem_shared>>) offsets(%dma_start3A_257 : memref<128xi32, #tpu.memory_space<vmem>>) semaphore(%arg15 : memref<!tpu.dma_semaphore, #tpu.memory_space<semaphore_mem>>) {add = true}
      %scan3A_260 = arith.constant 0 : i32
      %scan3A_261 = arith.constant 0 : i32
      %scan3A_262 = arith.constant 8 : i32
      %scan3A_263 = arith.addi %scan3A_261, %scan3A_262 : i32
      %scan3A_264 = arith.constant 1 : i32
      %scan3A_265 = scf.for %scan3A_523 = %scan3A_261 to %scan3A_263 step %scan3A_264 iter_args(%scan3A_524 = %scan3A_260) -> (i32)  : i32 {
        %mul3A_525 = arith.constant 16 : i32
        %mul3A_526 = arith.muli %scan3A_523, %mul3A_525 : i32
        %get3A = arith.constant 10 : i32
        %get3A_527 = arith.index_cast %get3A : i32 to index
        %get3A_528 = arith.index_cast %mul3A_526 : i32 to index
        %get3A_529 = tpu.vector_load %arg6[%get3A_527, %get3A_528] {strides = array<i32>} : memref<16x128xi32, #tpu.memory_space<vmem>>, vector<16xi32>,
        %get3A_530 = arith.constant 10 : i32
        %get3A_531 = arith.index_cast %get3A_530 : i32 to index
        %get3A_532 = arith.index_cast %mul3A_526 : i32 to index
        %get3A_533 = tpu.vector_load %arg7[%get3A_531, %get3A_532] {strides = array<i32>} : memref<16x128xi32, #tpu.memory_space<vmem>>, vector<16xi32>,
        %shift_right_arithmetic3A = arith.constant 2 : i32
        %shift_right_arithmetic3A_534 = vector.broadcast %shift_right_arithmetic3A : i32 to vector<16xi32>
        %shift_right_arithmetic3A_535 = arith.shrsi %get3A_529, %shift_right_arithmetic3A_534 : vector<16xi32>
        %gather3A = tpu.vector_load_idx %arg8[%shift_right_arithmetic3A_535] : memref<12500xi32, #tpu.memory_space<vmem>>[vector<16xi32>], vector<16xi32>,
        %and3A = arith.constant 3 : i32
        %and3A_536 = vector.broadcast %and3A : i32 to vector<16xi32>
        %and3A_537 = arith.andi %get3A_529, %and3A_536 : vector<16xi32>
        %shift_left3A = arith.constant 3 : i32
        %shift_left3A_538 = vector.broadcast %shift_left3A : i32 to vector<16xi32>
        %shift_left3A_539 = arith.shli %and3A_537, %shift_left3A_538 : vector<16xi32>
        %shift_right_logical3A = arith.shrui %gather3A, %shift_left3A_539 : vector<16xi32>
        %and3A_540 = arith.constant 255 : i32
        %and3A_541 = vector.broadcast %and3A_540 : i32 to vector<16xi32>
        %and3A_542 = arith.andi %shift_right_logical3A, %and3A_541 : vector<16xi32>
        %shift_left3A_543 = arith.constant 5 : i32
        %shift_left3A_544 = vector.broadcast %shift_left3A_543 : i32 to vector<16xi32>
        %shift_left3A_545 = arith.shli %get3A_533, %shift_left3A_544 : vector<16xi32>
        %shift_right_arithmetic3A_546 = arith.constant 2 : i32
        %shift_right_arithmetic3A_547 = vector.broadcast %shift_right_arithmetic3A_546 : i32 to vector<16xi32>
        %shift_right_arithmetic3A_548 = arith.shrsi %and3A_542, %shift_right_arithmetic3A_547 : vector<16xi32>
        %add3A_549 = arith.addi %shift_left3A_545, %shift_right_arithmetic3A_548 : vector<16xi32>
        %swap3A = arith.constant 10 : i32
        %swap3A_550 = arith.index_cast %swap3A : i32 to index
        %swap3A_551 = arith.index_cast %mul3A_526 : i32 to index
        %swap3A_552 = tpu.vector_load %arg9[%swap3A_550, %swap3A_551] {strides = array<i32>} : memref<16x128xi32, #tpu.memory_space<vmem>>, vector<16xi32>,
        tpu.vector_store %arg9[%swap3A_550, %swap3A_551], %add3A_549 {strides = array<i32>} : memref<16x128xi32, #tpu.memory_space<vmem>>, vector<16xi32>,
        %and3A_553 = arith.constant 3 : i32
        %and3A_554 = vector.broadcast %and3A_553 : i32 to vector<16xi32>
        %and3A_555 = arith.andi %and3A_542, %and3A_554 : vector<16xi32>
        %shift_left3A_556 = arith.constant 3 : i32
        %shift_left3A_557 = vector.broadcast %shift_left3A_556 : i32 to vector<16xi32>
        %shift_left3A_558 = arith.shli %and3A_555, %shift_left3A_557 : vector<16xi32>
        %shift_left3A_559 = arith.constant 1 : i32
        %shift_left3A_560 = vector.broadcast %shift_left3A_559 : i32 to vector<16xi32>
        %shift_left3A_561 = arith.shli %shift_left3A_560, %shift_left3A_558 : vector<16xi32>
        %swap3A_562 = arith.constant 10 : i32
        %swap3A_563 = arith.index_cast %swap3A_562 : i32 to index
        %swap3A_564 = arith.index_cast %mul3A_526 : i32 to index
        %swap3A_565 = tpu.vector_load %arg10[%swap3A_563, %swap3A_564] {strides = array<i32>} : memref<16x128xi32, #tpu.memory_space<vmem>>, vector<16xi32>,
        tpu.vector_store %arg10[%swap3A_563, %swap3A_564], %shift_left3A_561 {strides = array<i32>} : memref<16x128xi32, #tpu.memory_space<vmem>>, vector<16xi32>,
        %scan3A_566 = arith.constant 0 : i32
        scf.yield %scan3A_566 : i32
      }
      %scan3A_266 = arith.constant 8 : i32
      %dma_start3A_267 = arith.constant 10 : i32
      %dma_start3A_268 = arith.constant 10 : i32
      %dma_start3A_269 = arith.constant 0 : i32
      %dma_start3A_270 = tpu.memref_slice %arg10[%dma_start3A_267, %dma_start3A_269] : memref<16x128xi32, #tpu.memory_space<vmem>> -> memref<1x128xi32, #tpu.memory_space<vmem>>
      %dma_start3A_271 = tpu.memref_squeeze %dma_start3A_270 : memref<1x128xi32, #tpu.memory_space<vmem>> -> memref<128xi32, #tpu.memory_space<vmem>>
      %dma_start3A_272 = arith.constant 0 : i32
      %dma_start3A_273 = tpu.memref_slice %arg9[%dma_start3A_268, %dma_start3A_272] : memref<16x128xi32, #tpu.memory_space<vmem>> -> memref<1x128xi32, #tpu.memory_space<vmem>>
      %dma_start3A_274 = tpu.memref_squeeze %dma_start3A_273 : memref<1x128xi32, #tpu.memory_space<vmem>> -> memref<128xi32, #tpu.memory_space<vmem>>
      %dma_start3A_275 = arith.constant 0 : i32
      %dma_start3A_276 = tpu.memref_slice %arg13[%dma_start3A_275] : memref<1616416xi32, #tpu.memory_space<vmem_shared>> -> memref<1616416xi32, #tpu.memory_space<vmem_shared>>
      tpu.enqueue_indirect_dma source(%dma_start3A_271 : memref<128xi32, #tpu.memory_space<vmem>>) target(%dma_start3A_276 : memref<1616416xi32, #tpu.memory_space<vmem_shared>>) offsets(%dma_start3A_274 : memref<128xi32, #tpu.memory_space<vmem>>) semaphore(%arg15 : memref<!tpu.dma_semaphore, #tpu.memory_space<semaphore_mem>>) {add = true}
      %scan3A_277 = arith.constant 0 : i32
      %scan3A_278 = arith.constant 0 : i32
      %scan3A_279 = arith.constant 8 : i32
      %scan3A_280 = arith.addi %scan3A_278, %scan3A_279 : i32
      %scan3A_281 = arith.constant 1 : i32
      %scan3A_282 = scf.for %scan3A_523 = %scan3A_278 to %scan3A_280 step %scan3A_281 iter_args(%scan3A_524 = %scan3A_277) -> (i32)  : i32 {
        %mul3A_525 = arith.constant 16 : i32
        %mul3A_526 = arith.muli %scan3A_523, %mul3A_525 : i32
        %get3A = arith.constant 11 : i32
        %get3A_527 = arith.index_cast %get3A : i32 to index
        %get3A_528 = arith.index_cast %mul3A_526 : i32 to index
        %get3A_529 = tpu.vector_load %arg6[%get3A_527, %get3A_528] {strides = array<i32>} : memref<16x128xi32, #tpu.memory_space<vmem>>, vector<16xi32>,
        %get3A_530 = arith.constant 11 : i32
        %get3A_531 = arith.index_cast %get3A_530 : i32 to index
        %get3A_532 = arith.index_cast %mul3A_526 : i32 to index
        %get3A_533 = tpu.vector_load %arg7[%get3A_531, %get3A_532] {strides = array<i32>} : memref<16x128xi32, #tpu.memory_space<vmem>>, vector<16xi32>,
        %shift_right_arithmetic3A = arith.constant 2 : i32
        %shift_right_arithmetic3A_534 = vector.broadcast %shift_right_arithmetic3A : i32 to vector<16xi32>
        %shift_right_arithmetic3A_535 = arith.shrsi %get3A_529, %shift_right_arithmetic3A_534 : vector<16xi32>
        %gather3A = tpu.vector_load_idx %arg8[%shift_right_arithmetic3A_535] : memref<12500xi32, #tpu.memory_space<vmem>>[vector<16xi32>], vector<16xi32>,
        %and3A = arith.constant 3 : i32
        %and3A_536 = vector.broadcast %and3A : i32 to vector<16xi32>
        %and3A_537 = arith.andi %get3A_529, %and3A_536 : vector<16xi32>
        %shift_left3A = arith.constant 3 : i32
        %shift_left3A_538 = vector.broadcast %shift_left3A : i32 to vector<16xi32>
        %shift_left3A_539 = arith.shli %and3A_537, %shift_left3A_538 : vector<16xi32>
        %shift_right_logical3A = arith.shrui %gather3A, %shift_left3A_539 : vector<16xi32>
        %and3A_540 = arith.constant 255 : i32
        %and3A_541 = vector.broadcast %and3A_540 : i32 to vector<16xi32>
        %and3A_542 = arith.andi %shift_right_logical3A, %and3A_541 : vector<16xi32>
        %shift_left3A_543 = arith.constant 5 : i32
        %shift_left3A_544 = vector.broadcast %shift_left3A_543 : i32 to vector<16xi32>
        %shift_left3A_545 = arith.shli %get3A_533, %shift_left3A_544 : vector<16xi32>
        %shift_right_arithmetic3A_546 = arith.constant 2 : i32
        %shift_right_arithmetic3A_547 = vector.broadcast %shift_right_arithmetic3A_546 : i32 to vector<16xi32>
        %shift_right_arithmetic3A_548 = arith.shrsi %and3A_542, %shift_right_arithmetic3A_547 : vector<16xi32>
        %add3A_549 = arith.addi %shift_left3A_545, %shift_right_arithmetic3A_548 : vector<16xi32>
        %swap3A = arith.constant 11 : i32
        %swap3A_550 = arith.index_cast %swap3A : i32 to index
        %swap3A_551 = arith.index_cast %mul3A_526 : i32 to index
        %swap3A_552 = tpu.vector_load %arg9[%swap3A_550, %swap3A_551] {strides = array<i32>} : memref<16x128xi32, #tpu.memory_space<vmem>>, vector<16xi32>,
        tpu.vector_store %arg9[%swap3A_550, %swap3A_551], %add3A_549 {strides = array<i32>} : memref<16x128xi32, #tpu.memory_space<vmem>>, vector<16xi32>,
        %and3A_553 = arith.constant 3 : i32
        %and3A_554 = vector.broadcast %and3A_553 : i32 to vector<16xi32>
        %and3A_555 = arith.andi %and3A_542, %and3A_554 : vector<16xi32>
        %shift_left3A_556 = arith.constant 3 : i32
        %shift_left3A_557 = vector.broadcast %shift_left3A_556 : i32 to vector<16xi32>
        %shift_left3A_558 = arith.shli %and3A_555, %shift_left3A_557 : vector<16xi32>
        %shift_left3A_559 = arith.constant 1 : i32
        %shift_left3A_560 = vector.broadcast %shift_left3A_559 : i32 to vector<16xi32>
        %shift_left3A_561 = arith.shli %shift_left3A_560, %shift_left3A_558 : vector<16xi32>
        %swap3A_562 = arith.constant 11 : i32
        %swap3A_563 = arith.index_cast %swap3A_562 : i32 to index
        %swap3A_564 = arith.index_cast %mul3A_526 : i32 to index
        %swap3A_565 = tpu.vector_load %arg10[%swap3A_563, %swap3A_564] {strides = array<i32>} : memref<16x128xi32, #tpu.memory_space<vmem>>, vector<16xi32>,
        tpu.vector_store %arg10[%swap3A_563, %swap3A_564], %shift_left3A_561 {strides = array<i32>} : memref<16x128xi32, #tpu.memory_space<vmem>>, vector<16xi32>,
        %scan3A_566 = arith.constant 0 : i32
        scf.yield %scan3A_566 : i32
      }
      %scan3A_283 = arith.constant 8 : i32
      %dma_start3A_284 = arith.constant 11 : i32
      %dma_start3A_285 = arith.constant 11 : i32
      %dma_start3A_286 = arith.constant 0 : i32
      %dma_start3A_287 = tpu.memref_slice %arg10[%dma_start3A_284, %dma_start3A_286] : memref<16x128xi32, #tpu.memory_space<vmem>> -> memref<1x128xi32, #tpu.memory_space<vmem>>
      %dma_start3A_288 = tpu.memref_squeeze %dma_start3A_287 : memref<1x128xi32, #tpu.memory_space<vmem>> -> memref<128xi32, #tpu.memory_space<vmem>>
      %dma_start3A_289 = arith.constant 0 : i32
      %dma_start3A_290 = tpu.memref_slice %arg9[%dma_start3A_285, %dma_start3A_289] : memref<16x128xi32, #tpu.memory_space<vmem>> -> memref<1x128xi32, #tpu.memory_space<vmem>>
      %dma_start3A_291 = tpu.memref_squeeze %dma_start3A_290 : memref<1x128xi32, #tpu.memory_space<vmem>> -> memref<128xi32, #tpu.memory_space<vmem>>
      %dma_start3A_292 = arith.constant 0 : i32
      %dma_start3A_293 = tpu.memref_slice %arg13[%dma_start3A_292] : memref<1616416xi32, #tpu.memory_space<vmem_shared>> -> memref<1616416xi32, #tpu.memory_space<vmem_shared>>
      tpu.enqueue_indirect_dma source(%dma_start3A_288 : memref<128xi32, #tpu.memory_space<vmem>>) target(%dma_start3A_293 : memref<1616416xi32, #tpu.memory_space<vmem_shared>>) offsets(%dma_start3A_291 : memref<128xi32, #tpu.memory_space<vmem>>) semaphore(%arg15 : memref<!tpu.dma_semaphore, #tpu.memory_space<semaphore_mem>>) {add = true}
      %scan3A_294 = arith.constant 0 : i32
      %scan3A_295 = arith.constant 0 : i32
      %scan3A_296 = arith.constant 8 : i32
      %scan3A_297 = arith.addi %scan3A_295, %scan3A_296 : i32
      %scan3A_298 = arith.constant 1 : i32
      %scan3A_299 = scf.for %scan3A_523 = %scan3A_295 to %scan3A_297 step %scan3A_298 iter_args(%scan3A_524 = %scan3A_294) -> (i32)  : i32 {
        %mul3A_525 = arith.constant 16 : i32
        %mul3A_526 = arith.muli %scan3A_523, %mul3A_525 : i32
        %get3A = arith.constant 12 : i32
        %get3A_527 = arith.index_cast %get3A : i32 to index
        %get3A_528 = arith.index_cast %mul3A_526 : i32 to index
        %get3A_529 = tpu.vector_load %arg6[%get3A_527, %get3A_528] {strides = array<i32>} : memref<16x128xi32, #tpu.memory_space<vmem>>, vector<16xi32>,
        %get3A_530 = arith.constant 12 : i32
        %get3A_531 = arith.index_cast %get3A_530 : i32 to index
        %get3A_532 = arith.index_cast %mul3A_526 : i32 to index
        %get3A_533 = tpu.vector_load %arg7[%get3A_531, %get3A_532] {strides = array<i32>} : memref<16x128xi32, #tpu.memory_space<vmem>>, vector<16xi32>,
        %shift_right_arithmetic3A = arith.constant 2 : i32
        %shift_right_arithmetic3A_534 = vector.broadcast %shift_right_arithmetic3A : i32 to vector<16xi32>
        %shift_right_arithmetic3A_535 = arith.shrsi %get3A_529, %shift_right_arithmetic3A_534 : vector<16xi32>
        %gather3A = tpu.vector_load_idx %arg8[%shift_right_arithmetic3A_535] : memref<12500xi32, #tpu.memory_space<vmem>>[vector<16xi32>], vector<16xi32>,
        %and3A = arith.constant 3 : i32
        %and3A_536 = vector.broadcast %and3A : i32 to vector<16xi32>
        %and3A_537 = arith.andi %get3A_529, %and3A_536 : vector<16xi32>
        %shift_left3A = arith.constant 3 : i32
        %shift_left3A_538 = vector.broadcast %shift_left3A : i32 to vector<16xi32>
        %shift_left3A_539 = arith.shli %and3A_537, %shift_left3A_538 : vector<16xi32>
        %shift_right_logical3A = arith.shrui %gather3A, %shift_left3A_539 : vector<16xi32>
        %and3A_540 = arith.constant 255 : i32
        %and3A_541 = vector.broadcast %and3A_540 : i32 to vector<16xi32>
        %and3A_542 = arith.andi %shift_right_logical3A, %and3A_541 : vector<16xi32>
        %shift_left3A_543 = arith.constant 5 : i32
        %shift_left3A_544 = vector.broadcast %shift_left3A_543 : i32 to vector<16xi32>
        %shift_left3A_545 = arith.shli %get3A_533, %shift_left3A_544 : vector<16xi32>
        %shift_right_arithmetic3A_546 = arith.constant 2 : i32
        %shift_right_arithmetic3A_547 = vector.broadcast %shift_right_arithmetic3A_546 : i32 to vector<16xi32>
        %shift_right_arithmetic3A_548 = arith.shrsi %and3A_542, %shift_right_arithmetic3A_547 : vector<16xi32>
        %add3A_549 = arith.addi %shift_left3A_545, %shift_right_arithmetic3A_548 : vector<16xi32>
        %swap3A = arith.constant 12 : i32
        %swap3A_550 = arith.index_cast %swap3A : i32 to index
        %swap3A_551 = arith.index_cast %mul3A_526 : i32 to index
        %swap3A_552 = tpu.vector_load %arg9[%swap3A_550, %swap3A_551] {strides = array<i32>} : memref<16x128xi32, #tpu.memory_space<vmem>>, vector<16xi32>,
        tpu.vector_store %arg9[%swap3A_550, %swap3A_551], %add3A_549 {strides = array<i32>} : memref<16x128xi32, #tpu.memory_space<vmem>>, vector<16xi32>,
        %and3A_553 = arith.constant 3 : i32
        %and3A_554 = vector.broadcast %and3A_553 : i32 to vector<16xi32>
        %and3A_555 = arith.andi %and3A_542, %and3A_554 : vector<16xi32>
        %shift_left3A_556 = arith.constant 3 : i32
        %shift_left3A_557 = vector.broadcast %shift_left3A_556 : i32 to vector<16xi32>
        %shift_left3A_558 = arith.shli %and3A_555, %shift_left3A_557 : vector<16xi32>
        %shift_left3A_559 = arith.constant 1 : i32
        %shift_left3A_560 = vector.broadcast %shift_left3A_559 : i32 to vector<16xi32>
        %shift_left3A_561 = arith.shli %shift_left3A_560, %shift_left3A_558 : vector<16xi32>
        %swap3A_562 = arith.constant 12 : i32
        %swap3A_563 = arith.index_cast %swap3A_562 : i32 to index
        %swap3A_564 = arith.index_cast %mul3A_526 : i32 to index
        %swap3A_565 = tpu.vector_load %arg10[%swap3A_563, %swap3A_564] {strides = array<i32>} : memref<16x128xi32, #tpu.memory_space<vmem>>, vector<16xi32>,
        tpu.vector_store %arg10[%swap3A_563, %swap3A_564], %shift_left3A_561 {strides = array<i32>} : memref<16x128xi32, #tpu.memory_space<vmem>>, vector<16xi32>,
        %scan3A_566 = arith.constant 0 : i32
        scf.yield %scan3A_566 : i32
      }
      %scan3A_300 = arith.constant 8 : i32
      %dma_start3A_301 = arith.constant 12 : i32
      %dma_start3A_302 = arith.constant 12 : i32
      %dma_start3A_303 = arith.constant 0 : i32
      %dma_start3A_304 = tpu.memref_slice %arg10[%dma_start3A_301, %dma_start3A_303] : memref<16x128xi32, #tpu.memory_space<vmem>> -> memref<1x128xi32, #tpu.memory_space<vmem>>
      %dma_start3A_305 = tpu.memref_squeeze %dma_start3A_304 : memref<1x128xi32, #tpu.memory_space<vmem>> -> memref<128xi32, #tpu.memory_space<vmem>>
      %dma_start3A_306 = arith.constant 0 : i32
      %dma_start3A_307 = tpu.memref_slice %arg9[%dma_start3A_302, %dma_start3A_306] : memref<16x128xi32, #tpu.memory_space<vmem>> -> memref<1x128xi32, #tpu.memory_space<vmem>>
      %dma_start3A_308 = tpu.memref_squeeze %dma_start3A_307 : memref<1x128xi32, #tpu.memory_space<vmem>> -> memref<128xi32, #tpu.memory_space<vmem>>
      %dma_start3A_309 = arith.constant 0 : i32
      %dma_start3A_310 = tpu.memref_slice %arg13[%dma_start3A_309] : memref<1616416xi32, #tpu.memory_space<vmem_shared>> -> memref<1616416xi32, #tpu.memory_space<vmem_shared>>
      tpu.enqueue_indirect_dma source(%dma_start3A_305 : memref<128xi32, #tpu.memory_space<vmem>>) target(%dma_start3A_310 : memref<1616416xi32, #tpu.memory_space<vmem_shared>>) offsets(%dma_start3A_308 : memref<128xi32, #tpu.memory_space<vmem>>) semaphore(%arg15 : memref<!tpu.dma_semaphore, #tpu.memory_space<semaphore_mem>>) {add = true}
      %scan3A_311 = arith.constant 0 : i32
      %scan3A_312 = arith.constant 0 : i32
      %scan3A_313 = arith.constant 8 : i32
      %scan3A_314 = arith.addi %scan3A_312, %scan3A_313 : i32
      %scan3A_315 = arith.constant 1 : i32
      %scan3A_316 = scf.for %scan3A_523 = %scan3A_312 to %scan3A_314 step %scan3A_315 iter_args(%scan3A_524 = %scan3A_311) -> (i32)  : i32 {
        %mul3A_525 = arith.constant 16 : i32
        %mul3A_526 = arith.muli %scan3A_523, %mul3A_525 : i32
        %get3A = arith.constant 13 : i32
        %get3A_527 = arith.index_cast %get3A : i32 to index
        %get3A_528 = arith.index_cast %mul3A_526 : i32 to index
        %get3A_529 = tpu.vector_load %arg6[%get3A_527, %get3A_528] {strides = array<i32>} : memref<16x128xi32, #tpu.memory_space<vmem>>, vector<16xi32>,
        %get3A_530 = arith.constant 13 : i32
        %get3A_531 = arith.index_cast %get3A_530 : i32 to index
        %get3A_532 = arith.index_cast %mul3A_526 : i32 to index
        %get3A_533 = tpu.vector_load %arg7[%get3A_531, %get3A_532] {strides = array<i32>} : memref<16x128xi32, #tpu.memory_space<vmem>>, vector<16xi32>,
        %shift_right_arithmetic3A = arith.constant 2 : i32
        %shift_right_arithmetic3A_534 = vector.broadcast %shift_right_arithmetic3A : i32 to vector<16xi32>
        %shift_right_arithmetic3A_535 = arith.shrsi %get3A_529, %shift_right_arithmetic3A_534 : vector<16xi32>
        %gather3A = tpu.vector_load_idx %arg8[%shift_right_arithmetic3A_535] : memref<12500xi32, #tpu.memory_space<vmem>>[vector<16xi32>], vector<16xi32>,
        %and3A = arith.constant 3 : i32
        %and3A_536 = vector.broadcast %and3A : i32 to vector<16xi32>
        %and3A_537 = arith.andi %get3A_529, %and3A_536 : vector<16xi32>
        %shift_left3A = arith.constant 3 : i32
        %shift_left3A_538 = vector.broadcast %shift_left3A : i32 to vector<16xi32>
        %shift_left3A_539 = arith.shli %and3A_537, %shift_left3A_538 : vector<16xi32>
        %shift_right_logical3A = arith.shrui %gather3A, %shift_left3A_539 : vector<16xi32>
        %and3A_540 = arith.constant 255 : i32
        %and3A_541 = vector.broadcast %and3A_540 : i32 to vector<16xi32>
        %and3A_542 = arith.andi %shift_right_logical3A, %and3A_541 : vector<16xi32>
        %shift_left3A_543 = arith.constant 5 : i32
        %shift_left3A_544 = vector.broadcast %shift_left3A_543 : i32 to vector<16xi32>
        %shift_left3A_545 = arith.shli %get3A_533, %shift_left3A_544 : vector<16xi32>
        %shift_right_arithmetic3A_546 = arith.constant 2 : i32
        %shift_right_arithmetic3A_547 = vector.broadcast %shift_right_arithmetic3A_546 : i32 to vector<16xi32>
        %shift_right_arithmetic3A_548 = arith.shrsi %and3A_542, %shift_right_arithmetic3A_547 : vector<16xi32>
        %add3A_549 = arith.addi %shift_left3A_545, %shift_right_arithmetic3A_548 : vector<16xi32>
        %swap3A = arith.constant 13 : i32
        %swap3A_550 = arith.index_cast %swap3A : i32 to index
        %swap3A_551 = arith.index_cast %mul3A_526 : i32 to index
        %swap3A_552 = tpu.vector_load %arg9[%swap3A_550, %swap3A_551] {strides = array<i32>} : memref<16x128xi32, #tpu.memory_space<vmem>>, vector<16xi32>,
        tpu.vector_store %arg9[%swap3A_550, %swap3A_551], %add3A_549 {strides = array<i32>} : memref<16x128xi32, #tpu.memory_space<vmem>>, vector<16xi32>,
        %and3A_553 = arith.constant 3 : i32
        %and3A_554 = vector.broadcast %and3A_553 : i32 to vector<16xi32>
        %and3A_555 = arith.andi %and3A_542, %and3A_554 : vector<16xi32>
        %shift_left3A_556 = arith.constant 3 : i32
        %shift_left3A_557 = vector.broadcast %shift_left3A_556 : i32 to vector<16xi32>
        %shift_left3A_558 = arith.shli %and3A_555, %shift_left3A_557 : vector<16xi32>
        %shift_left3A_559 = arith.constant 1 : i32
        %shift_left3A_560 = vector.broadcast %shift_left3A_559 : i32 to vector<16xi32>
        %shift_left3A_561 = arith.shli %shift_left3A_560, %shift_left3A_558 : vector<16xi32>
        %swap3A_562 = arith.constant 13 : i32
        %swap3A_563 = arith.index_cast %swap3A_562 : i32 to index
        %swap3A_564 = arith.index_cast %mul3A_526 : i32 to index
        %swap3A_565 = tpu.vector_load %arg10[%swap3A_563, %swap3A_564] {strides = array<i32>} : memref<16x128xi32, #tpu.memory_space<vmem>>, vector<16xi32>,
        tpu.vector_store %arg10[%swap3A_563, %swap3A_564], %shift_left3A_561 {strides = array<i32>} : memref<16x128xi32, #tpu.memory_space<vmem>>, vector<16xi32>,
        %scan3A_566 = arith.constant 0 : i32
        scf.yield %scan3A_566 : i32
      }
      %scan3A_317 = arith.constant 8 : i32
      %dma_start3A_318 = arith.constant 13 : i32
      %dma_start3A_319 = arith.constant 13 : i32
      %dma_start3A_320 = arith.constant 0 : i32
      %dma_start3A_321 = tpu.memref_slice %arg10[%dma_start3A_318, %dma_start3A_320] : memref<16x128xi32, #tpu.memory_space<vmem>> -> memref<1x128xi32, #tpu.memory_space<vmem>>
      %dma_start3A_322 = tpu.memref_squeeze %dma_start3A_321 : memref<1x128xi32, #tpu.memory_space<vmem>> -> memref<128xi32, #tpu.memory_space<vmem>>
      %dma_start3A_323 = arith.constant 0 : i32
      %dma_start3A_324 = tpu.memref_slice %arg9[%dma_start3A_319, %dma_start3A_323] : memref<16x128xi32, #tpu.memory_space<vmem>> -> memref<1x128xi32, #tpu.memory_space<vmem>>
      %dma_start3A_325 = tpu.memref_squeeze %dma_start3A_324 : memref<1x128xi32, #tpu.memory_space<vmem>> -> memref<128xi32, #tpu.memory_space<vmem>>
      %dma_start3A_326 = arith.constant 0 : i32
      %dma_start3A_327 = tpu.memref_slice %arg13[%dma_start3A_326] : memref<1616416xi32, #tpu.memory_space<vmem_shared>> -> memref<1616416xi32, #tpu.memory_space<vmem_shared>>
      tpu.enqueue_indirect_dma source(%dma_start3A_322 : memref<128xi32, #tpu.memory_space<vmem>>) target(%dma_start3A_327 : memref<1616416xi32, #tpu.memory_space<vmem_shared>>) offsets(%dma_start3A_325 : memref<128xi32, #tpu.memory_space<vmem>>) semaphore(%arg15 : memref<!tpu.dma_semaphore, #tpu.memory_space<semaphore_mem>>) {add = true}
      %scan3A_328 = arith.constant 0 : i32
      %scan3A_329 = arith.constant 0 : i32
      %scan3A_330 = arith.constant 8 : i32
      %scan3A_331 = arith.addi %scan3A_329, %scan3A_330 : i32
      %scan3A_332 = arith.constant 1 : i32
      %scan3A_333 = scf.for %scan3A_523 = %scan3A_329 to %scan3A_331 step %scan3A_332 iter_args(%scan3A_524 = %scan3A_328) -> (i32)  : i32 {
        %mul3A_525 = arith.constant 16 : i32
        %mul3A_526 = arith.muli %scan3A_523, %mul3A_525 : i32
        %get3A = arith.constant 14 : i32
        %get3A_527 = arith.index_cast %get3A : i32 to index
        %get3A_528 = arith.index_cast %mul3A_526 : i32 to index
        %get3A_529 = tpu.vector_load %arg6[%get3A_527, %get3A_528] {strides = array<i32>} : memref<16x128xi32, #tpu.memory_space<vmem>>, vector<16xi32>,
        %get3A_530 = arith.constant 14 : i32
        %get3A_531 = arith.index_cast %get3A_530 : i32 to index
        %get3A_532 = arith.index_cast %mul3A_526 : i32 to index
        %get3A_533 = tpu.vector_load %arg7[%get3A_531, %get3A_532] {strides = array<i32>} : memref<16x128xi32, #tpu.memory_space<vmem>>, vector<16xi32>,
        %shift_right_arithmetic3A = arith.constant 2 : i32
        %shift_right_arithmetic3A_534 = vector.broadcast %shift_right_arithmetic3A : i32 to vector<16xi32>
        %shift_right_arithmetic3A_535 = arith.shrsi %get3A_529, %shift_right_arithmetic3A_534 : vector<16xi32>
        %gather3A = tpu.vector_load_idx %arg8[%shift_right_arithmetic3A_535] : memref<12500xi32, #tpu.memory_space<vmem>>[vector<16xi32>], vector<16xi32>,
        %and3A = arith.constant 3 : i32
        %and3A_536 = vector.broadcast %and3A : i32 to vector<16xi32>
        %and3A_537 = arith.andi %get3A_529, %and3A_536 : vector<16xi32>
        %shift_left3A = arith.constant 3 : i32
        %shift_left3A_538 = vector.broadcast %shift_left3A : i32 to vector<16xi32>
        %shift_left3A_539 = arith.shli %and3A_537, %shift_left3A_538 : vector<16xi32>
        %shift_right_logical3A = arith.shrui %gather3A, %shift_left3A_539 : vector<16xi32>
        %and3A_540 = arith.constant 255 : i32
        %and3A_541 = vector.broadcast %and3A_540 : i32 to vector<16xi32>
        %and3A_542 = arith.andi %shift_right_logical3A, %and3A_541 : vector<16xi32>
        %shift_left3A_543 = arith.constant 5 : i32
        %shift_left3A_544 = vector.broadcast %shift_left3A_543 : i32 to vector<16xi32>
        %shift_left3A_545 = arith.shli %get3A_533, %shift_left3A_544 : vector<16xi32>
        %shift_right_arithmetic3A_546 = arith.constant 2 : i32
        %shift_right_arithmetic3A_547 = vector.broadcast %shift_right_arithmetic3A_546 : i32 to vector<16xi32>
        %shift_right_arithmetic3A_548 = arith.shrsi %and3A_542, %shift_right_arithmetic3A_547 : vector<16xi32>
        %add3A_549 = arith.addi %shift_left3A_545, %shift_right_arithmetic3A_548 : vector<16xi32>
        %swap3A = arith.constant 14 : i32
        %swap3A_550 = arith.index_cast %swap3A : i32 to index
        %swap3A_551 = arith.index_cast %mul3A_526 : i32 to index
        %swap3A_552 = tpu.vector_load %arg9[%swap3A_550, %swap3A_551] {strides = array<i32>} : memref<16x128xi32, #tpu.memory_space<vmem>>, vector<16xi32>,
        tpu.vector_store %arg9[%swap3A_550, %swap3A_551], %add3A_549 {strides = array<i32>} : memref<16x128xi32, #tpu.memory_space<vmem>>, vector<16xi32>,
        %and3A_553 = arith.constant 3 : i32
        %and3A_554 = vector.broadcast %and3A_553 : i32 to vector<16xi32>
        %and3A_555 = arith.andi %and3A_542, %and3A_554 : vector<16xi32>
        %shift_left3A_556 = arith.constant 3 : i32
        %shift_left3A_557 = vector.broadcast %shift_left3A_556 : i32 to vector<16xi32>
        %shift_left3A_558 = arith.shli %and3A_555, %shift_left3A_557 : vector<16xi32>
        %shift_left3A_559 = arith.constant 1 : i32
        %shift_left3A_560 = vector.broadcast %shift_left3A_559 : i32 to vector<16xi32>
        %shift_left3A_561 = arith.shli %shift_left3A_560, %shift_left3A_558 : vector<16xi32>
        %swap3A_562 = arith.constant 14 : i32
        %swap3A_563 = arith.index_cast %swap3A_562 : i32 to index
        %swap3A_564 = arith.index_cast %mul3A_526 : i32 to index
        %swap3A_565 = tpu.vector_load %arg10[%swap3A_563, %swap3A_564] {strides = array<i32>} : memref<16x128xi32, #tpu.memory_space<vmem>>, vector<16xi32>,
        tpu.vector_store %arg10[%swap3A_563, %swap3A_564], %shift_left3A_561 {strides = array<i32>} : memref<16x128xi32, #tpu.memory_space<vmem>>, vector<16xi32>,
        %scan3A_566 = arith.constant 0 : i32
        scf.yield %scan3A_566 : i32
      }
      %scan3A_334 = arith.constant 8 : i32
      %dma_start3A_335 = arith.constant 14 : i32
      %dma_start3A_336 = arith.constant 14 : i32
      %dma_start3A_337 = arith.constant 0 : i32
      %dma_start3A_338 = tpu.memref_slice %arg10[%dma_start3A_335, %dma_start3A_337] : memref<16x128xi32, #tpu.memory_space<vmem>> -> memref<1x128xi32, #tpu.memory_space<vmem>>
      %dma_start3A_339 = tpu.memref_squeeze %dma_start3A_338 : memref<1x128xi32, #tpu.memory_space<vmem>> -> memref<128xi32, #tpu.memory_space<vmem>>
      %dma_start3A_340 = arith.constant 0 : i32
      %dma_start3A_341 = tpu.memref_slice %arg9[%dma_start3A_336, %dma_start3A_340] : memref<16x128xi32, #tpu.memory_space<vmem>> -> memref<1x128xi32, #tpu.memory_space<vmem>>
      %dma_start3A_342 = tpu.memref_squeeze %dma_start3A_341 : memref<1x128xi32, #tpu.memory_space<vmem>> -> memref<128xi32, #tpu.memory_space<vmem>>
      %dma_start3A_343 = arith.constant 0 : i32
      %dma_start3A_344 = tpu.memref_slice %arg13[%dma_start3A_343] : memref<1616416xi32, #tpu.memory_space<vmem_shared>> -> memref<1616416xi32, #tpu.memory_space<vmem_shared>>
      tpu.enqueue_indirect_dma source(%dma_start3A_339 : memref<128xi32, #tpu.memory_space<vmem>>) target(%dma_start3A_344 : memref<1616416xi32, #tpu.memory_space<vmem_shared>>) offsets(%dma_start3A_342 : memref<128xi32, #tpu.memory_space<vmem>>) semaphore(%arg15 : memref<!tpu.dma_semaphore, #tpu.memory_space<semaphore_mem>>) {add = true}
      %scan3A_345 = arith.constant 0 : i32
      %scan3A_346 = arith.constant 0 : i32
      %scan3A_347 = arith.constant 8 : i32
      %scan3A_348 = arith.addi %scan3A_346, %scan3A_347 : i32
      %scan3A_349 = arith.constant 1 : i32
      %scan3A_350 = scf.for %scan3A_523 = %scan3A_346 to %scan3A_348 step %scan3A_349 iter_args(%scan3A_524 = %scan3A_345) -> (i32)  : i32 {
        %mul3A_525 = arith.constant 16 : i32
        %mul3A_526 = arith.muli %scan3A_523, %mul3A_525 : i32
        %get3A = arith.constant 15 : i32
        %get3A_527 = arith.index_cast %get3A : i32 to index
        %get3A_528 = arith.index_cast %mul3A_526 : i32 to index
        %get3A_529 = tpu.vector_load %arg6[%get3A_527, %get3A_528] {strides = array<i32>} : memref<16x128xi32, #tpu.memory_space<vmem>>, vector<16xi32>,
        %get3A_530 = arith.constant 15 : i32
        %get3A_531 = arith.index_cast %get3A_530 : i32 to index
        %get3A_532 = arith.index_cast %mul3A_526 : i32 to index
        %get3A_533 = tpu.vector_load %arg7[%get3A_531, %get3A_532] {strides = array<i32>} : memref<16x128xi32, #tpu.memory_space<vmem>>, vector<16xi32>,
        %shift_right_arithmetic3A = arith.constant 2 : i32
        %shift_right_arithmetic3A_534 = vector.broadcast %shift_right_arithmetic3A : i32 to vector<16xi32>
        %shift_right_arithmetic3A_535 = arith.shrsi %get3A_529, %shift_right_arithmetic3A_534 : vector<16xi32>
        %gather3A = tpu.vector_load_idx %arg8[%shift_right_arithmetic3A_535] : memref<12500xi32, #tpu.memory_space<vmem>>[vector<16xi32>], vector<16xi32>,
        %and3A = arith.constant 3 : i32
        %and3A_536 = vector.broadcast %and3A : i32 to vector<16xi32>
        %and3A_537 = arith.andi %get3A_529, %and3A_536 : vector<16xi32>
        %shift_left3A = arith.constant 3 : i32
        %shift_left3A_538 = vector.broadcast %shift_left3A : i32 to vector<16xi32>
        %shift_left3A_539 = arith.shli %and3A_537, %shift_left3A_538 : vector<16xi32>
        %shift_right_logical3A = arith.shrui %gather3A, %shift_left3A_539 : vector<16xi32>
        %and3A_540 = arith.constant 255 : i32
        %and3A_541 = vector.broadcast %and3A_540 : i32 to vector<16xi32>
        %and3A_542 = arith.andi %shift_right_logical3A, %and3A_541 : vector<16xi32>
        %shift_left3A_543 = arith.constant 5 : i32
        %shift_left3A_544 = vector.broadcast %shift_left3A_543 : i32 to vector<16xi32>
        %shift_left3A_545 = arith.shli %get3A_533, %shift_left3A_544 : vector<16xi32>
        %shift_right_arithmetic3A_546 = arith.constant 2 : i32
        %shift_right_arithmetic3A_547 = vector.broadcast %shift_right_arithmetic3A_546 : i32 to vector<16xi32>
        %shift_right_arithmetic3A_548 = arith.shrsi %and3A_542, %shift_right_arithmetic3A_547 : vector<16xi32>
        %add3A_549 = arith.addi %shift_left3A_545, %shift_right_arithmetic3A_548 : vector<16xi32>
        %swap3A = arith.constant 15 : i32
        %swap3A_550 = arith.index_cast %swap3A : i32 to index
        %swap3A_551 = arith.index_cast %mul3A_526 : i32 to index
        %swap3A_552 = tpu.vector_load %arg9[%swap3A_550, %swap3A_551] {strides = array<i32>} : memref<16x128xi32, #tpu.memory_space<vmem>>, vector<16xi32>,
        tpu.vector_store %arg9[%swap3A_550, %swap3A_551], %add3A_549 {strides = array<i32>} : memref<16x128xi32, #tpu.memory_space<vmem>>, vector<16xi32>,
        %and3A_553 = arith.constant 3 : i32
        %and3A_554 = vector.broadcast %and3A_553 : i32 to vector<16xi32>
        %and3A_555 = arith.andi %and3A_542, %and3A_554 : vector<16xi32>
        %shift_left3A_556 = arith.constant 3 : i32
        %shift_left3A_557 = vector.broadcast %shift_left3A_556 : i32 to vector<16xi32>
        %shift_left3A_558 = arith.shli %and3A_555, %shift_left3A_557 : vector<16xi32>
        %shift_left3A_559 = arith.constant 1 : i32
        %shift_left3A_560 = vector.broadcast %shift_left3A_559 : i32 to vector<16xi32>
        %shift_left3A_561 = arith.shli %shift_left3A_560, %shift_left3A_558 : vector<16xi32>
        %swap3A_562 = arith.constant 15 : i32
        %swap3A_563 = arith.index_cast %swap3A_562 : i32 to index
        %swap3A_564 = arith.index_cast %mul3A_526 : i32 to index
        %swap3A_565 = tpu.vector_load %arg10[%swap3A_563, %swap3A_564] {strides = array<i32>} : memref<16x128xi32, #tpu.memory_space<vmem>>, vector<16xi32>,
        tpu.vector_store %arg10[%swap3A_563, %swap3A_564], %shift_left3A_561 {strides = array<i32>} : memref<16x128xi32, #tpu.memory_space<vmem>>, vector<16xi32>,
        %scan3A_566 = arith.constant 0 : i32
        scf.yield %scan3A_566 : i32
      }
      %scan3A_351 = arith.constant 8 : i32
      %dma_start3A_352 = arith.constant 15 : i32
      %dma_start3A_353 = arith.constant 15 : i32
      %dma_start3A_354 = arith.constant 0 : i32
      %dma_start3A_355 = tpu.memref_slice %arg10[%dma_start3A_352, %dma_start3A_354] : memref<16x128xi32, #tpu.memory_space<vmem>> -> memref<1x128xi32, #tpu.memory_space<vmem>>
      %dma_start3A_356 = tpu.memref_squeeze %dma_start3A_355 : memref<1x128xi32, #tpu.memory_space<vmem>> -> memref<128xi32, #tpu.memory_space<vmem>>
      %dma_start3A_357 = arith.constant 0 : i32
      %dma_start3A_358 = tpu.memref_slice %arg9[%dma_start3A_353, %dma_start3A_357] : memref<16x128xi32, #tpu.memory_space<vmem>> -> memref<1x128xi32, #tpu.memory_space<vmem>>
      %dma_start3A_359 = tpu.memref_squeeze %dma_start3A_358 : memref<1x128xi32, #tpu.memory_space<vmem>> -> memref<128xi32, #tpu.memory_space<vmem>>
      %dma_start3A_360 = arith.constant 0 : i32
      %dma_start3A_361 = tpu.memref_slice %arg13[%dma_start3A_360] : memref<1616416xi32, #tpu.memory_space<vmem_shared>> -> memref<1616416xi32, #tpu.memory_space<vmem_shared>>
      tpu.enqueue_indirect_dma source(%dma_start3A_356 : memref<128xi32, #tpu.memory_space<vmem>>) target(%dma_start3A_361 : memref<1616416xi32, #tpu.memory_space<vmem_shared>>) offsets(%dma_start3A_359 : memref<128xi32, #tpu.memory_space<vmem>>) semaphore(%arg15 : memref<!tpu.dma_semaphore, #tpu.memory_space<semaphore_mem>>) {add = true}
      %dma_wait3A_362 = arith.constant 0 : i32
      %dma_wait3A_363 = arith.constant 0 : i32
      %dma_wait3A_364 = arith.constant 0 : i32
      %dma_wait3A_365 = tpu.memref_slice %arg10[%dma_wait3A_362, %dma_wait3A_364] : memref<16x128xi32, #tpu.memory_space<vmem>> -> memref<1x128xi32, #tpu.memory_space<vmem>>
      %dma_wait3A_366 = tpu.memref_squeeze %dma_wait3A_365 : memref<1x128xi32, #tpu.memory_space<vmem>> -> memref<128xi32, #tpu.memory_space<vmem>>
      %dma_wait3A_367 = arith.constant 0 : i32
      %dma_wait3A_368 = tpu.memref_slice %arg9[%dma_wait3A_363, %dma_wait3A_367] : memref<16x128xi32, #tpu.memory_space<vmem>> -> memref<1x128xi32, #tpu.memory_space<vmem>>
      %dma_wait3A_369 = tpu.memref_squeeze %dma_wait3A_368 : memref<1x128xi32, #tpu.memory_space<vmem>> -> memref<128xi32, #tpu.memory_space<vmem>>
      %dma_wait3A_370 = arith.constant 0 : i32
      %dma_wait3A_371 = tpu.memref_slice %arg13[%dma_wait3A_370] : memref<1616416xi32, #tpu.memory_space<vmem_shared>> -> memref<1616416xi32, #tpu.memory_space<vmem_shared>>
      tpu.wait_indirect_dma semaphore(%arg15 : memref<!tpu.dma_semaphore, #tpu.memory_space<semaphore_mem>>) src(%dma_wait3A_366 : memref<128xi32, #tpu.memory_space<vmem>>) dst(%dma_wait3A_371 : memref<1616416xi32, #tpu.memory_space<vmem_shared>>)
      %dma_wait3A_372 = arith.constant 1 : i32
      %dma_wait3A_373 = arith.constant 1 : i32
      %dma_wait3A_374 = arith.constant 0 : i32
      %dma_wait3A_375 = tpu.memref_slice %arg10[%dma_wait3A_372, %dma_wait3A_374] : memref<16x128xi32, #tpu.memory_space<vmem>> -> memref<1x128xi32, #tpu.memory_space<vmem>>
      %dma_wait3A_376 = tpu.memref_squeeze %dma_wait3A_375 : memref<1x128xi32, #tpu.memory_space<vmem>> -> memref<128xi32, #tpu.memory_space<vmem>>
      %dma_wait3A_377 = arith.constant 0 : i32
      %dma_wait3A_378 = tpu.memref_slice %arg9[%dma_wait3A_373, %dma_wait3A_377] : memref<16x128xi32, #tpu.memory_space<vmem>> -> memref<1x128xi32, #tpu.memory_space<vmem>>
      %dma_wait3A_379 = tpu.memref_squeeze %dma_wait3A_378 : memref<1x128xi32, #tpu.memory_space<vmem>> -> memref<128xi32, #tpu.memory_space<vmem>>
      %dma_wait3A_380 = arith.constant 0 : i32
      %dma_wait3A_381 = tpu.memref_slice %arg13[%dma_wait3A_380] : memref<1616416xi32, #tpu.memory_space<vmem_shared>> -> memref<1616416xi32, #tpu.memory_space<vmem_shared>>
      tpu.wait_indirect_dma semaphore(%arg15 : memref<!tpu.dma_semaphore, #tpu.memory_space<semaphore_mem>>) src(%dma_wait3A_376 : memref<128xi32, #tpu.memory_space<vmem>>) dst(%dma_wait3A_381 : memref<1616416xi32, #tpu.memory_space<vmem_shared>>)
      %dma_wait3A_382 = arith.constant 2 : i32
      %dma_wait3A_383 = arith.constant 2 : i32
      %dma_wait3A_384 = arith.constant 0 : i32
      %dma_wait3A_385 = tpu.memref_slice %arg10[%dma_wait3A_382, %dma_wait3A_384] : memref<16x128xi32, #tpu.memory_space<vmem>> -> memref<1x128xi32, #tpu.memory_space<vmem>>
      %dma_wait3A_386 = tpu.memref_squeeze %dma_wait3A_385 : memref<1x128xi32, #tpu.memory_space<vmem>> -> memref<128xi32, #tpu.memory_space<vmem>>
      %dma_wait3A_387 = arith.constant 0 : i32
      %dma_wait3A_388 = tpu.memref_slice %arg9[%dma_wait3A_383, %dma_wait3A_387] : memref<16x128xi32, #tpu.memory_space<vmem>> -> memref<1x128xi32, #tpu.memory_space<vmem>>
      %dma_wait3A_389 = tpu.memref_squeeze %dma_wait3A_388 : memref<1x128xi32, #tpu.memory_space<vmem>> -> memref<128xi32, #tpu.memory_space<vmem>>
      %dma_wait3A_390 = arith.constant 0 : i32
      %dma_wait3A_391 = tpu.memref_slice %arg13[%dma_wait3A_390] : memref<1616416xi32, #tpu.memory_space<vmem_shared>> -> memref<1616416xi32, #tpu.memory_space<vmem_shared>>
      tpu.wait_indirect_dma semaphore(%arg15 : memref<!tpu.dma_semaphore, #tpu.memory_space<semaphore_mem>>) src(%dma_wait3A_386 : memref<128xi32, #tpu.memory_space<vmem>>) dst(%dma_wait3A_391 : memref<1616416xi32, #tpu.memory_space<vmem_shared>>)
      %dma_wait3A_392 = arith.constant 3 : i32
      %dma_wait3A_393 = arith.constant 3 : i32
      %dma_wait3A_394 = arith.constant 0 : i32
      %dma_wait3A_395 = tpu.memref_slice %arg10[%dma_wait3A_392, %dma_wait3A_394] : memref<16x128xi32, #tpu.memory_space<vmem>> -> memref<1x128xi32, #tpu.memory_space<vmem>>
      %dma_wait3A_396 = tpu.memref_squeeze %dma_wait3A_395 : memref<1x128xi32, #tpu.memory_space<vmem>> -> memref<128xi32, #tpu.memory_space<vmem>>
      %dma_wait3A_397 = arith.constant 0 : i32
      %dma_wait3A_398 = tpu.memref_slice %arg9[%dma_wait3A_393, %dma_wait3A_397] : memref<16x128xi32, #tpu.memory_space<vmem>> -> memref<1x128xi32, #tpu.memory_space<vmem>>
      %dma_wait3A_399 = tpu.memref_squeeze %dma_wait3A_398 : memref<1x128xi32, #tpu.memory_space<vmem>> -> memref<128xi32, #tpu.memory_space<vmem>>
      %dma_wait3A_400 = arith.constant 0 : i32
      %dma_wait3A_401 = tpu.memref_slice %arg13[%dma_wait3A_400] : memref<1616416xi32, #tpu.memory_space<vmem_shared>> -> memref<1616416xi32, #tpu.memory_space<vmem_shared>>
      tpu.wait_indirect_dma semaphore(%arg15 : memref<!tpu.dma_semaphore, #tpu.memory_space<semaphore_mem>>) src(%dma_wait3A_396 : memref<128xi32, #tpu.memory_space<vmem>>) dst(%dma_wait3A_401 : memref<1616416xi32, #tpu.memory_space<vmem_shared>>)
      %dma_wait3A_402 = arith.constant 4 : i32
      %dma_wait3A_403 = arith.constant 4 : i32
      %dma_wait3A_404 = arith.constant 0 : i32
      %dma_wait3A_405 = tpu.memref_slice %arg10[%dma_wait3A_402, %dma_wait3A_404] : memref<16x128xi32, #tpu.memory_space<vmem>> -> memref<1x128xi32, #tpu.memory_space<vmem>>
      %dma_wait3A_406 = tpu.memref_squeeze %dma_wait3A_405 : memref<1x128xi32, #tpu.memory_space<vmem>> -> memref<128xi32, #tpu.memory_space<vmem>>
      %dma_wait3A_407 = arith.constant 0 : i32
      %dma_wait3A_408 = tpu.memref_slice %arg9[%dma_wait3A_403, %dma_wait3A_407] : memref<16x128xi32, #tpu.memory_space<vmem>> -> memref<1x128xi32, #tpu.memory_space<vmem>>
      %dma_wait3A_409 = tpu.memref_squeeze %dma_wait3A_408 : memref<1x128xi32, #tpu.memory_space<vmem>> -> memref<128xi32, #tpu.memory_space<vmem>>
      %dma_wait3A_410 = arith.constant 0 : i32
      %dma_wait3A_411 = tpu.memref_slice %arg13[%dma_wait3A_410] : memref<1616416xi32, #tpu.memory_space<vmem_shared>> -> memref<1616416xi32, #tpu.memory_space<vmem_shared>>
      tpu.wait_indirect_dma semaphore(%arg15 : memref<!tpu.dma_semaphore, #tpu.memory_space<semaphore_mem>>) src(%dma_wait3A_406 : memref<128xi32, #tpu.memory_space<vmem>>) dst(%dma_wait3A_411 : memref<1616416xi32, #tpu.memory_space<vmem_shared>>)
      %dma_wait3A_412 = arith.constant 5 : i32
      %dma_wait3A_413 = arith.constant 5 : i32
      %dma_wait3A_414 = arith.constant 0 : i32
      %dma_wait3A_415 = tpu.memref_slice %arg10[%dma_wait3A_412, %dma_wait3A_414] : memref<16x128xi32, #tpu.memory_space<vmem>> -> memref<1x128xi32, #tpu.memory_space<vmem>>
      %dma_wait3A_416 = tpu.memref_squeeze %dma_wait3A_415 : memref<1x128xi32, #tpu.memory_space<vmem>> -> memref<128xi32, #tpu.memory_space<vmem>>
      %dma_wait3A_417 = arith.constant 0 : i32
      %dma_wait3A_418 = tpu.memref_slice %arg9[%dma_wait3A_413, %dma_wait3A_417] : memref<16x128xi32, #tpu.memory_space<vmem>> -> memref<1x128xi32, #tpu.memory_space<vmem>>
      %dma_wait3A_419 = tpu.memref_squeeze %dma_wait3A_418 : memref<1x128xi32, #tpu.memory_space<vmem>> -> memref<128xi32, #tpu.memory_space<vmem>>
      %dma_wait3A_420 = arith.constant 0 : i32
      %dma_wait3A_421 = tpu.memref_slice %arg13[%dma_wait3A_420] : memref<1616416xi32, #tpu.memory_space<vmem_shared>> -> memref<1616416xi32, #tpu.memory_space<vmem_shared>>
      tpu.wait_indirect_dma semaphore(%arg15 : memref<!tpu.dma_semaphore, #tpu.memory_space<semaphore_mem>>) src(%dma_wait3A_416 : memref<128xi32, #tpu.memory_space<vmem>>) dst(%dma_wait3A_421 : memref<1616416xi32, #tpu.memory_space<vmem_shared>>)
      %dma_wait3A_422 = arith.constant 6 : i32
      %dma_wait3A_423 = arith.constant 6 : i32
      %dma_wait3A_424 = arith.constant 0 : i32
      %dma_wait3A_425 = tpu.memref_slice %arg10[%dma_wait3A_422, %dma_wait3A_424] : memref<16x128xi32, #tpu.memory_space<vmem>> -> memref<1x128xi32, #tpu.memory_space<vmem>>
      %dma_wait3A_426 = tpu.memref_squeeze %dma_wait3A_425 : memref<1x128xi32, #tpu.memory_space<vmem>> -> memref<128xi32, #tpu.memory_space<vmem>>
      %dma_wait3A_427 = arith.constant 0 : i32
      %dma_wait3A_428 = tpu.memref_slice %arg9[%dma_wait3A_423, %dma_wait3A_427] : memref<16x128xi32, #tpu.memory_space<vmem>> -> memref<1x128xi32, #tpu.memory_space<vmem>>
      %dma_wait3A_429 = tpu.memref_squeeze %dma_wait3A_428 : memref<1x128xi32, #tpu.memory_space<vmem>> -> memref<128xi32, #tpu.memory_space<vmem>>
      %dma_wait3A_430 = arith.constant 0 : i32
      %dma_wait3A_431 = tpu.memref_slice %arg13[%dma_wait3A_430] : memref<1616416xi32, #tpu.memory_space<vmem_shared>> -> memref<1616416xi32, #tpu.memory_space<vmem_shared>>
      tpu.wait_indirect_dma semaphore(%arg15 : memref<!tpu.dma_semaphore, #tpu.memory_space<semaphore_mem>>) src(%dma_wait3A_426 : memref<128xi32, #tpu.memory_space<vmem>>) dst(%dma_wait3A_431 : memref<1616416xi32, #tpu.memory_space<vmem_shared>>)
      %dma_wait3A_432 = arith.constant 7 : i32
      %dma_wait3A_433 = arith.constant 7 : i32
      %dma_wait3A_434 = arith.constant 0 : i32
      %dma_wait3A_435 = tpu.memref_slice %arg10[%dma_wait3A_432, %dma_wait3A_434] : memref<16x128xi32, #tpu.memory_space<vmem>> -> memref<1x128xi32, #tpu.memory_space<vmem>>
      %dma_wait3A_436 = tpu.memref_squeeze %dma_wait3A_435 : memref<1x128xi32, #tpu.memory_space<vmem>> -> memref<128xi32, #tpu.memory_space<vmem>>
      %dma_wait3A_437 = arith.constant 0 : i32
      %dma_wait3A_438 = tpu.memref_slice %arg9[%dma_wait3A_433, %dma_wait3A_437] : memref<16x128xi32, #tpu.memory_space<vmem>> -> memref<1x128xi32, #tpu.memory_space<vmem>>
      %dma_wait3A_439 = tpu.memref_squeeze %dma_wait3A_438 : memref<1x128xi32, #tpu.memory_space<vmem>> -> memref<128xi32, #tpu.memory_space<vmem>>
      %dma_wait3A_440 = arith.constant 0 : i32
      %dma_wait3A_441 = tpu.memref_slice %arg13[%dma_wait3A_440] : memref<1616416xi32, #tpu.memory_space<vmem_shared>> -> memref<1616416xi32, #tpu.memory_space<vmem_shared>>
      tpu.wait_indirect_dma semaphore(%arg15 : memref<!tpu.dma_semaphore, #tpu.memory_space<semaphore_mem>>) src(%dma_wait3A_436 : memref<128xi32, #tpu.memory_space<vmem>>) dst(%dma_wait3A_441 : memref<1616416xi32, #tpu.memory_space<vmem_shared>>)
      %dma_wait3A_442 = arith.constant 8 : i32
      %dma_wait3A_443 = arith.constant 8 : i32
      %dma_wait3A_444 = arith.constant 0 : i32
      %dma_wait3A_445 = tpu.memref_slice %arg10[%dma_wait3A_442, %dma_wait3A_444] : memref<16x128xi32, #tpu.memory_space<vmem>> -> memref<1x128xi32, #tpu.memory_space<vmem>>
      %dma_wait3A_446 = tpu.memref_squeeze %dma_wait3A_445 : memref<1x128xi32, #tpu.memory_space<vmem>> -> memref<128xi32, #tpu.memory_space<vmem>>
      %dma_wait3A_447 = arith.constant 0 : i32
      %dma_wait3A_448 = tpu.memref_slice %arg9[%dma_wait3A_443, %dma_wait3A_447] : memref<16x128xi32, #tpu.memory_space<vmem>> -> memref<1x128xi32, #tpu.memory_space<vmem>>
      %dma_wait3A_449 = tpu.memref_squeeze %dma_wait3A_448 : memref<1x128xi32, #tpu.memory_space<vmem>> -> memref<128xi32, #tpu.memory_space<vmem>>
      %dma_wait3A_450 = arith.constant 0 : i32
      %dma_wait3A_451 = tpu.memref_slice %arg13[%dma_wait3A_450] : memref<1616416xi32, #tpu.memory_space<vmem_shared>> -> memref<1616416xi32, #tpu.memory_space<vmem_shared>>
      tpu.wait_indirect_dma semaphore(%arg15 : memref<!tpu.dma_semaphore, #tpu.memory_space<semaphore_mem>>) src(%dma_wait3A_446 : memref<128xi32, #tpu.memory_space<vmem>>) dst(%dma_wait3A_451 : memref<1616416xi32, #tpu.memory_space<vmem_shared>>)
      %dma_wait3A_452 = arith.constant 9 : i32
      %dma_wait3A_453 = arith.constant 9 : i32
      %dma_wait3A_454 = arith.constant 0 : i32
      %dma_wait3A_455 = tpu.memref_slice %arg10[%dma_wait3A_452, %dma_wait3A_454] : memref<16x128xi32, #tpu.memory_space<vmem>> -> memref<1x128xi32, #tpu.memory_space<vmem>>
      %dma_wait3A_456 = tpu.memref_squeeze %dma_wait3A_455 : memref<1x128xi32, #tpu.memory_space<vmem>> -> memref<128xi32, #tpu.memory_space<vmem>>
      %dma_wait3A_457 = arith.constant 0 : i32
      %dma_wait3A_458 = tpu.memref_slice %arg9[%dma_wait3A_453, %dma_wait3A_457] : memref<16x128xi32, #tpu.memory_space<vmem>> -> memref<1x128xi32, #tpu.memory_space<vmem>>
      %dma_wait3A_459 = tpu.memref_squeeze %dma_wait3A_458 : memref<1x128xi32, #tpu.memory_space<vmem>> -> memref<128xi32, #tpu.memory_space<vmem>>
      %dma_wait3A_460 = arith.constant 0 : i32
      %dma_wait3A_461 = tpu.memref_slice %arg13[%dma_wait3A_460] : memref<1616416xi32, #tpu.memory_space<vmem_shared>> -> memref<1616416xi32, #tpu.memory_space<vmem_shared>>
      tpu.wait_indirect_dma semaphore(%arg15 : memref<!tpu.dma_semaphore, #tpu.memory_space<semaphore_mem>>) src(%dma_wait3A_456 : memref<128xi32, #tpu.memory_space<vmem>>) dst(%dma_wait3A_461 : memref<1616416xi32, #tpu.memory_space<vmem_shared>>)
      %dma_wait3A_462 = arith.constant 10 : i32
      %dma_wait3A_463 = arith.constant 10 : i32
      %dma_wait3A_464 = arith.constant 0 : i32
      %dma_wait3A_465 = tpu.memref_slice %arg10[%dma_wait3A_462, %dma_wait3A_464] : memref<16x128xi32, #tpu.memory_space<vmem>> -> memref<1x128xi32, #tpu.memory_space<vmem>>
      %dma_wait3A_466 = tpu.memref_squeeze %dma_wait3A_465 : memref<1x128xi32, #tpu.memory_space<vmem>> -> memref<128xi32, #tpu.memory_space<vmem>>
      %dma_wait3A_467 = arith.constant 0 : i32
      %dma_wait3A_468 = tpu.memref_slice %arg9[%dma_wait3A_463, %dma_wait3A_467] : memref<16x128xi32, #tpu.memory_space<vmem>> -> memref<1x128xi32, #tpu.memory_space<vmem>>
      %dma_wait3A_469 = tpu.memref_squeeze %dma_wait3A_468 : memref<1x128xi32, #tpu.memory_space<vmem>> -> memref<128xi32, #tpu.memory_space<vmem>>
      %dma_wait3A_470 = arith.constant 0 : i32
      %dma_wait3A_471 = tpu.memref_slice %arg13[%dma_wait3A_470] : memref<1616416xi32, #tpu.memory_space<vmem_shared>> -> memref<1616416xi32, #tpu.memory_space<vmem_shared>>
      tpu.wait_indirect_dma semaphore(%arg15 : memref<!tpu.dma_semaphore, #tpu.memory_space<semaphore_mem>>) src(%dma_wait3A_466 : memref<128xi32, #tpu.memory_space<vmem>>) dst(%dma_wait3A_471 : memref<1616416xi32, #tpu.memory_space<vmem_shared>>)
      %dma_wait3A_472 = arith.constant 11 : i32
      %dma_wait3A_473 = arith.constant 11 : i32
      %dma_wait3A_474 = arith.constant 0 : i32
      %dma_wait3A_475 = tpu.memref_slice %arg10[%dma_wait3A_472, %dma_wait3A_474] : memref<16x128xi32, #tpu.memory_space<vmem>> -> memref<1x128xi32, #tpu.memory_space<vmem>>
      %dma_wait3A_476 = tpu.memref_squeeze %dma_wait3A_475 : memref<1x128xi32, #tpu.memory_space<vmem>> -> memref<128xi32, #tpu.memory_space<vmem>>
      %dma_wait3A_477 = arith.constant 0 : i32
      %dma_wait3A_478 = tpu.memref_slice %arg9[%dma_wait3A_473, %dma_wait3A_477] : memref<16x128xi32, #tpu.memory_space<vmem>> -> memref<1x128xi32, #tpu.memory_space<vmem>>
      %dma_wait3A_479 = tpu.memref_squeeze %dma_wait3A_478 : memref<1x128xi32, #tpu.memory_space<vmem>> -> memref<128xi32, #tpu.memory_space<vmem>>
      %dma_wait3A_480 = arith.constant 0 : i32
      %dma_wait3A_481 = tpu.memref_slice %arg13[%dma_wait3A_480] : memref<1616416xi32, #tpu.memory_space<vmem_shared>> -> memref<1616416xi32, #tpu.memory_space<vmem_shared>>
      tpu.wait_indirect_dma semaphore(%arg15 : memref<!tpu.dma_semaphore, #tpu.memory_space<semaphore_mem>>) src(%dma_wait3A_476 : memref<128xi32, #tpu.memory_space<vmem>>) dst(%dma_wait3A_481 : memref<1616416xi32, #tpu.memory_space<vmem_shared>>)
      %dma_wait3A_482 = arith.constant 12 : i32
      %dma_wait3A_483 = arith.constant 12 : i32
      %dma_wait3A_484 = arith.constant 0 : i32
      %dma_wait3A_485 = tpu.memref_slice %arg10[%dma_wait3A_482, %dma_wait3A_484] : memref<16x128xi32, #tpu.memory_space<vmem>> -> memref<1x128xi32, #tpu.memory_space<vmem>>
      %dma_wait3A_486 = tpu.memref_squeeze %dma_wait3A_485 : memref<1x128xi32, #tpu.memory_space<vmem>> -> memref<128xi32, #tpu.memory_space<vmem>>
      %dma_wait3A_487 = arith.constant 0 : i32
      %dma_wait3A_488 = tpu.memref_slice %arg9[%dma_wait3A_483, %dma_wait3A_487] : memref<16x128xi32, #tpu.memory_space<vmem>> -> memref<1x128xi32, #tpu.memory_space<vmem>>
      %dma_wait3A_489 = tpu.memref_squeeze %dma_wait3A_488 : memref<1x128xi32, #tpu.memory_space<vmem>> -> memref<128xi32, #tpu.memory_space<vmem>>
      %dma_wait3A_490 = arith.constant 0 : i32
      %dma_wait3A_491 = tpu.memref_slice %arg13[%dma_wait3A_490] : memref<1616416xi32, #tpu.memory_space<vmem_shared>> -> memref<1616416xi32, #tpu.memory_space<vmem_shared>>
      tpu.wait_indirect_dma semaphore(%arg15 : memref<!tpu.dma_semaphore, #tpu.memory_space<semaphore_mem>>) src(%dma_wait3A_486 : memref<128xi32, #tpu.memory_space<vmem>>) dst(%dma_wait3A_491 : memref<1616416xi32, #tpu.memory_space<vmem_shared>>)
      %dma_wait3A_492 = arith.constant 13 : i32
      %dma_wait3A_493 = arith.constant 13 : i32
      %dma_wait3A_494 = arith.constant 0 : i32
      %dma_wait3A_495 = tpu.memref_slice %arg10[%dma_wait3A_492, %dma_wait3A_494] : memref<16x128xi32, #tpu.memory_space<vmem>> -> memref<1x128xi32, #tpu.memory_space<vmem>>
      %dma_wait3A_496 = tpu.memref_squeeze %dma_wait3A_495 : memref<1x128xi32, #tpu.memory_space<vmem>> -> memref<128xi32, #tpu.memory_space<vmem>>
      %dma_wait3A_497 = arith.constant 0 : i32
      %dma_wait3A_498 = tpu.memref_slice %arg9[%dma_wait3A_493, %dma_wait3A_497] : memref<16x128xi32, #tpu.memory_space<vmem>> -> memref<1x128xi32, #tpu.memory_space<vmem>>
      %dma_wait3A_499 = tpu.memref_squeeze %dma_wait3A_498 : memref<1x128xi32, #tpu.memory_space<vmem>> -> memref<128xi32, #tpu.memory_space<vmem>>
      %dma_wait3A_500 = arith.constant 0 : i32
      %dma_wait3A_501 = tpu.memref_slice %arg13[%dma_wait3A_500] : memref<1616416xi32, #tpu.memory_space<vmem_shared>> -> memref<1616416xi32, #tpu.memory_space<vmem_shared>>
      tpu.wait_indirect_dma semaphore(%arg15 : memref<!tpu.dma_semaphore, #tpu.memory_space<semaphore_mem>>) src(%dma_wait3A_496 : memref<128xi32, #tpu.memory_space<vmem>>) dst(%dma_wait3A_501 : memref<1616416xi32, #tpu.memory_space<vmem_shared>>)
      %dma_wait3A_502 = arith.constant 14 : i32
      %dma_wait3A_503 = arith.constant 14 : i32
      %dma_wait3A_504 = arith.constant 0 : i32
      %dma_wait3A_505 = tpu.memref_slice %arg10[%dma_wait3A_502, %dma_wait3A_504] : memref<16x128xi32, #tpu.memory_space<vmem>> -> memref<1x128xi32, #tpu.memory_space<vmem>>
      %dma_wait3A_506 = tpu.memref_squeeze %dma_wait3A_505 : memref<1x128xi32, #tpu.memory_space<vmem>> -> memref<128xi32, #tpu.memory_space<vmem>>
      %dma_wait3A_507 = arith.constant 0 : i32
      %dma_wait3A_508 = tpu.memref_slice %arg9[%dma_wait3A_503, %dma_wait3A_507] : memref<16x128xi32, #tpu.memory_space<vmem>> -> memref<1x128xi32, #tpu.memory_space<vmem>>
      %dma_wait3A_509 = tpu.memref_squeeze %dma_wait3A_508 : memref<1x128xi32, #tpu.memory_space<vmem>> -> memref<128xi32, #tpu.memory_space<vmem>>
      %dma_wait3A_510 = arith.constant 0 : i32
      %dma_wait3A_511 = tpu.memref_slice %arg13[%dma_wait3A_510] : memref<1616416xi32, #tpu.memory_space<vmem_shared>> -> memref<1616416xi32, #tpu.memory_space<vmem_shared>>
      tpu.wait_indirect_dma semaphore(%arg15 : memref<!tpu.dma_semaphore, #tpu.memory_space<semaphore_mem>>) src(%dma_wait3A_506 : memref<128xi32, #tpu.memory_space<vmem>>) dst(%dma_wait3A_511 : memref<1616416xi32, #tpu.memory_space<vmem_shared>>)
      %dma_wait3A_512 = arith.constant 15 : i32
      %dma_wait3A_513 = arith.constant 15 : i32
      %dma_wait3A_514 = arith.constant 0 : i32
      %dma_wait3A_515 = tpu.memref_slice %arg10[%dma_wait3A_512, %dma_wait3A_514] : memref<16x128xi32, #tpu.memory_space<vmem>> -> memref<1x128xi32, #tpu.memory_space<vmem>>
      %dma_wait3A_516 = tpu.memref_squeeze %dma_wait3A_515 : memref<1x128xi32, #tpu.memory_space<vmem>> -> memref<128xi32, #tpu.memory_space<vmem>>
      %dma_wait3A_517 = arith.constant 0 : i32
      %dma_wait3A_518 = tpu.memref_slice %arg9[%dma_wait3A_513, %dma_wait3A_517] : memref<16x128xi32, #tpu.memory_space<vmem>> -> memref<1x128xi32, #tpu.memory_space<vmem>>
      %dma_wait3A_519 = tpu.memref_squeeze %dma_wait3A_518 : memref<1x128xi32, #tpu.memory_space<vmem>> -> memref<128xi32, #tpu.memory_space<vmem>>
      %dma_wait3A_520 = arith.constant 0 : i32
      %dma_wait3A_521 = tpu.memref_slice %arg13[%dma_wait3A_520] : memref<1616416xi32, #tpu.memory_space<vmem_shared>> -> memref<1616416xi32, #tpu.memory_space<vmem_shared>>
      tpu.wait_indirect_dma semaphore(%arg15 : memref<!tpu.dma_semaphore, #tpu.memory_space<semaphore_mem>>) src(%dma_wait3A_516 : memref<128xi32, #tpu.memory_space<vmem>>) dst(%dma_wait3A_521 : memref<1616416xi32, #tpu.memory_space<vmem_shared>>)
      %scan3A_522 = arith.constant 0 : i32
      scf.yield %scan3A_522 : i32
    }
    %scan3A_26 = arith.constant 14 : i32
    %barrier3A_27 = arith.constant 0 : index
    tpu.barrier barrier_id(%barrier3A_27)
    %mul3A = arith.constant 100000 : i32
    %mul3A_28 = arith.muli %arg1, %mul3A : i32
    %add3A = arith.constant 0 : i32
    %add3A_29 = arith.addi %mul3A_28, %add3A : i32
    "tpu.region"() ({
      %run_scoped3A = tpu.sem_alloc : memref<!tpu.dma_semaphore, #tpu.memory_space<semaphore_mem>>
      %dma_start3A_62 = tpu.memref_slice %arg13[%add3A_29] : memref<1616416xi32, #tpu.memory_space<vmem_shared>> -> memref<4000xi32, #tpu.memory_space<vmem_shared>>
      %dma_start3A_63 = tpu.memref_slice %arg13[%add3A_29] : memref<1616416xi32, #tpu.memory_space<vmem_shared>> -> memref<4000xi32, #tpu.memory_space<vmem_shared>>
      tpu.enqueue_dma source(%dma_start3A_63 : memref<4000xi32, #tpu.memory_space<vmem_shared>>) target(%arg11 : memref<4000xi32, #tpu.memory_space<vmem>>) target_semaphore(%run_scoped3A : memref<!tpu.dma_semaphore, #tpu.memory_space<semaphore_mem>>)
      %dma_wait3A_64 = tpu.memref_slice %arg13[%add3A_29] : memref<1616416xi32, #tpu.memory_space<vmem_shared>> -> memref<4000xi32, #tpu.memory_space<vmem_shared>>
      %dma_wait3A_65 = tpu.memref_slice %arg13[%add3A_29] : memref<1616416xi32, #tpu.memory_space<vmem_shared>> -> memref<4000xi32, #tpu.memory_space<vmem_shared>>
      tpu.wait_dma2 semaphore(%run_scoped3A : memref<!tpu.dma_semaphore, #tpu.memory_space<semaphore_mem>>) src(%dma_wait3A_65 : memref<4000xi32, #tpu.memory_space<vmem_shared>>) dst(%arg11 : memref<4000xi32, #tpu.memory_space<vmem>>)
      tpu.yield
    }) : () -> ()
    %mul3A_30 = arith.constant 1600000 : i32
    %mul3A_31 = arith.muli %arg0, %mul3A_30 : i32
    %mul3A_32 = arith.constant 100000 : i32
    %mul3A_33 = arith.muli %arg1, %mul3A_32 : i32
    %add3A_34 = arith.addi %mul3A_31, %mul3A_33 : i32
    %add3A_35 = arith.constant 0 : i32
    %add3A_36 = arith.addi %add3A_34, %add3A_35 : i32
    %dma_start3A = tpu.memref_slice %arg5[%add3A_36] : memref<3200000xi32, #tpu.memory_space<hbm>> -> memref<4000xi32, #tpu.memory_space<hbm>>
    %dma_start3A_37 = tpu.memref_slice %arg5[%add3A_36] : memref<3200000xi32, #tpu.memory_space<hbm>> -> memref<4000xi32, #tpu.memory_space<hbm>>
    tpu.enqueue_dma source(%arg11 : memref<4000xi32, #tpu.memory_space<vmem>>) target(%dma_start3A_37 : memref<4000xi32, #tpu.memory_space<hbm>>) target_semaphore(%arg17 : memref<!tpu.dma_semaphore, #tpu.memory_space<semaphore_mem>>)
    %scan3A_38 = arith.constant 0 : i32
    %scan3A_39 = arith.constant 1 : i32
    %scan3A_40 = arith.constant 12 : i32
    %scan3A_41 = arith.addi %scan3A_39, %scan3A_40 : i32
    %scan3A_42 = arith.constant 1 : i32
    %scan3A_43 = scf.for %scan3A_62 = %scan3A_39 to %scan3A_41 step %scan3A_42 iter_args(%scan3A_63 = %scan3A_38) -> (i32)  : i32 {
      %gt3A = arith.constant 1 : i32
      %gt3A_64 = arith.cmpi sgt, %scan3A_62, %gt3A : i32
      %convert_element_type3A = arith.extui %gt3A_64 : i1 to i32
      %cond3A = arith.constant 0 : i32
      %cond3A_65 = arith.cmpi ne, %convert_element_type3A, %cond3A : i32
      scf.if %cond3A_65 {
        %mul3A_117 = arith.constant 1600000 : i32
        %mul3A_118 = arith.muli %arg0, %mul3A_117 : i32
        %mul3A_119 = arith.constant 100000 : i32
        %mul3A_120 = arith.muli %arg1, %mul3A_119 : i32
        %add3A_121 = arith.addi %mul3A_118, %mul3A_120 : i32
        %add3A_122 = arith.constant 0 : i32
        %add3A_123 = arith.addi %add3A_121, %add3A_122 : i32
        %dma_wait3A_124 = tpu.memref_slice %arg5[%add3A_123] : memref<3200000xi32, #tpu.memory_space<hbm>> -> memref<4000xi32, #tpu.memory_space<hbm>>
        %dma_wait3A_125 = tpu.memref_slice %arg5[%add3A_123] : memref<3200000xi32, #tpu.memory_space<hbm>> -> memref<4000xi32, #tpu.memory_space<hbm>>
        tpu.wait_dma2 semaphore(%arg18 : memref<!tpu.dma_semaphore, #tpu.memory_space<semaphore_mem>>) src(%arg12 : memref<4000xi32, #tpu.memory_space<vmem>>) dst(%dma_wait3A_125 : memref<4000xi32, #tpu.memory_space<hbm>>)
      } else {
      }
      %mul3A_66 = arith.constant 2 : i32
      %mul3A_67 = arith.muli %mul3A_66, %scan3A_62 : i32
      %sub3A = arith.constant 1 : i32
      %sub3A_68 = arith.subi %mul3A_67, %sub3A : i32
      %mul3A_69 = arith.constant 100000 : i32
      %mul3A_70 = arith.muli %arg1, %mul3A_69 : i32
      %mul3A_71 = arith.constant 4000 : i32
      %mul3A_72 = arith.muli %sub3A_68, %mul3A_71 : i32
      %add3A_73 = arith.addi %mul3A_70, %mul3A_72 : i32
      "tpu.region"() ({
        %run_scoped3A = tpu.sem_alloc : memref<!tpu.dma_semaphore, #tpu.memory_space<semaphore_mem>>
        %dma_start3A_117 = tpu.memref_slice %arg13[%add3A_73] : memref<1616416xi32, #tpu.memory_space<vmem_shared>> -> memref<4000xi32, #tpu.memory_space<vmem_shared>>
        %dma_start3A_118 = tpu.memref_slice %arg13[%add3A_73] : memref<1616416xi32, #tpu.memory_space<vmem_shared>> -> memref<4000xi32, #tpu.memory_space<vmem_shared>>
        tpu.enqueue_dma source(%dma_start3A_118 : memref<4000xi32, #tpu.memory_space<vmem_shared>>) target(%arg12 : memref<4000xi32, #tpu.memory_space<vmem>>) target_semaphore(%run_scoped3A : memref<!tpu.dma_semaphore, #tpu.memory_space<semaphore_mem>>)
        %dma_wait3A_119 = tpu.memref_slice %arg13[%add3A_73] : memref<1616416xi32, #tpu.memory_space<vmem_shared>> -> memref<4000xi32, #tpu.memory_space<vmem_shared>>
        %dma_wait3A_120 = tpu.memref_slice %arg13[%add3A_73] : memref<1616416xi32, #tpu.memory_space<vmem_shared>> -> memref<4000xi32, #tpu.memory_space<vmem_shared>>
        tpu.wait_dma2 semaphore(%run_scoped3A : memref<!tpu.dma_semaphore, #tpu.memory_space<semaphore_mem>>) src(%dma_wait3A_120 : memref<4000xi32, #tpu.memory_space<vmem_shared>>) dst(%arg12 : memref<4000xi32, #tpu.memory_space<vmem>>)
        tpu.yield
      }) : () -> ()
      %mul3A_74 = arith.constant 2 : i32
      %mul3A_75 = arith.muli %mul3A_74, %scan3A_62 : i32
      %sub3A_76 = arith.constant 1 : i32
      %sub3A_77 = arith.subi %mul3A_75, %sub3A_76 : i32
      %mul3A_78 = arith.constant 1600000 : i32
      %mul3A_79 = arith.muli %arg0, %mul3A_78 : i32
      %mul3A_80 = arith.constant 100000 : i32
      %mul3A_81 = arith.muli %arg1, %mul3A_80 : i32
      %add3A_82 = arith.addi %mul3A_79, %mul3A_81 : i32
      %mul3A_83 = arith.constant 4000 : i32
      %mul3A_84 = arith.muli %sub3A_77, %mul3A_83 : i32
      %add3A_85 = arith.addi %add3A_82, %mul3A_84 : i32
      %dma_start3A_86 = tpu.memref_slice %arg5[%add3A_85] : memref<3200000xi32, #tpu.memory_space<hbm>> -> memref<4000xi32, #tpu.memory_space<hbm>>
      %dma_start3A_87 = tpu.memref_slice %arg5[%add3A_85] : memref<3200000xi32, #tpu.memory_space<hbm>> -> memref<4000xi32, #tpu.memory_space<hbm>>
      tpu.enqueue_dma source(%arg12 : memref<4000xi32, #tpu.memory_space<vmem>>) target(%dma_start3A_87 : memref<4000xi32, #tpu.memory_space<hbm>>) target_semaphore(%arg18 : memref<!tpu.dma_semaphore, #tpu.memory_space<semaphore_mem>>)
      %mul3A_88 = arith.constant 1600000 : i32
      %mul3A_89 = arith.muli %arg0, %mul3A_88 : i32
      %mul3A_90 = arith.constant 100000 : i32
      %mul3A_91 = arith.muli %arg1, %mul3A_90 : i32
      %add3A_92 = arith.addi %mul3A_89, %mul3A_91 : i32
      %add3A_93 = arith.constant 0 : i32
      %add3A_94 = arith.addi %add3A_92, %add3A_93 : i32
      %dma_wait3A_95 = tpu.memref_slice %arg5[%add3A_94] : memref<3200000xi32, #tpu.memory_space<hbm>> -> memref<4000xi32, #tpu.memory_space<hbm>>
      %dma_wait3A_96 = tpu.memref_slice %arg5[%add3A_94] : memref<3200000xi32, #tpu.memory_space<hbm>> -> memref<4000xi32, #tpu.memory_space<hbm>>
      tpu.wait_dma2 semaphore(%arg17 : memref<!tpu.dma_semaphore, #tpu.memory_space<semaphore_mem>>) src(%arg11 : memref<4000xi32, #tpu.memory_space<vmem>>) dst(%dma_wait3A_96 : memref<4000xi32, #tpu.memory_space<hbm>>)
      %mul3A_97 = arith.constant 2 : i32
      %mul3A_98 = arith.muli %mul3A_97, %scan3A_62 : i32
      %mul3A_99 = arith.constant 100000 : i32
      %mul3A_100 = arith.muli %arg1, %mul3A_99 : i32
      %mul3A_101 = arith.constant 4000 : i32
      %mul3A_102 = arith.muli %mul3A_98, %mul3A_101 : i32
      %add3A_103 = arith.addi %mul3A_100, %mul3A_102 : i32
      "tpu.region"() ({
        %run_scoped3A = tpu.sem_alloc : memref<!tpu.dma_semaphore, #tpu.memory_space<semaphore_mem>>
        %dma_start3A_117 = tpu.memref_slice %arg13[%add3A_103] : memref<1616416xi32, #tpu.memory_space<vmem_shared>> -> memref<4000xi32, #tpu.memory_space<vmem_shared>>
        %dma_start3A_118 = tpu.memref_slice %arg13[%add3A_103] : memref<1616416xi32, #tpu.memory_space<vmem_shared>> -> memref<4000xi32, #tpu.memory_space<vmem_shared>>
        tpu.enqueue_dma source(%dma_start3A_118 : memref<4000xi32, #tpu.memory_space<vmem_shared>>) target(%arg11 : memref<4000xi32, #tpu.memory_space<vmem>>) target_semaphore(%run_scoped3A : memref<!tpu.dma_semaphore, #tpu.memory_space<semaphore_mem>>)
        %dma_wait3A_119 = tpu.memref_slice %arg13[%add3A_103] : memref<1616416xi32, #tpu.memory_space<vmem_shared>> -> memref<4000xi32, #tpu.memory_space<vmem_shared>>
        %dma_wait3A_120 = tpu.memref_slice %arg13[%add3A_103] : memref<1616416xi32, #tpu.memory_space<vmem_shared>> -> memref<4000xi32, #tpu.memory_space<vmem_shared>>
        tpu.wait_dma2 semaphore(%run_scoped3A : memref<!tpu.dma_semaphore, #tpu.memory_space<semaphore_mem>>) src(%dma_wait3A_120 : memref<4000xi32, #tpu.memory_space<vmem_shared>>) dst(%arg11 : memref<4000xi32, #tpu.memory_space<vmem>>)
        tpu.yield
      }) : () -> ()
      %mul3A_104 = arith.constant 2 : i32
      %mul3A_105 = arith.muli %mul3A_104, %scan3A_62 : i32
      %mul3A_106 = arith.constant 1600000 : i32
      %mul3A_107 = arith.muli %arg0, %mul3A_106 : i32
      %mul3A_108 = arith.constant 100000 : i32
      %mul3A_109 = arith.muli %arg1, %mul3A_108 : i32
      %add3A_110 = arith.addi %mul3A_107, %mul3A_109 : i32
      %mul3A_111 = arith.constant 4000 : i32
      %mul3A_112 = arith.muli %mul3A_105, %mul3A_111 : i32
      %add3A_113 = arith.addi %add3A_110, %mul3A_112 : i32
      %dma_start3A_114 = tpu.memref_slice %arg5[%add3A_113] : memref<3200000xi32, #tpu.memory_space<hbm>> -> memref<4000xi32, #tpu.memory_space<hbm>>
      %dma_start3A_115 = tpu.memref_slice %arg5[%add3A_113] : memref<3200000xi32, #tpu.memory_space<hbm>> -> memref<4000xi32, #tpu.memory_space<hbm>>
      tpu.enqueue_dma source(%arg11 : memref<4000xi32, #tpu.memory_space<vmem>>) target(%dma_start3A_115 : memref<4000xi32, #tpu.memory_space<hbm>>) target_semaphore(%arg17 : memref<!tpu.dma_semaphore, #tpu.memory_space<semaphore_mem>>)
      %scan3A_116 = arith.constant 0 : i32
      scf.yield %scan3A_116 : i32
    }
    %scan3A_44 = arith.constant 12 : i32
    %mul3A_45 = arith.constant 1600000 : i32
    %mul3A_46 = arith.muli %arg0, %mul3A_45 : i32
    %mul3A_47 = arith.constant 100000 : i32
    %mul3A_48 = arith.muli %arg1, %mul3A_47 : i32
    %add3A_49 = arith.addi %mul3A_46, %mul3A_48 : i32
    %add3A_50 = arith.constant 0 : i32
    %add3A_51 = arith.addi %add3A_49, %add3A_50 : i32
    %dma_wait3A = tpu.memref_slice %arg5[%add3A_51] : memref<3200000xi32, #tpu.memory_space<hbm>> -> memref<4000xi32, #tpu.memory_space<hbm>>
    %dma_wait3A_52 = tpu.memref_slice %arg5[%add3A_51] : memref<3200000xi32, #tpu.memory_space<hbm>> -> memref<4000xi32, #tpu.memory_space<hbm>>
    tpu.wait_dma2 semaphore(%arg18 : memref<!tpu.dma_semaphore, #tpu.memory_space<semaphore_mem>>) src(%arg12 : memref<4000xi32, #tpu.memory_space<vmem>>) dst(%dma_wait3A_52 : memref<4000xi32, #tpu.memory_space<hbm>>)
    %mul3A_53 = arith.constant 1600000 : i32
    %mul3A_54 = arith.muli %arg0, %mul3A_53 : i32
    %mul3A_55 = arith.constant 100000 : i32
    %mul3A_56 = arith.muli %arg1, %mul3A_55 : i32
    %add3A_57 = arith.addi %mul3A_54, %mul3A_56 : i32
    %add3A_58 = arith.constant 0 : i32
    %add3A_59 = arith.addi %add3A_57, %add3A_58 : i32
    %dma_wait3A_60 = tpu.memref_slice %arg5[%add3A_59] : memref<3200000xi32, #tpu.memory_space<hbm>> -> memref<4000xi32, #tpu.memory_space<hbm>>
    %dma_wait3A_61 = tpu.memref_slice %arg5[%add3A_59] : memref<3200000xi32, #tpu.memory_space<hbm>> -> memref<4000xi32, #tpu.memory_space<hbm>>
    tpu.wait_dma2 semaphore(%arg17 : memref<!tpu.dma_semaphore, #tpu.memory_space<semaphore_mem>>) src(%arg11 : memref<4000xi32, #tpu.memory_space<vmem>>) dst(%dma_wait3A_61 : memref<4000xi32, #tpu.memory_space<hbm>>)
    return
  }
}

module attributes {stable_mosaic.version = 14 : i64} {
  func.func @_tc_body(%arg0: i32, %arg1: memref<2x2000x32xi32, #tpu.memory_space<vmem>>, %arg2: memref<1x1x2000xi32, #tpu.memory_space<vmem>>, %arg3: memref<128x512xf32, #tpu.memory_space<vmem>>, %arg4: memref<512x128xf32, #tpu.memory_space<vmem>>, %arg5: memref<2000x64xf32, #tpu.memory_space<vmem>>) attributes {dimension_semantics = [#tpu.dimension_semantics<arbitrary>], iteration_bounds = array<i64: 25>, scalar_prefetch = 0 : i64, scratch_operands = 0 : i64, tpu.core_type = #tpu.core_type<tc>, window_params = [{transform_indices = @transform_0, window_bounds = array<i64: 2, 2000, 32>}, {transform_indices = @transform_1, window_bounds = array<i64: 1, 1, 2000>}, {pipeline_mode = #tpu.pipeline_mode<synchronous>, transform_indices = @transform_2, window_bounds = array<i64: 128, 512>}, {pipeline_mode = #tpu.pipeline_mode<synchronous>, transform_indices = @transform_3, window_bounds = array<i64: 512, 128>}, {transform_indices = @transform_4, window_bounds = array<i64: 2000, 64>}]} {
    %get3A = arith.constant 0 : index
    %get3A_0 = arith.constant 0 : index
    %get3A_1 = arith.constant 0 : index
    %get3A_2 = vector.load %arg1[%get3A, %get3A_0, %get3A_1] : memref<2x2000x32xi32, #tpu.memory_space<vmem>>, vector<2x2000x32xi32>
    %slice3A = vector.extract_strided_slice %get3A_2 {offsets = [0, 0, 0], sizes = [1, 2000, 32], strides = [1, 1, 1]} : vector<2x2000x32xi32> to vector<1x2000x32xi32>
    %squeeze3A = vector.shape_cast %slice3A : vector<1x2000x32xi32> to vector<2000x32xi32>
    %slice3A_3 = vector.extract_strided_slice %get3A_2 {offsets = [1, 0, 0], sizes = [1, 2000, 32], strides = [1, 1, 1]} : vector<2x2000x32xi32> to vector<1x2000x32xi32>
    %squeeze3A_4 = vector.shape_cast %slice3A_3 : vector<1x2000x32xi32> to vector<2000x32xi32>
    %add3A = arith.addi %squeeze3A, %squeeze3A_4 : vector<2000x32xi32>
    %and3A = arith.constant 255 : i32
    %and3A_5 = vector.broadcast %and3A : i32 to vector<2000x32xi32>
    %and3A_6 = arith.andi %add3A, %and3A_5 : vector<2000x32xi32>
    %convert_element_type3A = arith.sitofp %and3A_6 : vector<2000x32xi32> to vector<2000x32xf32>
    %shift_right_logical3A = arith.constant 8 : i32
    %shift_right_logical3A_7 = vector.broadcast %shift_right_logical3A : i32 to vector<2000x32xi32>
    %shift_right_logical3A_8 = arith.shrui %add3A, %shift_right_logical3A_7 : vector<2000x32xi32>
    %and3A_9 = arith.constant 255 : i32
    %and3A_10 = vector.broadcast %and3A_9 : i32 to vector<2000x32xi32>
    %and3A_11 = arith.andi %shift_right_logical3A_8, %and3A_10 : vector<2000x32xi32>
    %convert_element_type3A_12 = arith.sitofp %and3A_11 : vector<2000x32xi32> to vector<2000x32xf32>
    %shift_right_logical3A_13 = arith.constant 16 : i32
    %shift_right_logical3A_14 = vector.broadcast %shift_right_logical3A_13 : i32 to vector<2000x32xi32>
    %shift_right_logical3A_15 = arith.shrui %add3A, %shift_right_logical3A_14 : vector<2000x32xi32>
    %and3A_16 = arith.constant 255 : i32
    %and3A_17 = vector.broadcast %and3A_16 : i32 to vector<2000x32xi32>
    %and3A_18 = arith.andi %shift_right_logical3A_15, %and3A_17 : vector<2000x32xi32>
    %convert_element_type3A_19 = arith.sitofp %and3A_18 : vector<2000x32xi32> to vector<2000x32xf32>
    %shift_right_logical3A_20 = arith.constant 24 : i32
    %shift_right_logical3A_21 = vector.broadcast %shift_right_logical3A_20 : i32 to vector<2000x32xi32>
    %shift_right_logical3A_22 = arith.shrui %add3A, %shift_right_logical3A_21 : vector<2000x32xi32>
    %convert_element_type3A_23 = arith.sitofp %shift_right_logical3A_22 : vector<2000x32xi32> to vector<2000x32xf32>
    %concatenate3A = tpu.concatenate %convert_element_type3A, %convert_element_type3A_12, %convert_element_type3A_19, %convert_element_type3A_23 in 1 : vector<2000x32xf32>, vector<2000x32xf32>, vector<2000x32xf32>, vector<2000x32xf32> -> vector<2000x128xf32>
    %get3A_24 = arith.constant 0 : index
    %get3A_25 = arith.constant 0 : index
    %get3A_26 = arith.constant 0 : index
    %get3A_27 = vector.load %arg2[%get3A_24, %get3A_25, %get3A_26] : memref<1x1x2000xi32, #tpu.memory_space<vmem>>, vector<1x1x2000xi32>
    %get3A_28 = vector.shape_cast %get3A_27 : vector<1x1x2000xi32> to vector<2000xi32>
    %iota3A = tpu.iota {dimensions = array<i32: 1>} : vector<2000x128xi32>
    %broadcast_in_dim3A = vector.shape_cast %get3A_28 : vector<2000xi32> to vector<2000x1xi32>
    %eq3A = vector.broadcast %broadcast_in_dim3A : vector<2000x1xi32> to vector<2000x128xi32>
    %eq3A_29 = arith.cmpi eq, %eq3A, %iota3A : vector<2000x128xi32>
    %convert_element_type3A_30 = arith.extui %eq3A_29 : vector<2000x128xi1> to vector<2000x128xi32>
    %convert_element_type3A_31 = arith.sitofp %convert_element_type3A_30 : vector<2000x128xi32> to vector<2000x128xf32>
    %get3A_32 = arith.constant 0 : index
    %get3A_33 = arith.constant 0 : index
    %get3A_34 = vector.load %arg3[%get3A_32, %get3A_33] : memref<128x512xf32, #tpu.memory_space<vmem>>, vector<128x512xf32>
    %dot_general3A = arith.constant dense<0.000000e+00> : vector<2000x512xf32>
    %dot_general3A_35 = tpu.matmul %convert_element_type3A_31, %get3A_34, %dot_general3A {dimension_numbers = #tpu.dot_dimension_numbers<[1], [0], [0], [1], [0, 0, 1, 1], [], []>, transpose_lhs_hint = false} : vector<2000x128xf32>, vector<128x512xf32>, vector<2000x512xf32> -> vector<2000x512xf32>
    %get3A_36 = arith.constant 0 : index
    %get3A_37 = arith.constant 0 : index
    %get3A_38 = vector.load %arg4[%get3A_36, %get3A_37] : memref<512x128xf32, #tpu.memory_space<vmem>>, vector<512x128xf32>
    %slice3A_39 = vector.extract_strided_slice %dot_general3A_35 {offsets = [0, 0], sizes = [2000, 128], strides = [1, 1]} : vector<2000x512xf32> to vector<2000x128xf32>
    %mul3A = arith.mulf %concatenate3A, %slice3A_39 : vector<2000x128xf32>
    %slice3A_40 = vector.extract_strided_slice %get3A_38 {offsets = [0, 0], sizes = [128, 128], strides = [1, 1]} : vector<512x128xf32> to vector<128x128xf32>
    %dot_general3A_41 = arith.constant dense<0.000000e+00> : vector<2000x128xf32>
    %dot_general3A_42 = tpu.matmul %mul3A, %slice3A_40, %dot_general3A_41 {dimension_numbers = #tpu.dot_dimension_numbers<[1], [0], [0], [1], [0, 0, 1, 1], [], []>, transpose_lhs_hint = false} : vector<2000x128xf32>, vector<128x128xf32>, vector<2000x128xf32> -> vector<2000x128xf32>
    %slice3A_43 = vector.extract_strided_slice %dot_general3A_35 {offsets = [0, 128], sizes = [2000, 128], strides = [1, 1]} : vector<2000x512xf32> to vector<2000x128xf32>
    %mul3A_44 = arith.mulf %concatenate3A, %slice3A_43 : vector<2000x128xf32>
    %slice3A_45 = vector.extract_strided_slice %get3A_38 {offsets = [128, 0], sizes = [128, 128], strides = [1, 1]} : vector<512x128xf32> to vector<128x128xf32>
    %dot_general3A_46 = arith.constant dense<0.000000e+00> : vector<2000x128xf32>
    %dot_general3A_47 = tpu.matmul %mul3A_44, %slice3A_45, %dot_general3A_46 {dimension_numbers = #tpu.dot_dimension_numbers<[1], [0], [0], [1], [0, 0, 1, 1], [], []>, transpose_lhs_hint = false} : vector<2000x128xf32>, vector<128x128xf32>, vector<2000x128xf32> -> vector<2000x128xf32>
    %add3A_48 = arith.addf %dot_general3A_42, %dot_general3A_47 : vector<2000x128xf32>
    %slice3A_49 = vector.extract_strided_slice %dot_general3A_35 {offsets = [0, 256], sizes = [2000, 128], strides = [1, 1]} : vector<2000x512xf32> to vector<2000x128xf32>
    %mul3A_50 = arith.mulf %concatenate3A, %slice3A_49 : vector<2000x128xf32>
    %slice3A_51 = vector.extract_strided_slice %get3A_38 {offsets = [256, 0], sizes = [128, 128], strides = [1, 1]} : vector<512x128xf32> to vector<128x128xf32>
    %dot_general3A_52 = arith.constant dense<0.000000e+00> : vector<2000x128xf32>
    %dot_general3A_53 = tpu.matmul %mul3A_50, %slice3A_51, %dot_general3A_52 {dimension_numbers = #tpu.dot_dimension_numbers<[1], [0], [0], [1], [0, 0, 1, 1], [], []>, transpose_lhs_hint = false} : vector<2000x128xf32>, vector<128x128xf32>, vector<2000x128xf32> -> vector<2000x128xf32>
    %add3A_54 = arith.addf %add3A_48, %dot_general3A_53 : vector<2000x128xf32>
    %slice3A_55 = vector.extract_strided_slice %dot_general3A_35 {offsets = [0, 384], sizes = [2000, 128], strides = [1, 1]} : vector<2000x512xf32> to vector<2000x128xf32>
    %mul3A_56 = arith.mulf %concatenate3A, %slice3A_55 : vector<2000x128xf32>
    %slice3A_57 = vector.extract_strided_slice %get3A_38 {offsets = [384, 0], sizes = [128, 128], strides = [1, 1]} : vector<512x128xf32> to vector<128x128xf32>
    %dot_general3A_58 = arith.constant dense<0.000000e+00> : vector<2000x128xf32>
    %dot_general3A_59 = tpu.matmul %mul3A_56, %slice3A_57, %dot_general3A_58 {dimension_numbers = #tpu.dot_dimension_numbers<[1], [0], [0], [1], [0, 0, 1, 1], [], []>, transpose_lhs_hint = false} : vector<2000x128xf32>, vector<128x128xf32>, vector<2000x128xf32> -> vector<2000x128xf32>
    %add3A_60 = arith.addf %add3A_54, %dot_general3A_59 : vector<2000x128xf32>
    %slice3A_61 = vector.extract_strided_slice %add3A_60 {offsets = [0, 0], sizes = [2000, 64], strides = [1, 1]} : vector<2000x128xf32> to vector<2000x64xf32>
    %slice3A_62 = vector.extract_strided_slice %add3A_60 {offsets = [0, 64], sizes = [2000, 64], strides = [1, 1]} : vector<2000x128xf32> to vector<2000x64xf32>
    %gt3A = arith.constant 0.000000e+00 : f32
    %gt3A_63 = vector.broadcast %gt3A : f32 to vector<2000x64xf32>
    %gt3A_64 = arith.cmpf ogt, %slice3A_62, %gt3A_63 : vector<2000x64xf32>
    %jit3A = arith.constant 1.000000e+00 : f32
    %broadcast_in_dim3A_65 = vector.broadcast %jit3A : f32 to vector<2000x64xf32>
    %select_n3A = arith.select %gt3A_64, %slice3A_62, %broadcast_in_dim3A_65 : vector<2000x64xi1>, vector<2000x64xf32>
    %div3A = arith.divf %slice3A_61, %select_n3A : vector<2000x64xf32>
    %jit3A_66 = arith.constant 0.000000e+00 : f32
    %broadcast_in_dim3A_67 = vector.broadcast %jit3A_66 : f32 to vector<2000x64xf32>
    %select_n3A_68 = arith.select %gt3A_64, %div3A, %broadcast_in_dim3A_67 : vector<2000x64xi1>, vector<2000x64xf32>
    %gt3A_69 = arith.constant 0.000000e+00 : f32
    %gt3A_70 = vector.broadcast %gt3A_69 : f32 to vector<2000x64xf32>
    %gt3A_71 = arith.cmpf ogt, %select_n3A_68, %gt3A_70 : vector<2000x64xf32>
    %min3A = arith.constant 0.000000e+00 : f32
    %min3A_72 = vector.broadcast %min3A : f32 to vector<2000x64xf32>
    %min3A_73 = arith.minimumf %select_n3A_68, %min3A_72 : vector<2000x64xf32>
    %exp3A = math.exp %min3A_73 : vector<2000x64xf32>
    %sub3A = arith.constant 1.000000e+00 : f32
    %sub3A_74 = vector.broadcast %sub3A : f32 to vector<2000x64xf32>
    %sub3A_75 = arith.subf %exp3A, %sub3A_74 : vector<2000x64xf32>
    %select_n3A_76 = arith.select %gt3A_71, %select_n3A_68, %sub3A_75 : vector<2000x64xi1>, vector<2000x64xf32>
    %swap3A = arith.constant 0 : index
    %swap3A_77 = arith.constant 0 : index
    %swap3A_78 = vector.load %arg5[%swap3A, %swap3A_77] : memref<2000x64xf32, #tpu.memory_space<vmem>>, vector<2000x64xf32>
    tpu.vector_store %arg5[%swap3A, %swap3A_77], %select_n3A_76 {strides = array<i32>} : memref<2000x64xf32, #tpu.memory_space<vmem>>, vector<2000x64xf32>,
    return
  }
  func.func @transform_0(%arg0: i32) -> (i32, i32, i32) {
    %c0_i32 = arith.constant 0 : i32
    %c0_i32_0 = arith.constant 0 : i32
    %c0_i32_1 = arith.constant 0 : i32
    return %c0_i32, %arg0, %c0_i32_0 : i32, i32, i32
  }
  func.func @transform_1(%arg0: i32) -> (i32, i32, i32) {
    %c0_i32 = arith.constant 0 : i32
    %c0_i32_0 = arith.constant 0 : i32
    %c0_i32_1 = arith.constant 0 : i32
    return %arg0, %c0_i32, %c0_i32_0 : i32, i32, i32
  }
  func.func @transform_2(%arg0: i32) -> (i32, i32) {
    %c0_i32 = arith.constant 0 : i32
    %c0_i32_0 = arith.constant 0 : i32
    %c0_i32_1 = arith.constant 0 : i32
    return %c0_i32, %c0_i32_0 : i32, i32
  }
  func.func @transform_3(%arg0: i32) -> (i32, i32) {
    %c0_i32 = arith.constant 0 : i32
    %c0_i32_0 = arith.constant 0 : i32
    %c0_i32_1 = arith.constant 0 : i32
    return %c0_i32, %c0_i32_0 : i32, i32
  }
  func.func @transform_4(%arg0: i32) -> (i32, i32) {
    %c0_i32 = arith.constant 0 : i32
    %c0_i32_0 = arith.constant 0 : i32
    return %arg0, %c0_i32 : i32, i32
  }
}

</mosaic_0001>

<sc_bundles>
// kernel: kernel.4.cloned.1.call-start
scs
__scs_entry_jumppad:
0x0: {  	(pc) =	sbr.rel $0x88, $3  }
0x1: {  	(tag) =	ssettag $0x0;
	lr =	simm.s32 $0x1  }
0x2: {  	[smem:$0x3F9C] =	sst lr;
	_ =	strace $0xD0000000  }
0x3: {  	_ = 	snop  }
0x4: {  	_ = 	snop  }
0x5: {  	_ = 	snop  }
0x6: {  	_ = 	snop  }
0x7: {  	_ = 	snop  }
__scs_overlays_trampoline_lowered:
0x8: {  	[smem:$0x3FAB] =	sst s0  }
0x9: {  	[smem:$0x3FAC] =	sst s1  }
0xa: {  	[smem:$0x3FAD] =	sst s2  }
0xb: {  	[smem:$0x3FAE] =	sst s3  }
0xc: {  	[smem:$0x3FAF] =	sst s4  }
0xd: {  	[smem:$0x3FB0] =	sst s5  }
0xe: {  	[smem:$0x3FB1] =	sst s6  }
0xf: {  	[smem:$0x3FB2] =	sst s7  }
0x10: {  	[smem:$0x3FB3] =	sst s8  }
0x11: {  	[smem:$0x3FB4] =	sst s9;
	s0 =	simm.s32 @!p0 $0x0  }
0x12: {  	s1 =	sld [smem:$0x3F9A];
	s0 =	simm.s32 @p0 $0x1  }
0x13: {  	[smem:$0x3FB5] =	sst s0;
	s0 =	simm.s32 @!p1 $0x0  }
0x14: {  	s2 =	sld [smem:$0x3F99];
	s0 =	simm.s32 @p1 $0x1  }
0x15: {  	[smem:$0x3FB6] =	sst s0;
	s0 =	simm.s32 @!p2 $0x0  }
0x16: {  	s3 =	sld [smem:$0x3FDB];
	s0 =	simm.s32 @p2 $0x1  }
0x17: {  	s4 =	simm.s32 $0x1BF5;
	[smem:$0x3FB8] =	sst s0  }
0x18: {  	s0 =	sld [smem:$0x3F9B];
	_ =	swait.ge [sflag:s4], $0x0  }
0x19: {  	s7 =	sld [smem:$0x3F9C]  }
0x1a: {  	s8 =	sadd.s32 $0xFFFFE003, lr  }
0x1b: {  	s9 =	sadd.s32 $0xFFFFFEF7, lr;
	s5 =	simm.s32 $0xFFFFFFFF;
	p2 =	slt.u32 s8, $0xFFFFF086  }
0x1c: {  	p1 =	slt.u32 s9, $0xF7A;
	s5 =	simm.s32 @!p2 $0x0  }
0x1d: {  	s5 =	simm.s32 @p1 $0x1;
	p0 =	seq.s32 s7, s2  }
0x1e: {  	s7 =	smul.u32 @!p0 $0xF7A, s2;
	p2 =	seq.s32 @!p0 s5, $0x0  }
0x1f: {  	s9 =	smul.u32 $0xF7A, s1;
	s8 =	simm.s32 @!p0 $0x1BF5;
	p2 =	por !p2, p0  }
0x20: {  	[sflag:s8] =	ssyncset.s32 @!p0 $0xFFFFF086;
	s6 =	sadd.s32 @!p0 s3, s7;
	s7 =	simm.s32 @!p0 $0x108  }
0x21: {  	s3 =	sadd.s32 s3, s9;
	s6 =	sadd.s32 @!p0 $0x88, s6;
	s7 =	simm.s32 @p2 $0x1082  }
0x22: {  	[simem:s7], [sflag:s8] =	dma.local @!p0 [hbm:s6], $0xF7A  }
0x23: {  	s9 =	sor.u32 $0xD0000000, s2;
	s6 =	simm.s32 $0x108;
	_ =	swait.ge @!p0 [sflag:s8], $0x0  }
0x24: {  	s3 =	sadd.s32 $0x88, s3;
	s6 =	simm.s32 @!p1 $0x1082;
	[sflag:s4] =	ssyncset.s32 $0xFFFFF086  }
0x25: {  	[simem:s6], [sflag:s4] =	dma.local [hbm:s3], $0xF7A  }
0x26: {  	[smem:$0x3F9C] =	sst s1;
	(tag) =	ssettag s2;
	_ =	strace s9  }
0x27: {  	s1 =	sld [smem:$0x3FAC]  }
0x28: {  	s2 =	sld [smem:$0x3FAD]  }
0x29: {  	s4 =	sld [smem:$0x3FAF]  }
0x2a: {  	p0 =	seq.s32 s5, $0x0;
	s5 =	sld [smem:$0x3FB0]  }
0x2b: {  	s6 =	sld [smem:$0x3FB1]  }
0x2c: {  	s7 =	sld [smem:$0x3FB2]  }
0x2d: {  	s3 =	simm.s32 $0x108;
	s8 =	sld [smem:$0x3FB3]  }
0x2e: {  	s3 =	simm.s32 @!p0 $0x1082;
	s9 =	sld [smem:$0x3FB4]  }
0x2f: {  	lr =	sadd.s32 s0, s3;
	s0 =	sld [smem:$0x3FAB]  }
0x30: {  	s3 =	sld [smem:$0x3FAE]  }
0x31: {  	[smem:$0x3FB7] =	sst s10  }
0x32: {  	s10 =	sld [smem:$0x3FB5];
	_ =	sdelay $0x3  }
0x33: {  	p0 =	seq.s32 s10, $0x1;
	s10 =	sld [smem:$0x3FB7];
	_ =	sdelay $0x3  }
0x34: {  	[smem:$0x3FB7] =	sst s10  }
0x35: {  	s10 =	sld [smem:$0x3FB6];
	_ =	sdelay $0x3  }
0x36: {  	p1 =	seq.s32 s10, $0x1;
	s10 =	sld [smem:$0x3FB7];
	_ =	sdelay $0x3  }
0x37: {  	[smem:$0x3FB7] =	sst s10  }
0x38: {  	s10 =	sld [smem:$0x3FB8]  }
0x39: {  	_ = 	snop;
	(pc) =	sbr.ind lr, $3  }
0x3a: {  	_ = 	snop  }
0x3b: {  	_ = 	snop  }
0x3c: {  	p2 =	seq.s32 s10, $0x1;
	s10 =	sld [smem:$0x3FB7]  }
0x3d: {  	_ =	shalt  }
0x3e: {  	_ =	shalt  }
0x3f: {  	_ =	shalt  }
0x40: {  	_ =	shalt  }
0x41: {  	_ =	shalt  }
0x42: {  	_ =	shalt  }
0x43: {  	_ =	shalt  }
0x44: {  	_ =	shalt  }
0x45: {  	_ =	shalt  }
0x46: {  	_ =	shalt  }
0x47: {  	_ =	shalt  }
0x48: {  	_ =	shalt  }
0x49: {  	_ =	shalt  }
0x4a: {  	_ =	shalt  }
0x4b: {  	_ =	shalt  }
0x4c: {  	_ =	shalt  }
0x4d: {  	_ =	shalt  }
0x4e: {  	_ =	shalt  }
0x4f: {  	_ =	shalt  }
0x50: {  	_ =	shalt  }
0x51: {  	_ =	shalt  }
0x52: {  	_ =	shalt  }
0x53: {  	_ =	shalt  }
0x54: {  	_ =	shalt  }
0x55: {  	_ =	shalt  }
0x56: {  	_ =	shalt  }
0x57: {  	_ =	shalt  }
0x58: {  	_ =	shalt  }
0x59: {  	_ =	shalt  }
0x5a: {  	_ =	shalt  }
0x5b: {  	_ =	shalt  }
0x5c: {  	_ =	shalt  }
0x5d: {  	_ =	shalt  }
0x5e: {  	_ =	shalt  }
0x5f: {  	_ =	shalt  }
0x60: {  	_ =	shalt  }
0x61: {  	_ =	shalt  }
0x62: {  	_ =	shalt  }
0x63: {  	_ =	shalt  }
0x64: {  	_ =	shalt  }
0x65: {  	_ =	shalt  }
0x66: {  	_ =	shalt  }
0x67: {  	_ =	shalt  }
0x68: {  	_ =	shalt  }
0x69: {  	_ =	shalt  }
0x6a: {  	_ =	shalt  }
0x6b: {  	_ =	shalt  }
0x6c: {  	_ =	shalt  }
0x6d: {  	_ =	shalt  }
0x6e: {  	_ =	shalt  }
0x6f: {  	_ =	shalt  }
0x70: {  	_ =	shalt  }
0x71: {  	_ =	shalt  }
0x72: {  	_ =	shalt  }
0x73: {  	_ =	shalt  }
0x74: {  	_ =	shalt  }
0x75: {  	_ =	shalt  }
0x76: {  	_ =	shalt  }
0x77: {  	_ =	shalt  }
0x78: {  	_ =	shalt  }
0x79: {  	_ =	shalt  }
0x7a: {  	_ =	shalt  }
0x7b: {  	_ =	shalt  }
0x7c: {  	_ =	shalt  }
0x7d: {  	_ =	shalt  }
0x7e: {  	_ =	shalt  }
0x7f: {  	_ =	shalt  }
0x80: {  	_ =	shalt  }
0x81: {  	_ =	shalt  }
0x82: {  	_ =	shalt  }
0x83: {  	_ =	shalt  }
0x84: {  	_ =	shalt  }
0x85: {  	_ =	shalt  }
0x86: {  	_ =	shalt  }
0x87: {  	_ =	shalt  }
.Lfunc_end0:
.L_simem_size_0:
called_computation_lowered:
.L_overlay_start_0:
0x88: {  	s2 =	sld [smem:$0x3FD9]  }
0x89: {  	s3 =	sld [smem:$0x3FFE];
	_ =	sdelay $0x1  }
0x8a: {  	s1 =	srdreg.scid  }
0x8b: {  	s0 =	sand.u32 $0x1, s1  }
0x8c: {  	s17 =	sshll.u32 s0, $0xA;
	s2 =	sadd.s32 s3, s2  }
0x8d: {  	s2 =	sadd.s32 s2, s17  }
0x8e: {  	[smem:$0x3FC3] =	sst s2  }
0x8f: {  	_ = 	snop  }
0x90: {  	s2 =	sld [smem:$0x3FD0];
	(tm) =	ssettm $0x1  }
0x91: {  	s18 =	sld [smem:$0x3FFB];
	_ =	sdelay $0x3  }
0x92: {  	_ =	strace s18  }
0x93: {  	s3 =	sld [smem:$0x3FFC];
	_ =	sdelay $0x3  }
0x94: {  	_ =	strace s3  }
0x95: {  	s3 =	sld [smem:$0x3FFD];
	_ =	sdelay $0x3  }
0x96: {  	_ =	strace s3  }
0x97: {  	_ =	strace $0x8FFFFFFF  }
0x98: {  	s19 =	sld [smem:$0x3FDB];
	_ =	sdelay $0x1  }
0x99: {  	s4 =	simm.s32 $_scs_section_size  }
0x9a: {  	s5 =	simm.s32 $_size__tile_overlayer_lowered;
	s6 =	simm.s32 $_tile_overlayer_lowered  }
0x9b: {  	s22 =	simm.s32 $0x1BFF;
	s21 =	sshll.u32 s6, $0x1;
	s3 =	sadd.s32 s4, s19  }
0x9c: {  	s7 =	simm.s32 $0x0;
	s20 =	sshll.u32 s5, $0x1;
	s5 =	sadd.s32 s21, s3  }
0x9d: {  	[timem:s7], [sflag:s22] =	dma.local [hbm:s5], s20  }
0x9e: {  	_ =	swait.ge [sflag:s22], s20  }
0x9f: {  	s4 =	ssub.s32 $0x0, s20;
	[sflag:s22] =	ssyncset.done $0x0  }
0xa0: {  	[sflag:s22] =	ssyncadd.s32 s4;
	_ =	sdelay $0x1  }
0xa1: {  	s23 =	simm.s32 $0x1B8B  }
0xa2: {  	_ =	swait.ge [sflag:s23], $0x1  }
0xa3: {  	[sflag:s23] =	ssyncset.done $0x0  }
0xa4: {  	s25 =	simm.s32 $0x1B8E;
	s24 =	sld [smem:$0x3FFE];
	[sflag:s23] =	ssyncadd.s32 $0xFFFFFFFF  }
0xa5: {  	s26 =	simm.s32 $execute0_lowered;
	[smem:$0x3FD2] =	sst s25  }
0xa6: {  	s5 =	sshll.u32 s26, $0x1;
	_ =	strace $0x80000046;
	[dreg:$0x1] =	wrdreg $0xFFFFFFFF  }
0xa7: {  	s28 =	simm.s32 $_size_execute0_lowered;
	s3 =	sadd.s32 s3, s5;
	[dreg:$0x0] =	wrdreg $0x0  }
0xa8: {  	s5 =	sshll.u32 s28, $0x1;
	[dreg:$0x2] =	wrdreg s3  }
0xa9: {  	[dreg:$0x3] =	wrdreg s5  }
0xaa: {  	[dreg:$0x4] =	wrdreg $0xC0  }
0xab: {  	_ =	task [dreg:s7], $0x5FFFF  }
0xac: {  	[dreg:$0x1] =	wrdreg $0xFFFFFFFF  }
0xad: {  	[dreg:$0x0] =	wrdreg $0x60  }
0xae: {  	[dreg:$0x2] =	wrdreg s24  }
0xaf: {  	[dreg:$0x3] =	wrdreg s2  }
0xb0: {  	[dreg:$0x4] =	wrdreg $0x71000  }
0xb1: {  	[dreg:$0x5] =	wrdreg $0x9  }
0xb2: {  	_ =	task.clear_ibuf [dreg:s7], $0x6FFFF;
	_ =	strace $0x90000046  }
0xb3: {  	s29 =	simm.s32 $0x9;
	_ =	strace $0x80000048  }
0xb4: {  	_ =	swait.ge [sflag:s29], $0x1  }
0xb5: {  	[sflag:s29] =	ssyncadd.s32 $0xFFFFFFFF  }
0xb6: {  	_ =	strace $0x90000048  }
0xb7: {  	_ =	sfence  }
0xb8: {  	s30 =	sld [smem:$0x0];
	_ =	sdelay $0x2  }
0xb9: {  	s31 =	sshll.u32 s1, $0xD;
	s1 =	sshrl.u32 s1, $0x2  }
0xba: {  	s3 =	sand.u32 $0x4000, s31;
	s1 =	sadd.s32 s1, s30  }
0xbb: {  	s0 =	sor.u32 s3, s0;
	s1 =	sshll.u32 s1, $0x11  }
0xbc: {  	s0 =	sor.u32 s1, s0  }
0xbd: {  	s0 =	sadd.s32 $0x8F2B, s0  }
0xbe: {  	[sflag:s0] =	ssyncadd.remote.s32 $0x1  }
0xbf: {  	_ =	sfence.sel $0xFFFF  }
0xc0: {  	[dreg:$0x0] =	wrdreg $0xFFFFFFFF;
	(pc) =	sbr.abs _section_cstart, $3  }
0xc1: {  	[dreg:$0x1] =	wrdreg $0xFFFFFFFF  }
0xc2: {  	_ =	task.clear_ibuf [dreg:s7], $0x2FFFF;
	_ =	strace $0x9FFFFFFF  }
0xc3: {  	(tm) =	ssettm $0x7FFFFFFF  }
tec
execute0_lowered:
.L_overlay_start_1:
0x0: {  	(tag) =	ssettag $0x1  }
0x1: {  	s8 =	rddreg [dreg:$0x0]  }
0x2: {  	s0 =	rddreg [dreg:$0x1]  }
0x3: {  	s3 =	rddreg [dreg:$0x2]  }
0x4: {  	s9 =	stileid.u32;
	s1 =	srdreg.scid  }
0x5: {  	s4 =	simm.s32 $0x0;
	s16 =	simm.s32 $0x800;
	s18 =	simm.s32 $0x4100  }
0x6: {  	s20 =	simm.s32 $0x4900;
	s22 =	simm.s32 $0x4180;
	[smem:$0x7FF] =	sst s4  }
0x7: {  	s1 =	sand.u32 $0x1, s1;
	_ =	strace $0x80000047;
	[dreg:$0x6] =	wrdreg s16  }
0x8: {  	s2 =	smul.u32 $0x61A80, s9;
	s6 =	sshll.u32 s1, $0xC;
	[dreg:$0x7] =	wrdreg s18  }
0x9: {  	s7 =	smul.u32 $0x186A00, s1;
	s1 =	ssub.s32 $0x2, s1;
	[dreg:$0x8] =	wrdreg s20  }
0xa: {  	s5 =	smul.u32 $0x186A0, s9;
	[dreg:$0x9] =	wrdreg s22;
	s24 =	sshrl.u32 s1, $0x1  }
0xb: {  	s2 =	sshrl.u32 s2, $0x2;
	s1 =	ssub.s32 s1, s24;
	s24 =	simm.s32 $0x4980  }
0xc: {  	s6 =	sadd.s32 s6, s8;
	s8 =	sadd.s32 s2, s3;
	[dreg:$0xa] =	wrdreg s24  }
0xd: {  	s7 =	sadd.s32 s5, s7;
	s5 =	sadd.s32 s5, s3;
	[dreg:$0x12] =	wrdreg s8  }
0xe: {  	s1 =	smax.u32 s1, $0x1;
	[dreg:$0x13] =	wrdreg s5  }
0xf: {  	s26 =	sadd.s32 $0xFA0, s8;
	[dreg:$0x15] =	wrdreg s1  }
0x10: {  	s28 =	sadd.s32 $0x1F40, s8;
	[dreg:$0x16] =	wrdreg s26  }
0x11: {  	s30 =	sadd.s32 $0x2EE0, s8;
	[dreg:$0x17] =	wrdreg s28  }
0x12: {  	s29 =	sshll.u32 s9, $0x8;
	s9 =	sadd.s32 $0x3E80, s8;
	[dreg:$0x18] =	wrdreg s30  }
0x13: {  	s11 =	sadd.s32 $0x4E20, s8;
	[dreg:$0x19] =	wrdreg s9  }
0x14: {  	s12 =	sadd.s32 $0x5DC0, s8;
	[dreg:$0x1a] =	wrdreg s11  }
0x15: {  	s14 =	sadd.s32 $0x6D60, s8;
	[dreg:$0x1b] =	wrdreg s12  }
0x16: {  	s15 =	sadd.s32 $0x7D00, s8;
	[dreg:$0x1c] =	wrdreg s14  }
0x17: {  	s17 =	sadd.s32 $0x8CA0, s8;
	[dreg:$0x1d] =	wrdreg s15  }
0x18: {  	s19 =	sadd.s32 $0x9C40, s8;
	[dreg:$0x1e] =	wrdreg s17  }
0x19: {  	s21 =	sadd.s32 $0xABE0, s8;
	[dreg:$0x1f] =	wrdreg s19  }
0x1a: {  	s23 =	sadd.s32 $0xBB80, s8;
	[smem:$0x7EC] =	sst s21  }
0x1b: {  	s16 =	sadd.s32 $0x109A0, s8;
	[smem:$0x7ED] =	sst s23  }
0x1c: {  	s18 =	sadd.s32 $0x128E0, s8;
	[smem:$0x7F2] =	sst s16  }
0x1d: {  	s20 =	sadd.s32 $0x14820, s8;
	[smem:$0x7F4] =	sst s18  }
0x1e: {  	s25 =	sshrl.u32 s7, $0x3;
	s24 =	sadd.s32 $0x16760, s8;
	[smem:$0x7F6] =	sst s20  }
0x1f: {  	s10 =	sadd.s32 s0, s25;
	s25 =	sadd.s32 $0xCB20, s8;
	[smem:$0x7F8] =	sst s24  }
0x20: {  	s26 =	simm.s32 $0x4200;
	[smem:$0x7EE] =	sst s25  }
0x21: {  	s1 =	sadd.s32 s29, s6;
	s29 =	simm.s32 $0x4A00;
	[dreg:$0xb] =	wrdreg s26  }
0x22: {  	s30 =	simm.s32 $0x4280;
	[dreg:$0xc] =	wrdreg s29  }
0x23: {  	s6 =	simm.s32 $0x4A80;
	[dreg:$0xd] =	wrdreg s30  }
0x24: {  	s31 =	simm.s32 $0x4700;
	s9 =	simm.s32 $0x4300;
	[dreg:$0xe] =	wrdreg s6  }
0x25: {  	s28 =	sadd.s32 $0x3E80, s7;
	s11 =	simm.s32 $0x4B00;
	[dreg:$0xf] =	wrdreg s9  }
0x26: {  	s7 =	sadd.s32 $0x2EE0, s7;
	s12 =	simm.s32 $0x4380;
	[dreg:$0x10] =	wrdreg s11  }
0x27: {  	s14 =	sadd.s32 $0xEA60, s8;
	s15 =	sadd.s32 $0xFA00, s8;
	[dreg:$0x11] =	wrdreg s12  }
0x28: {  	s17 =	sadd.s32 $0x11940, s8;
	s19 =	sadd.s32 $0x13880, s8;
	[smem:$0x7F0] =	sst s14  }
0x29: {  	s21 =	sadd.s32 $0x157C0, s8;
	s16 =	simm.s32 $0x5100;
	[smem:$0x7F1] =	sst s15  }
0x2a: {  	s18 =	simm.s32 $0x1;
	s20 =	simm.s32 $0x2;
	[smem:$0x7F3] =	sst s17  }
0x2b: {  	s24 =	simm.s32 $0x4;
	s13 =	sadd.s32 $0x1C800, s1;
	[smem:$0x7F5] =	sst s19  }
0x2c: {  	s1 =	sadd.s32 $0x800, s1;
	s2 =	sshrl.u32 s28, $0x3;
	[smem:$0x7F7] =	sst s21  }
0x2d: {  	s25 =	sadd.s32 $0x17700, s8;
	s26 =	sadd.s32 $0xFA0, s5;
	s28 =	sadd.s32 $0x1F4, s10  }
0x2e: {  	s29 =	sadd.s32 $0x1F40, s5;
	[dreg:$0x14] =	wrdreg s10;
	s30 =	sadd.s32 $0x3E8, s10  }
0x2f: {  	s14 =	simm.s32 $0x1000;
	s15 =	simm.s32 $0x6;
	[dreg:$0x4] =	wrdreg s13  }
0x30: {  	s17 =	simm.s32 $0x3;
	s19 =	simm.s32 $0x80;
	[dreg:$0x5] =	wrdreg s1  }
0x31: {  	s21 =	simm.s32 $0x6100;
	s6 =	simm.s32 $0x4600;
	[smem:$0x7F9] =	sst s25  }
0x32: {  	s5 =	simm.s32 $0x4680;
	s12 =	simm.s32 $0x4E80;
	[smem:$0x7FA] =	sst s26  }
0x33: {  	s9 =	simm.s32 $0x5000;
	s10 =	simm.s32 $0x4880;
	[smem:$0x7FB] =	sst s28  }
0x34: {  	s11 =	simm.s32 $0x5080;
	s22 =	sadd.s32 s2, s0;
	[smem:$0x7FC] =	sst s29  }
0x35: {  	s2 =	sshrl.u32 s7, $0x3;
	s13 =	sadd.s32 $0xDAC0, s8;
	[smem:$0x7FD] =	sst s30  }
0x36: {  	s25 =	simm.s32 $0x5;
	s7 =	simm.s32 $0x4E00;
	s1 =	simm.s32 $0x4780  }
0x37: {  	s8 =	simm.s32 $0x4800;
	s23 =	sadd.s32 s2, s0;
	[smem:$0x7EF] =	sst s13  }
0x38: {  	v0 =	vimm.s32 $0x0;
	v1 =	vimm.s32 $0x1;
	s0 =	simm.s32 $0x0;
	s13 =	simm.s32 $0x4D80;
	s2 =	simm.s32 $0x4F80  }
.LBB2_1:
0x39: {  	[smem:$0x7EB] =	sst s0  }
0x3a: {  	s26 =	rddreg [dreg:$0x0]  }
0x3b: {  	[tilespmem:s14], [sflag:$0x6] =	stream.linear.gather [hbm4b:s26+s4], $0x3100, $0x38;
	[tilespmem:$0x1FBA8] =	vst v63  }
0x3c: {  	_ =	swait.ge [sflag:s15], $0x3100  }
0x3d: {  	[sflag:s15] =	ssyncset.done $0x0  }
0x3e: {  	s28 =	simm.s32 $0x0;
	s26 =	simm.s32 $0x40;
	[sflag:s15] =	ssyncadd.s32 $0xFFFFCF00  }
.LBB2_2:
0x3f: {  	p0 =	sne.s32 s26, $0x3E40;
	[tilespmem:s28+$0x5100] =	vst v0;
	s28 =	smov.u32 s26;
	s26 =	sadd.s32 $0x40, s26  }
.Ltmp0:
0x40: {  	(pc) =	sbr.rel @p0 .LBB2_2-.Ltmp0, $2  }
0x41: {  	_ =	sdelay $0x2  }
0x42: {  	s28 =	sshra.s32 s28, $0x2  }
0x43: {  	s26 =	rddreg [dreg:$0x12]  }
0x44: {  	[tilespmem:s28+$0x5100] =	vst v0;
	s0 =	rddreg [dreg:$0x16]  }
0x45: {  	[spmem:s26] =	stream.linear.scatter [tilespmem:s16], [sflag:$0x3], $0xFA0, $0x38;
	[tilespmem:$0x1FBA8] =	vst v63  }
0x46: {  	s28 =	rddreg [dreg:$0x17]  }
0x47: {  	[spmem:s0] =	stream.linear.scatter [tilespmem:s16], [sflag:$0x3], $0xFA0, $0x38;
	[tilespmem:$0x1FBA8] =	vst v63  }
0x48: {  	s29 =	rddreg [dreg:$0x18]  }
0x49: {  	[spmem:s28] =	stream.linear.scatter [tilespmem:s16], [sflag:$0x3], $0xFA0, $0x38;
	[tilespmem:$0x1FBA8] =	vst v63  }
0x4a: {  	s30 =	rddreg [dreg:$0x19]  }
0x4b: {  	[spmem:s29] =	stream.linear.scatter [tilespmem:s16], [sflag:$0x3], $0xFA0, $0x38;
	[tilespmem:$0x1FBA8] =	vst v63  }
0x4c: {  	s0 =	rddreg [dreg:$0x1a]  }
0x4d: {  	[spmem:s30] =	stream.linear.scatter [tilespmem:s16], [sflag:$0x3], $0xFA0, $0x38;
	[tilespmem:$0x1FBA8] =	vst v63  }
0x4e: {  	s28 =	rddreg [dreg:$0x1b]  }
0x4f: {  	[spmem:s0] =	stream.linear.scatter [tilespmem:s16], [sflag:$0x3], $0xFA0, $0x38;
	[tilespmem:$0x1FBA8] =	vst v63  }
0x50: {  	s29 =	rddreg [dreg:$0x1c]  }
0x51: {  	[spmem:s28] =	stream.linear.scatter [tilespmem:s16], [sflag:$0x3], $0xFA0, $0x38;
	[tilespmem:$0x1FBA8] =	vst v63  }
0x52: {  	s30 =	rddreg [dreg:$0x1d]  }
0x53: {  	[spmem:s29] =	stream.linear.scatter [tilespmem:s16], [sflag:$0x3], $0xFA0, $0x38;
	[tilespmem:$0x1FBA8] =	vst v63  }
0x54: {  	s0 =	rddreg [dreg:$0x1e]  }
0x55: {  	[spmem:s30] =	stream.linear.scatter [tilespmem:s16], [sflag:$0x3], $0xFA0, $0x38;
	[tilespmem:$0x1FBA8] =	vst v63  }
0x56: {  	s28 =	rddreg [dreg:$0x1f]  }
0x57: {  	[spmem:s0] =	stream.linear.scatter [tilespmem:s16], [sflag:$0x3], $0xFA0, $0x38;
	[tilespmem:$0x1FBA8] =	vst v63  }
0x58: {  	s29 =	sld [smem:$0x7EC]  }
0x59: {  	[spmem:s28] =	stream.linear.scatter [tilespmem:s16], [sflag:$0x3], $0xFA0, $0x38;
	[tilespmem:$0x1FBA8] =	vst v63  }
0x5a: {  	s30 =	sld [smem:$0x7ED]  }
0x5b: {  	[spmem:s29] =	stream.linear.scatter [tilespmem:s16], [sflag:$0x3], $0xFA0, $0x38;
	[tilespmem:$0x1FBA8] =	vst v63  }
0x5c: {  	s0 =	sld [smem:$0x7EE]  }
0x5d: {  	[spmem:s30] =	stream.linear.scatter [tilespmem:s16], [sflag:$0x3], $0xFA0, $0x38;
	[tilespmem:$0x1FBA8] =	vst v63  }
0x5e: {  	s28 =	sld [smem:$0x7EF]  }
0x5f: {  	[spmem:s0] =	stream.linear.scatter [tilespmem:s16], [sflag:$0x3], $0xFA0, $0x38;
	[tilespmem:$0x1FBA8] =	vst v63  }
0x60: {  	s29 =	sld [smem:$0x7F0]  }
0x61: {  	[spmem:s28] =	stream.linear.scatter [tilespmem:s16], [sflag:$0x3], $0xFA0, $0x38;
	[tilespmem:$0x1FBA8] =	vst v63  }
0x62: {  	s30 =	sld [smem:$0x7F1]  }
0x63: {  	[spmem:s29] =	stream.linear.scatter [tilespmem:s16], [sflag:$0x3], $0xFA0, $0x38;
	[tilespmem:$0x1FBA8] =	vst v63  }
0x64: {  	s0 =	sld [smem:$0x7F2]  }
0x65: {  	[spmem:s30] =	stream.linear.scatter [tilespmem:s16], [sflag:$0x3], $0xFA0, $0x38;
	[tilespmem:$0x1FBA8] =	vst v63  }
0x66: {  	s28 =	sld [smem:$0x7F3]  }
0x67: {  	[spmem:s0] =	stream.linear.scatter [tilespmem:s16], [sflag:$0x3], $0xFA0, $0x38;
	[tilespmem:$0x1FBA8] =	vst v63  }
0x68: {  	s29 =	sld [smem:$0x7F4]  }
0x69: {  	[spmem:s28] =	stream.linear.scatter [tilespmem:s16], [sflag:$0x3], $0xFA0, $0x38;
	[tilespmem:$0x1FBA8] =	vst v63  }
0x6a: {  	s30 =	sld [smem:$0x7F5]  }
0x6b: {  	[spmem:s29] =	stream.linear.scatter [tilespmem:s16], [sflag:$0x3], $0xFA0, $0x38;
	[tilespmem:$0x1FBA8] =	vst v63  }
0x6c: {  	s0 =	sld [smem:$0x7F6]  }
0x6d: {  	[spmem:s30] =	stream.linear.scatter [tilespmem:s16], [sflag:$0x3], $0xFA0, $0x38;
	[tilespmem:$0x1FBA8] =	vst v63  }
0x6e: {  	s28 =	sld [smem:$0x7F7]  }
0x6f: {  	[spmem:s0] =	stream.linear.scatter [tilespmem:s16], [sflag:$0x3], $0xFA0, $0x38;
	[tilespmem:$0x1FBA8] =	vst v63  }
0x70: {  	s29 =	sld [smem:$0x7F8]  }
0x71: {  	[spmem:s28] =	stream.linear.scatter [tilespmem:s16], [sflag:$0x3], $0xFA0, $0x38;
	[tilespmem:$0x1FBA8] =	vst v63  }
0x72: {  	s30 =	sld [smem:$0x7F9]  }
0x73: {  	[spmem:s29] =	stream.linear.scatter [tilespmem:s16], [sflag:$0x3], $0xFA0, $0x38;
	[tilespmem:$0x1FBA8] =	vst v63  }
0x74: {  	_ = 	snop  }
0x75: {  	[spmem:s30] =	stream.linear.scatter [tilespmem:s16], [sflag:$0x3], $0xFA0, $0x38;
	[tilespmem:$0x1FBA8] =	vst v63  }
0x76: {  	_ =	swait.ge [sflag:s17], $0xFA0  }
0x77: {  	[sflag:s17] =	ssyncset.done $0x0  }
0x78: {  	[sflag:s17] =	ssyncadd.s32 $0xFFFFF060  }
0x79: {  	_ =	swait.ge [sflag:s17], $0xFA0  }
0x7a: {  	[sflag:s17] =	ssyncset.done $0x0  }
0x7b: {  	[sflag:s17] =	ssyncadd.s32 $0xFFFFF060  }
0x7c: {  	_ =	swait.ge [sflag:s17], $0xFA0  }
0x7d: {  	[sflag:s17] =	ssyncset.done $0x0  }
0x7e: {  	[sflag:s17] =	ssyncadd.s32 $0xFFFFF060  }
0x7f: {  	_ =	swait.ge [sflag:s17], $0xFA0  }
0x80: {  	[sflag:s17] =	ssyncset.done $0x0  }
0x81: {  	[sflag:s17] =	ssyncadd.s32 $0xFFFFF060  }
0x82: {  	_ =	swait.ge [sflag:s17], $0xFA0  }
0x83: {  	[sflag:s17] =	ssyncset.done $0x0  }
0x84: {  	[sflag:s17] =	ssyncadd.s32 $0xFFFFF060  }
0x85: {  	_ =	swait.ge [sflag:s17], $0xFA0  }
0x86: {  	[sflag:s17] =	ssyncset.done $0x0  }
0x87: {  	[sflag:s17] =	ssyncadd.s32 $0xFFFFF060  }
0x88: {  	_ =	swait.ge [sflag:s17], $0xFA0  }
0x89: {  	[sflag:s17] =	ssyncset.done $0x0  }
0x8a: {  	[sflag:s17] =	ssyncadd.s32 $0xFFFFF060  }
0x8b: {  	_ =	swait.ge [sflag:s17], $0xFA0  }
0x8c: {  	[sflag:s17] =	ssyncset.done $0x0  }
0x8d: {  	[sflag:s17] =	ssyncadd.s32 $0xFFFFF060  }
0x8e: {  	_ =	swait.ge [sflag:s17], $0xFA0  }
0x8f: {  	[sflag:s17] =	ssyncset.done $0x0  }
0x90: {  	[sflag:s17] =	ssyncadd.s32 $0xFFFFF060  }
0x91: {  	_ =	swait.ge [sflag:s17], $0xFA0  }
0x92: {  	[sflag:s17] =	ssyncset.done $0x0  }
0x93: {  	[sflag:s17] =	ssyncadd.s32 $0xFFFFF060  }
0x94: {  	_ =	swait.ge [sflag:s17], $0xFA0  }
0x95: {  	[sflag:s17] =	ssyncset.done $0x0  }
0x96: {  	[sflag:s17] =	ssyncadd.s32 $0xFFFFF060  }
0x97: {  	_ =	swait.ge [sflag:s17], $0xFA0  }
0x98: {  	[sflag:s17] =	ssyncset.done $0x0  }
0x99: {  	[sflag:s17] =	ssyncadd.s32 $0xFFFFF060  }
0x9a: {  	_ =	swait.ge [sflag:s17], $0xFA0  }
0x9b: {  	[sflag:s17] =	ssyncset.done $0x0  }
0x9c: {  	[sflag:s17] =	ssyncadd.s32 $0xFFFFF060  }
0x9d: {  	_ =	swait.ge [sflag:s17], $0xFA0  }
0x9e: {  	[sflag:s17] =	ssyncset.done $0x0  }
0x9f: {  	[sflag:s17] =	ssyncadd.s32 $0xFFFFF060  }
0xa0: {  	_ =	swait.ge [sflag:s17], $0xFA0  }
0xa1: {  	[sflag:s17] =	ssyncset.done $0x0  }
0xa2: {  	[sflag:s17] =	ssyncadd.s32 $0xFFFFF060  }
0xa3: {  	_ =	swait.ge [sflag:s17], $0xFA0  }
0xa4: {  	[sflag:s17] =	ssyncset.done $0x0  }
0xa5: {  	[sflag:s17] =	ssyncadd.s32 $0xFFFFF060  }
0xa6: {  	_ =	swait.ge [sflag:s17], $0xFA0  }
0xa7: {  	[sflag:s17] =	ssyncset.done $0x0  }
0xa8: {  	[sflag:s17] =	ssyncadd.s32 $0xFFFFF060  }
0xa9: {  	_ =	swait.ge [sflag:s17], $0xFA0  }
0xaa: {  	[sflag:s17] =	ssyncset.done $0x0  }
0xab: {  	[sflag:s17] =	ssyncadd.s32 $0xFFFFF060  }
0xac: {  	_ =	swait.ge [sflag:s17], $0xFA0  }
0xad: {  	[sflag:s17] =	ssyncset.done $0x0  }
0xae: {  	[sflag:s17] =	ssyncadd.s32 $0xFFFFF060  }
0xaf: {  	_ =	swait.ge [sflag:s17], $0xFA0  }
0xb0: {  	[sflag:s17] =	ssyncset.done $0x0  }
0xb1: {  	[sflag:s17] =	ssyncadd.s32 $0xFFFFF060  }
0xb2: {  	_ =	swait.ge [sflag:s17], $0xFA0  }
0xb3: {  	[sflag:s17] =	ssyncset.done $0x0  }
0xb4: {  	[sflag:s17] =	ssyncadd.s32 $0xFFFFF060  }
0xb5: {  	_ =	swait.ge [sflag:s17], $0xFA0  }
0xb6: {  	[sflag:s17] =	ssyncset.done $0x0  }
0xb7: {  	[sflag:s17] =	ssyncadd.s32 $0xFFFFF060  }
0xb8: {  	_ =	swait.ge [sflag:s17], $0xFA0  }
0xb9: {  	[sflag:s17] =	ssyncset.done $0x0  }
0xba: {  	[sflag:s17] =	ssyncadd.s32 $0xFFFFF060  }
0xbb: {  	_ =	swait.ge [sflag:s17], $0xFA0  }
0xbc: {  	[sflag:s17] =	ssyncset.done $0x0  }
0xbd: {  	[sflag:s17] =	ssyncadd.s32 $0xFFFFF060  }
0xbe: {  	_ =	swait.ge [sflag:s17], $0xFA0  }
0xbf: {  	[sflag:s17] =	ssyncset.done $0x0  }
0xc0: {  	[sflag:s17] =	ssyncadd.s32 $0xFFFFF060  }
0xc1: {  	s26 =	simm.s32 $0x0;
	s0 =	simm.s32 $0x4F00;
	[bflag:$0x0] =	sbarrier.arrive $0xFFFF  }
.LBB2_4:
0xc2: {  	s28 =	rddreg [dreg:$0x5]  }
0xc3: {  	s29 =	rddreg [dreg:$0x4];
	s28 =	sadd.s32 s26, s28  }
0xc4: {  	[tilespmem:s4], [sflag:$0x1] =	stream.linear.gather [hbm4b:s28+s4], $0x800, $0x38;
	[tilespmem:$0x1FBA8] =	vst v63  }
0xc5: {  	s30 =	rddreg [dreg:$0x6];
	s29 =	sadd.s32 s26, s29  }
0xc6: {  	[tilespmem:s30], [sflag:$0x1] =	stream.linear.gather [hbm4b:s29+s4], $0x800, $0x38;
	[tilespmem:$0x1FBA8] =	vst v63  }
0xc7: {  	_ =	swait.ge [sflag:s18], $0x800  }
0xc8: {  	[sflag:s18] =	ssyncset.done $0x0  }
0xc9: {  	[sflag:s18] =	ssyncadd.s32 $0xFFFFF800  }
0xca: {  	_ =	swait.ge [sflag:s18], $0x800  }
0xcb: {  	[sflag:s18] =	ssyncset.done $0x0  }
0xcc: {  	[sflag:s18] =	ssyncadd.s32 $0xFFFFF800  }
0xcd: {  	v2 =	vld [tilespmem:$0x0];
	_ =	sdelay $0x4  }
0xce: {  	v3 =	vshra.s32 v2, $0x2;
	_ =	sdelay $0x4  }
0xcf: {  	v3 =	vld.idx.msk [tilespmem:v3+s14+$0x0], $0xffff  }
0xd0: {  	v4 =	vld [tilespmem:$0x10]  }
0xd1: {  	v5 =	vld [tilespmem:$0x800]  }
0xd2: {  	v2 =	vshll.u32 v2, $0x3  }
0xd3: {  	v2 =	vand.u32 $0x18, v2  }
0xd4: {  	v2 =	vshrl.u32 v3, v2  }
0xd5: {  	v6 =	vshra.s32 v4, $0x2;
	v3 =	vshrl.u32 v2, $0x2  }
0xd6: {  	v5 =	vshll.u32 v5, $0x5;
	v2 =	vshll.u32 v2, $0x3;
	v3 =	vand.u32 $0x3F, v3  }
0xd7: {  	v2 =	vand.u32 $0x18, v2;
	v3 =	vadd.s32 v5, v3  }
0xd8: {  	v2 =	vshll.u32 v1, v2;
	[tilespmem:$0x4100] =	vst v3  }
0xd9: {  	[tilespmem:$0x4900] =	vst v2  }
0xda: {  	v2 =	vld.idx.msk [tilespmem:v6+s14+$0x0], $0xffff  }
0xdb: {  	v3 =	vld [tilespmem:$0x20]  }
0xdc: {  	v54 =	vld [tilespmem:$0x810]  }
0xdd: {  	v4 =	vshll.u32 v4, $0x3  }
0xde: {  	v4 =	vand.u32 $0x18, v4  }
0xdf: {  	v2 =	vshrl.u32 v2, v4  }
0xe0: {  	v55 =	vshra.s32 v3, $0x2;
	v4 =	vshrl.u32 v2, $0x2  }
0xe1: {  	v5 =	vshll.u32 v54, $0x5;
	v2 =	vshll.u32 v2, $0x3;
	v4 =	vand.u32 $0x3F, v4  }
0xe2: {  	v2 =	vand.u32 $0x18, v2;
	v4 =	vadd.s32 v5, v4  }
0xe3: {  	v2 =	vshll.u32 v1, v2;
	[tilespmem:$0x4110] =	vst v4  }
0xe4: {  	[tilespmem:$0x4910] =	vst v2  }
0xe5: {  	v2 =	vld.idx.msk [tilespmem:v55+s14+$0x0], $0xffff  }
0xe6: {  	v56 =	vld [tilespmem:$0x30]  }
0xe7: {  	v57 =	vld [tilespmem:$0x820]  }
0xe8: {  	v3 =	vshll.u32 v3, $0x3  }
0xe9: {  	v3 =	vand.u32 $0x18, v3  }
0xea: {  	v2 =	vshrl.u32 v2, v3  }
0xeb: {  	v58 =	vshra.s32 v56, $0x2;
	v3 =	vshrl.u32 v2, $0x2  }
0xec: {  	v5 =	vshll.u32 v57, $0x5;
	v2 =	vshll.u32 v2, $0x3;
	v3 =	vand.u32 $0x3F, v3  }
0xed: {  	v2 =	vand.u32 $0x18, v2;
	v3 =	vadd.s32 v5, v3  }
0xee: {  	v2 =	vshll.u32 v1, v2;
	[tilespmem:$0x4120] =	vst v3  }
0xef: {  	[tilespmem:$0x4920] =	vst v2  }
0xf0: {  	v2 =	vld.idx.msk [tilespmem:v58+s14+$0x0], $0xffff  }
0xf1: {  	v3 =	vld [tilespmem:$0x40]  }
0xf2: {  	v59 =	vld [tilespmem:$0x830]  }
0xf3: {  	v4 =	vshll.u32 v56, $0x3  }
0xf4: {  	v4 =	vand.u32 $0x18, v4  }
0xf5: {  	v2 =	vshrl.u32 v2, v4  }
0xf6: {  	v60 =	vshra.s32 v3, $0x2;
	v4 =	vshrl.u32 v2, $0x2  }
0xf7: {  	v5 =	vshll.u32 v59, $0x5;
	v2 =	vshll.u32 v2, $0x3;
	v4 =	vand.u32 $0x3F, v4  }
0xf8: {  	v2 =	vand.u32 $0x18, v2;
	v4 =	vadd.s32 v5, v4  }
0xf9: {  	v2 =	vshll.u32 v1, v2;
	[tilespmem:$0x4130] =	vst v4  }
0xfa: {  	[tilespmem:$0x4930] =	vst v2  }
0xfb: {  	v2 =	vld.idx.msk [tilespmem:v60+s14+$0x0], $0xffff  }
0xfc: {  	v61 =	vld [tilespmem:$0x50]  }
0xfd: {  	v62 =	vld [tilespmem:$0x840]  }
0xfe: {  	v3 =	vshll.u32 v3, $0x3  }
0xff: {  	v3 =	vand.u32 $0x18, v3  }
0x100: {  	v2 =	vshrl.u32 v2, v3  }
0x101: {  	v63 =	vshra.s32 v61, $0x2;
	v3 =	vshrl.u32 v2, $0x2  }
0x102: {  	v5 =	vshll.u32 v62, $0x5;
	v2 =	vshll.u32 v2, $0x3;
	v3 =	vand.u32 $0x3F, v3  }
0x103: {  	v2 =	vand.u32 $0x18, v2;
	v3 =	vadd.s32 v5, v3  }
0x104: {  	v2 =	vshll.u32 v1, v2;
	[tilespmem:$0x4140] =	vst v3  }
0x105: {  	[tilespmem:$0x4940] =	vst v2  }
0x106: {  	v2 =	vld.idx.msk [tilespmem:v63+s14+$0x0], $0xffff  }
0x107: {  	v3 =	vld [tilespmem:$0x60]  }
0x108: {  	v9 =	vld [tilespmem:$0x850]  }
0x109: {  	v4 =	vshll.u32 v61, $0x3  }
0x10a: {  	v4 =	vand.u32 $0x18, v4  }
0x10b: {  	v2 =	vshrl.u32 v2, v4  }
0x10c: {  	v10 =	vshra.s32 v3, $0x2;
	v4 =	vshrl.u32 v2, $0x2  }
0x10d: {  	v5 =	vshll.u32 v9, $0x5;
	v2 =	vshll.u32 v2, $0x3;
	v4 =	vand.u32 $0x3F, v4  }
0x10e: {  	v2 =	vand.u32 $0x18, v2;
	v4 =	vadd.s32 v5, v4  }
0x10f: {  	v2 =	vshll.u32 v1, v2;
	[tilespmem:$0x4150] =	vst v4  }
0x110: {  	[tilespmem:$0x4950] =	vst v2  }
0x111: {  	v2 =	vld.idx.msk [tilespmem:v10+s14+$0x0], $0xffff  }
0x112: {  	v11 =	vld [tilespmem:$0x70]  }
0x113: {  	v12 =	vld [tilespmem:$0x860]  }
0x114: {  	v3 =	vshll.u32 v3, $0x3  }
0x115: {  	v3 =	vand.u32 $0x18, v3  }
0x116: {  	v2 =	vshrl.u32 v2, v3  }
0x117: {  	v13 =	vshra.s32 v11, $0x2;
	v3 =	vshrl.u32 v2, $0x2  }
0x118: {  	v5 =	vshll.u32 v12, $0x5;
	v2 =	vshll.u32 v2, $0x3;
	v3 =	vand.u32 $0x3F, v3  }
0x119: {  	v2 =	vand.u32 $0x18, v2;
	v3 =	vadd.s32 v5, v3  }
0x11a: {  	v2 =	vshll.u32 v1, v2;
	[tilespmem:$0x4160] =	vst v3  }
0x11b: {  	[tilespmem:$0x4960] =	vst v2  }
0x11c: {  	v2 =	vld.idx.msk [tilespmem:v13+s14+$0x0], $0xffff;
	_ =	sdelay $0x1  }
0x11d: {  	v3 =	vld [tilespmem:$0x870]  }
0x11e: {  	v4 =	vshll.u32 v11, $0x3  }
0x11f: {  	v4 =	vand.u32 $0x18, v4  }
0x120: {  	v2 =	vshrl.u32 v2, v4  }
0x121: {  	v4 =	vshrl.u32 v2, $0x2  }
0x122: {  	v3 =	vshll.u32 v3, $0x5;
	v2 =	vshll.u32 v2, $0x3;
	v4 =	vand.u32 $0x3F, v4  }
0x123: {  	v2 =	vand.u32 $0x18, v2;
	v3 =	vadd.s32 v3, v4  }
0x124: {  	s28 =	rddreg [dreg:$0x7];
	v2 =	vshll.u32 v1, v2;
	[tilespmem:$0x4170] =	vst v3  }
0x125: {  	s30 =	rddreg [dreg:$0x8];
	[tilespmem:$0x4970] =	vst v2  }
0x126: {  	[spmem:s3] =	stream.indirect.scatter.add.s32 [tilespmem:s30], [sflag:$0x2], $0x1, s28, s19, $0xb8;
	[tilespmem:$0x1FBA8] =	vst v63  }
0x127: {  	v2 =	vld [tilespmem:$0x80];
	_ =	sdelay $0x4  }
0x128: {  	v3 =	vshra.s32 v2, $0x2;
	_ =	sdelay $0x4  }
0x129: {  	v3 =	vld.idx.msk [tilespmem:v3+s14+$0x0], $0xffff  }
0x12a: {  	v14 =	vld [tilespmem:$0x90]  }
0x12b: {  	v15 =	vld [tilespmem:$0x880]  }
0x12c: {  	v2 =	vshll.u32 v2, $0x3  }
0x12d: {  	v2 =	vand.u32 $0x18, v2  }
0x12e: {  	v2 =	vshrl.u32 v3, v2  }
0x12f: {  	v16 =	vshra.s32 v14, $0x2;
	v3 =	vshrl.u32 v2, $0x2  }
0x130: {  	v5 =	vshll.u32 v15, $0x5;
	v2 =	vshll.u32 v2, $0x3;
	v3 =	vand.u32 $0x3F, v3  }
0x131: {  	v2 =	vand.u32 $0x18, v2;
	v3 =	vadd.s32 v5, v3  }
0x132: {  	v2 =	vshll.u32 v1, v2;
	[tilespmem:$0x4180] =	vst v3  }
0x133: {  	[tilespmem:$0x4980] =	vst v2  }
0x134: {  	v2 =	vld.idx.msk [tilespmem:v16+s14+$0x0], $0xffff  }
0x135: {  	v3 =	vld [tilespmem:$0xA0]  }
0x136: {  	v17 =	vld [tilespmem:$0x890]  }
0x137: {  	v4 =	vshll.u32 v14, $0x3  }
0x138: {  	v4 =	vand.u32 $0x18, v4  }
0x139: {  	v2 =	vshrl.u32 v2, v4  }
0x13a: {  	v18 =	vshra.s32 v3, $0x2;
	v4 =	vshrl.u32 v2, $0x2  }
0x13b: {  	v5 =	vshll.u32 v17, $0x5;
	v2 =	vshll.u32 v2, $0x3;
	v4 =	vand.u32 $0x3F, v4  }
0x13c: {  	v2 =	vand.u32 $0x18, v2;
	v4 =	vadd.s32 v5, v4  }
0x13d: {  	v2 =	vshll.u32 v1, v2;
	[tilespmem:$0x4190] =	vst v4  }
0x13e: {  	[tilespmem:$0x4990] =	vst v2  }
0x13f: {  	v2 =	vld.idx.msk [tilespmem:v18+s14+$0x0], $0xffff  }
0x140: {  	v19 =	vld [tilespmem:$0xB0]  }
0x141: {  	v20 =	vld [tilespmem:$0x8A0]  }
0x142: {  	v3 =	vshll.u32 v3, $0x3  }
0x143: {  	v3 =	vand.u32 $0x18, v3  }
0x144: {  	v2 =	vshrl.u32 v2, v3  }
0x145: {  	v21 =	vshra.s32 v19, $0x2;
	v3 =	vshrl.u32 v2, $0x2  }
0x146: {  	v5 =	vshll.u32 v20, $0x5;
	v2 =	vshll.u32 v2, $0x3;
	v3 =	vand.u32 $0x3F, v3  }
0x147: {  	v2 =	vand.u32 $0x18, v2;
	v3 =	vadd.s32 v5, v3  }
0x148: {  	v2 =	vshll.u32 v1, v2;
	[tilespmem:$0x41A0] =	vst v3  }
0x149: {  	[tilespmem:$0x49A0] =	vst v2  }
0x14a: {  	v2 =	vld.idx.msk [tilespmem:v21+s14+$0x0], $0xffff  }
0x14b: {  	v3 =	vld [tilespmem:$0xC0]  }
0x14c: {  	v22 =	vld [tilespmem:$0x8B0]  }
0x14d: {  	v4 =	vshll.u32 v19, $0x3  }
0x14e: {  	v4 =	vand.u32 $0x18, v4  }
0x14f: {  	v2 =	vshrl.u32 v2, v4  }
0x150: {  	v23 =	vshra.s32 v3, $0x2;
	v4 =	vshrl.u32 v2, $0x2  }
0x151: {  	v5 =	vshll.u32 v22, $0x5;
	v2 =	vshll.u32 v2, $0x3;
	v4 =	vand.u32 $0x3F, v4  }
0x152: {  	v2 =	vand.u32 $0x18, v2;
	v4 =	vadd.s32 v5, v4  }
0x153: {  	v2 =	vshll.u32 v1, v2;
	[tilespmem:$0x41B0] =	vst v4  }
0x154: {  	[tilespmem:$0x49B0] =	vst v2  }
0x155: {  	v2 =	vld.idx.msk [tilespmem:v23+s14+$0x0], $0xffff  }
0x156: {  	v24 =	vld [tilespmem:$0xD0]  }
0x157: {  	v25 =	vld [tilespmem:$0x8C0]  }
0x158: {  	v3 =	vshll.u32 v3, $0x3  }
0x159: {  	v3 =	vand.u32 $0x18, v3  }
0x15a: {  	v2 =	vshrl.u32 v2, v3  }
0x15b: {  	v26 =	vshra.s32 v24, $0x2;
	v3 =	vshrl.u32 v2, $0x2  }
0x15c: {  	v5 =	vshll.u32 v25, $0x5;
	v2 =	vshll.u32 v2, $0x3;
	v3 =	vand.u32 $0x3F, v3  }
0x15d: {  	v2 =	vand.u32 $0x18, v2;
	v3 =	vadd.s32 v5, v3  }
0x15e: {  	v2 =	vshll.u32 v1, v2;
	[tilespmem:$0x41C0] =	vst v3  }
0x15f: {  	[tilespmem:$0x49C0] =	vst v2  }
0x160: {  	v2 =	vld.idx.msk [tilespmem:v26+s14+$0x0], $0xffff  }
0x161: {  	v3 =	vld [tilespmem:$0xE0]  }
0x162: {  	v27 =	vld [tilespmem:$0x8D0]  }
0x163: {  	v4 =	vshll.u32 v24, $0x3  }
0x164: {  	v4 =	vand.u32 $0x18, v4  }
0x165: {  	v2 =	vshrl.u32 v2, v4  }
0x166: {  	v28 =	vshra.s32 v3, $0x2;
	v4 =	vshrl.u32 v2, $0x2  }
0x167: {  	v5 =	vshll.u32 v27, $0x5;
	v2 =	vshll.u32 v2, $0x3;
	v4 =	vand.u32 $0x3F, v4  }
0x168: {  	v2 =	vand.u32 $0x18, v2;
	v4 =	vadd.s32 v5, v4  }
0x169: {  	v2 =	vshll.u32 v1, v2;
	[tilespmem:$0x41D0] =	vst v4  }
0x16a: {  	[tilespmem:$0x49D0] =	vst v2  }
0x16b: {  	v2 =	vld.idx.msk [tilespmem:v28+s14+$0x0], $0xffff  }
0x16c: {  	v29 =	vld [tilespmem:$0xF0]  }
0x16d: {  	v30 =	vld [tilespmem:$0x8E0]  }
0x16e: {  	v3 =	vshll.u32 v3, $0x3  }
0x16f: {  	v3 =	vand.u32 $0x18, v3  }
0x170: {  	v2 =	vshrl.u32 v2, v3  }
0x171: {  	v31 =	vshra.s32 v29, $0x2;
	v3 =	vshrl.u32 v2, $0x2  }
0x172: {  	v5 =	vshll.u32 v30, $0x5;
	v2 =	vshll.u32 v2, $0x3;
	v3 =	vand.u32 $0x3F, v3  }
0x173: {  	v2 =	vand.u32 $0x18, v2;
	v3 =	vadd.s32 v5, v3  }
0x174: {  	v2 =	vshll.u32 v1, v2;
	[tilespmem:$0x41E0] =	vst v3  }
0x175: {  	[tilespmem:$0x49E0] =	vst v2  }
0x176: {  	v2 =	vld.idx.msk [tilespmem:v31+s14+$0x0], $0xffff;
	_ =	sdelay $0x1  }
0x177: {  	v3 =	vld [tilespmem:$0x8F0]  }
0x178: {  	v4 =	vshll.u32 v29, $0x3  }
0x179: {  	v4 =	vand.u32 $0x18, v4  }
0x17a: {  	v2 =	vshrl.u32 v2, v4  }
0x17b: {  	v4 =	vshrl.u32 v2, $0x2  }
0x17c: {  	v3 =	vshll.u32 v3, $0x5;
	v2 =	vshll.u32 v2, $0x3;
	v4 =	vand.u32 $0x3F, v4  }
0x17d: {  	v2 =	vand.u32 $0x18, v2;
	v3 =	vadd.s32 v3, v4  }
0x17e: {  	s28 =	rddreg [dreg:$0x9];
	v2 =	vshll.u32 v1, v2;
	[tilespmem:$0x41F0] =	vst v3  }
0x17f: {  	s30 =	rddreg [dreg:$0xa];
	[tilespmem:$0x49F0] =	vst v2  }
0x180: {  	[spmem:s3] =	stream.indirect.scatter.add.s32 [tilespmem:s30], [sflag:$0x2], $0x1, s28, s19, $0xb8;
	[tilespmem:$0x1FBA8] =	vst v63  }
0x181: {  	v2 =	vld [tilespmem:$0x100];
	_ =	sdelay $0x4  }
0x182: {  	v3 =	vshra.s32 v2, $0x2;
	_ =	sdelay $0x4  }
0x183: {  	v3 =	vld.idx.msk [tilespmem:v3+s14+$0x0], $0xffff  }
0x184: {  	v32 =	vld [tilespmem:$0x110]  }
0x185: {  	v33 =	vld [tilespmem:$0x900]  }
0x186: {  	v2 =	vshll.u32 v2, $0x3  }
0x187: {  	v2 =	vand.u32 $0x18, v2  }
0x188: {  	v2 =	vshrl.u32 v3, v2  }
0x189: {  	v34 =	vshra.s32 v32, $0x2;
	v3 =	vshrl.u32 v2, $0x2  }
0x18a: {  	v5 =	vshll.u32 v33, $0x5;
	v2 =	vshll.u32 v2, $0x3;
	v3 =	vand.u32 $0x3F, v3  }
0x18b: {  	v2 =	vand.u32 $0x18, v2;
	v3 =	vadd.s32 v5, v3  }
0x18c: {  	v2 =	vshll.u32 v1, v2;
	[tilespmem:$0x4200] =	vst v3  }
0x18d: {  	[tilespmem:$0x4A00] =	vst v2  }
0x18e: {  	v2 =	vld.idx.msk [tilespmem:v34+s14+$0x0], $0xffff  }
0x18f: {  	v3 =	vld [tilespmem:$0x120]  }
0x190: {  	v35 =	vld [tilespmem:$0x910]  }
0x191: {  	v4 =	vshll.u32 v32, $0x3  }
0x192: {  	v4 =	vand.u32 $0x18, v4  }
0x193: {  	v2 =	vshrl.u32 v2, v4  }
0x194: {  	v36 =	vshra.s32 v3, $0x2;
	v4 =	vshrl.u32 v2, $0x2  }
0x195: {  	v5 =	vshll.u32 v35, $0x5;
	v2 =	vshll.u32 v2, $0x3;
	v4 =	vand.u32 $0x3F, v4  }
0x196: {  	v2 =	vand.u32 $0x18, v2;
	v4 =	vadd.s32 v5, v4  }
0x197: {  	v2 =	vshll.u32 v1, v2;
	[tilespmem:$0x4210] =	vst v4  }
0x198: {  	[tilespmem:$0x4A10] =	vst v2  }
0x199: {  	v2 =	vld.idx.msk [tilespmem:v36+s14+$0x0], $0xffff  }
0x19a: {  	v37 =	vld [tilespmem:$0x130]  }
0x19b: {  	v38 =	vld [tilespmem:$0x920]  }
0x19c: {  	v3 =	vshll.u32 v3, $0x3  }
0x19d: {  	v3 =	vand.u32 $0x18, v3  }
0x19e: {  	v2 =	vshrl.u32 v2, v3  }
0x19f: {  	v39 =	vshra.s32 v37, $0x2;
	v3 =	vshrl.u32 v2, $0x2  }
0x1a0: {  	v5 =	vshll.u32 v38, $0x5;
	v2 =	vshll.u32 v2, $0x3;
	v3 =	vand.u32 $0x3F, v3  }
0x1a1: {  	v2 =	vand.u32 $0x18, v2;
	v3 =	vadd.s32 v5, v3  }
0x1a2: {  	v2 =	vshll.u32 v1, v2;
	[tilespmem:$0x4220] =	vst v3  }
0x1a3: {  	[tilespmem:$0x4A20] =	vst v2  }
0x1a4: {  	v2 =	vld.idx.msk [tilespmem:v39+s14+$0x0], $0xffff  }
0x1a5: {  	v3 =	vld [tilespmem:$0x140]  }
0x1a6: {  	v40 =	vld [tilespmem:$0x930]  }
0x1a7: {  	v4 =	vshll.u32 v37, $0x3  }
0x1a8: {  	v4 =	vand.u32 $0x18, v4  }
0x1a9: {  	v2 =	vshrl.u32 v2, v4  }
0x1aa: {  	v41 =	vshra.s32 v3, $0x2;
	v4 =	vshrl.u32 v2, $0x2  }
0x1ab: {  	v5 =	vshll.u32 v40, $0x5;
	v2 =	vshll.u32 v2, $0x3;
	v4 =	vand.u32 $0x3F, v4  }
0x1ac: {  	v2 =	vand.u32 $0x18, v2;
	v4 =	vadd.s32 v5, v4  }
0x1ad: {  	v2 =	vshll.u32 v1, v2;
	[tilespmem:$0x4230] =	vst v4  }
0x1ae: {  	[tilespmem:$0x4A30] =	vst v2  }
0x1af: {  	v2 =	vld.idx.msk [tilespmem:v41+s14+$0x0], $0xffff  }
0x1b0: {  	v42 =	vld [tilespmem:$0x150]  }
0x1b1: {  	v43 =	vld [tilespmem:$0x940]  }
0x1b2: {  	v3 =	vshll.u32 v3, $0x3  }
0x1b3: {  	v3 =	vand.u32 $0x18, v3  }
0x1b4: {  	v2 =	vshrl.u32 v2, v3  }
0x1b5: {  	v44 =	vshra.s32 v42, $0x2;
	v3 =	vshrl.u32 v2, $0x2  }
0x1b6: {  	v5 =	vshll.u32 v43, $0x5;
	v2 =	vshll.u32 v2, $0x3;
	v3 =	vand.u32 $0x3F, v3  }
0x1b7: {  	v2 =	vand.u32 $0x18, v2;
	v3 =	vadd.s32 v5, v3  }
0x1b8: {  	v2 =	vshll.u32 v1, v2;
	[tilespmem:$0x4240] =	vst v3  }
0x1b9: {  	[tilespmem:$0x4A40] =	vst v2  }
0x1ba: {  	v2 =	vld.idx.msk [tilespmem:v44+s14+$0x0], $0xffff  }
0x1bb: {  	v3 =	vld [tilespmem:$0x160]  }
0x1bc: {  	v45 =	vld [tilespmem:$0x950]  }
0x1bd: {  	v4 =	vshll.u32 v42, $0x3  }
0x1be: {  	v4 =	vand.u32 $0x18, v4  }
0x1bf: {  	v2 =	vshrl.u32 v2, v4  }
0x1c0: {  	v46 =	vshra.s32 v3, $0x2;
	v4 =	vshrl.u32 v2, $0x2  }
0x1c1: {  	v5 =	vshll.u32 v45, $0x5;
	v2 =	vshll.u32 v2, $0x3;
	v4 =	vand.u32 $0x3F, v4  }
0x1c2: {  	v2 =	vand.u32 $0x18, v2;
	v4 =	vadd.s32 v5, v4  }
0x1c3: {  	v2 =	vshll.u32 v1, v2;
	[tilespmem:$0x4250] =	vst v4  }
0x1c4: {  	[tilespmem:$0x4A50] =	vst v2  }
0x1c5: {  	v2 =	vld.idx.msk [tilespmem:v46+s14+$0x0], $0xffff  }
0x1c6: {  	v47 =	vld [tilespmem:$0x170]  }
0x1c7: {  	v48 =	vld [tilespmem:$0x960]  }
0x1c8: {  	v3 =	vshll.u32 v3, $0x3  }
0x1c9: {  	v3 =	vand.u32 $0x18, v3  }
0x1ca: {  	v2 =	vshrl.u32 v2, v3  }
0x1cb: {  	v49 =	vshra.s32 v47, $0x2;
	v3 =	vshrl.u32 v2, $0x2  }
0x1cc: {  	v5 =	vshll.u32 v48, $0x5;
	v2 =	vshll.u32 v2, $0x3;
	v3 =	vand.u32 $0x3F, v3  }
0x1cd: {  	v2 =	vand.u32 $0x18, v2;
	v3 =	vadd.s32 v5, v3  }
0x1ce: {  	v2 =	vshll.u32 v1, v2;
	[tilespmem:$0x4260] =	vst v3  }
0x1cf: {  	[tilespmem:$0x4A60] =	vst v2  }
0x1d0: {  	v2 =	vld.idx.msk [tilespmem:v49+s14+$0x0], $0xffff;
	_ =	sdelay $0x1  }
0x1d1: {  	v3 =	vld [tilespmem:$0x970]  }
0x1d2: {  	v4 =	vshll.u32 v47, $0x3  }
0x1d3: {  	v4 =	vand.u32 $0x18, v4  }
0x1d4: {  	v2 =	vshrl.u32 v2, v4  }
0x1d5: {  	v4 =	vshrl.u32 v2, $0x2  }
0x1d6: {  	v3 =	vshll.u32 v3, $0x5;
	v2 =	vshll.u32 v2, $0x3;
	v4 =	vand.u32 $0x3F, v4  }
0x1d7: {  	v2 =	vand.u32 $0x18, v2;
	v3 =	vadd.s32 v3, v4  }
0x1d8: {  	s28 =	rddreg [dreg:$0xb];
	v2 =	vshll.u32 v1, v2;
	[tilespmem:$0x4270] =	vst v3  }
0x1d9: {  	s30 =	rddreg [dreg:$0xc];
	[tilespmem:$0x4A70] =	vst v2  }
0x1da: {  	[spmem:s3] =	stream.indirect.scatter.add.s32 [tilespmem:s30], [sflag:$0x2], $0x1, s28, s19, $0xb8;
	[tilespmem:$0x1FBA8] =	vst v63  }
0x1db: {  	v2 =	vld [tilespmem:$0x180];
	_ =	sdelay $0x4  }
0x1dc: {  	v3 =	vshra.s32 v2, $0x2;
	_ =	sdelay $0x4  }
0x1dd: {  	v3 =	vld.idx.msk [tilespmem:v3+s14+$0x0], $0xffff  }
0x1de: {  	v50 =	vld [tilespmem:$0x190]  }
0x1df: {  	v51 =	vld [tilespmem:$0x980]  }
0x1e0: {  	v2 =	vshll.u32 v2, $0x3  }
0x1e1: {  	v2 =	vand.u32 $0x18, v2  }
0x1e2: {  	v2 =	vshrl.u32 v3, v2  }
0x1e3: {  	v52 =	vshra.s32 v50, $0x2;
	v3 =	vshrl.u32 v2, $0x2  }
0x1e4: {  	v5 =	vshll.u32 v51, $0x5;
	v2 =	vshll.u32 v2, $0x3;
	v3 =	vand.u32 $0x3F, v3  }
0x1e5: {  	v2 =	vand.u32 $0x18, v2;
	v3 =	vadd.s32 v5, v3  }
0x1e6: {  	v2 =	vshll.u32 v1, v2;
	[tilespmem:$0x4280] =	vst v3  }
0x1e7: {  	[tilespmem:$0x4A80] =	vst v2  }
0x1e8: {  	v2 =	vld.idx.msk [tilespmem:v52+s14+$0x0], $0xffff  }
0x1e9: {  	v3 =	vld [tilespmem:$0x1A0]  }
0x1ea: {  	v53 =	vld [tilespmem:$0x990]  }
0x1eb: {  	v4 =	vshll.u32 v50, $0x3  }
0x1ec: {  	v4 =	vand.u32 $0x18, v4  }
0x1ed: {  	v2 =	vshrl.u32 v2, v4  }
0x1ee: {  	v54 =	vshra.s32 v3, $0x2;
	v4 =	vshrl.u32 v2, $0x2  }
0x1ef: {  	v5 =	vshll.u32 v53, $0x5;
	v2 =	vshll.u32 v2, $0x3;
	v4 =	vand.u32 $0x3F, v4  }
0x1f0: {  	v2 =	vand.u32 $0x18, v2;
	v4 =	vadd.s32 v5, v4  }
0x1f1: {  	v2 =	vshll.u32 v1, v2;
	[tilespmem:$0x4290] =	vst v4  }
0x1f2: {  	[tilespmem:$0x4A90] =	vst v2  }
0x1f3: {  	v2 =	vld.idx.msk [tilespmem:v54+s14+$0x0], $0xffff  }
0x1f4: {  	v55 =	vld [tilespmem:$0x1B0]  }
0x1f5: {  	v56 =	vld [tilespmem:$0x9A0]  }
0x1f6: {  	v3 =	vshll.u32 v3, $0x3  }
0x1f7: {  	v3 =	vand.u32 $0x18, v3  }
0x1f8: {  	v2 =	vshrl.u32 v2, v3  }
0x1f9: {  	v57 =	vshra.s32 v55, $0x2;
	v3 =	vshrl.u32 v2, $0x2  }
0x1fa: {  	v5 =	vshll.u32 v56, $0x5;
	v2 =	vshll.u32 v2, $0x3;
	v3 =	vand.u32 $0x3F, v3  }
0x1fb: {  	v2 =	vand.u32 $0x18, v2;
	v3 =	vadd.s32 v5, v3  }
0x1fc: {  	v2 =	vshll.u32 v1, v2;
	[tilespmem:$0x42A0] =	vst v3  }
0x1fd: {  	[tilespmem:$0x4AA0] =	vst v2  }
0x1fe: {  	v2 =	vld.idx.msk [tilespmem:v57+s14+$0x0], $0xffff  }
0x1ff: {  	v3 =	vld [tilespmem:$0x1C0]  }
0x200: {  	v58 =	vld [tilespmem:$0x9B0]  }
0x201: {  	v4 =	vshll.u32 v55, $0x3  }
0x202: {  	v4 =	vand.u32 $0x18, v4  }
0x203: {  	v2 =	vshrl.u32 v2, v4  }
0x204: {  	v59 =	vshra.s32 v3, $0x2;
	v4 =	vshrl.u32 v2, $0x2  }
0x205: {  	v5 =	vshll.u32 v58, $0x5;
	v2 =	vshll.u32 v2, $0x3;
	v4 =	vand.u32 $0x3F, v4  }
0x206: {  	v2 =	vand.u32 $0x18, v2;
	v4 =	vadd.s32 v5, v4  }
0x207: {  	v2 =	vshll.u32 v1, v2;
	[tilespmem:$0x42B0] =	vst v4  }
0x208: {  	[tilespmem:$0x4AB0] =	vst v2  }
0x209: {  	v2 =	vld.idx.msk [tilespmem:v59+s14+$0x0], $0xffff  }
0x20a: {  	v60 =	vld [tilespmem:$0x1D0]  }
0x20b: {  	v61 =	vld [tilespmem:$0x9C0]  }
0x20c: {  	v3 =	vshll.u32 v3, $0x3  }
0x20d: {  	v3 =	vand.u32 $0x18, v3  }
0x20e: {  	v2 =	vshrl.u32 v2, v3  }
0x20f: {  	v62 =	vshra.s32 v60, $0x2;
	v3 =	vshrl.u32 v2, $0x2  }
0x210: {  	v5 =	vshll.u32 v61, $0x5;
	v2 =	vshll.u32 v2, $0x3;
	v3 =	vand.u32 $0x3F, v3  }
0x211: {  	v2 =	vand.u32 $0x18, v2;
	v3 =	vadd.s32 v5, v3  }
0x212: {  	v2 =	vshll.u32 v1, v2;
	[tilespmem:$0x42C0] =	vst v3  }
0x213: {  	[tilespmem:$0x4AC0] =	vst v2  }
0x214: {  	v2 =	vld.idx.msk [tilespmem:v62+s14+$0x0], $0xffff  }
0x215: {  	v3 =	vld [tilespmem:$0x1E0]  }
0x216: {  	v63 =	vld [tilespmem:$0x9D0]  }
0x217: {  	v4 =	vshll.u32 v60, $0x3  }
0x218: {  	v4 =	vand.u32 $0x18, v4  }
0x219: {  	v2 =	vshrl.u32 v2, v4  }
0x21a: {  	v9 =	vshra.s32 v3, $0x2;
	v4 =	vshrl.u32 v2, $0x2  }
0x21b: {  	v5 =	vshll.u32 v63, $0x5;
	v2 =	vshll.u32 v2, $0x3;
	v4 =	vand.u32 $0x3F, v4  }
0x21c: {  	v2 =	vand.u32 $0x18, v2;
	v4 =	vadd.s32 v5, v4  }
0x21d: {  	v2 =	vshll.u32 v1, v2;
	[tilespmem:$0x42D0] =	vst v4  }
0x21e: {  	[tilespmem:$0x4AD0] =	vst v2  }
0x21f: {  	v2 =	vld.idx.msk [tilespmem:v9+s14+$0x0], $0xffff  }
0x220: {  	v10 =	vld [tilespmem:$0x1F0]  }
0x221: {  	v11 =	vld [tilespmem:$0x9E0]  }
0x222: {  	v3 =	vshll.u32 v3, $0x3  }
0x223: {  	v3 =	vand.u32 $0x18, v3  }
0x224: {  	v2 =	vshrl.u32 v2, v3  }
0x225: {  	v12 =	vshra.s32 v10, $0x2;
	v3 =	vshrl.u32 v2, $0x2  }
0x226: {  	v5 =	vshll.u32 v11, $0x5;
	v2 =	vshll.u32 v2, $0x3;
	v3 =	vand.u32 $0x3F, v3  }
0x227: {  	v2 =	vand.u32 $0x18, v2;
	v3 =	vadd.s32 v5, v3  }
0x228: {  	v2 =	vshll.u32 v1, v2;
	[tilespmem:$0x42E0] =	vst v3  }
0x229: {  	[tilespmem:$0x4AE0] =	vst v2  }
0x22a: {  	v2 =	vld.idx.msk [tilespmem:v12+s14+$0x0], $0xffff;
	_ =	sdelay $0x1  }
0x22b: {  	v3 =	vld [tilespmem:$0x9F0]  }
0x22c: {  	v4 =	vshll.u32 v10, $0x3  }
0x22d: {  	v4 =	vand.u32 $0x18, v4  }
0x22e: {  	v2 =	vshrl.u32 v2, v4  }
0x22f: {  	v4 =	vshrl.u32 v2, $0x2  }
0x230: {  	v3 =	vshll.u32 v3, $0x5;
	v2 =	vshll.u32 v2, $0x3;
	v4 =	vand.u32 $0x3F, v4  }
0x231: {  	v2 =	vand.u32 $0x18, v2;
	v3 =	vadd.s32 v3, v4  }
0x232: {  	s28 =	rddreg [dreg:$0xd];
	v2 =	vshll.u32 v1, v2;
	[tilespmem:$0x42F0] =	vst v3  }
0x233: {  	s30 =	rddreg [dreg:$0xe];
	[tilespmem:$0x4AF0] =	vst v2  }
0x234: {  	[spmem:s3] =	stream.indirect.scatter.add.s32 [tilespmem:s30], [sflag:$0x2], $0x1, s28, s19, $0xb8;
	[tilespmem:$0x1FBA8] =	vst v63  }
0x235: {  	v2 =	vld [tilespmem:$0x200];
	_ =	sdelay $0x4  }
0x236: {  	v3 =	vshra.s32 v2, $0x2;
	_ =	sdelay $0x4  }
0x237: {  	v3 =	vld.idx.msk [tilespmem:v3+s14+$0x0], $0xffff  }
0x238: {  	v13 =	vld [tilespmem:$0x210]  }
0x239: {  	v14 =	vld [tilespmem:$0xA00]  }
0x23a: {  	v2 =	vshll.u32 v2, $0x3  }
0x23b: {  	v2 =	vand.u32 $0x18, v2  }
0x23c: {  	v2 =	vshrl.u32 v3, v2  }
0x23d: {  	v15 =	vshra.s32 v13, $0x2;
	v3 =	vshrl.u32 v2, $0x2  }
0x23e: {  	v5 =	vshll.u32 v14, $0x5;
	v2 =	vshll.u32 v2, $0x3;
	v3 =	vand.u32 $0x3F, v3  }
0x23f: {  	v2 =	vand.u32 $0x18, v2;
	v3 =	vadd.s32 v5, v3  }
0x240: {  	v2 =	vshll.u32 v1, v2;
	[tilespmem:$0x4300] =	vst v3  }
0x241: {  	[tilespmem:$0x4B00] =	vst v2  }
0x242: {  	v2 =	vld.idx.msk [tilespmem:v15+s14+$0x0], $0xffff  }
0x243: {  	v3 =	vld [tilespmem:$0x220]  }
0x244: {  	v16 =	vld [tilespmem:$0xA10]  }
0x245: {  	v4 =	vshll.u32 v13, $0x3  }
0x246: {  	v4 =	vand.u32 $0x18, v4  }
0x247: {  	v2 =	vshrl.u32 v2, v4  }
0x248: {  	v17 =	vshra.s32 v3, $0x2;
	v4 =	vshrl.u32 v2, $0x2  }
0x249: {  	v5 =	vshll.u32 v16, $0x5;
	v2 =	vshll.u32 v2, $0x3;
	v4 =	vand.u32 $0x3F, v4  }
0x24a: {  	v2 =	vand.u32 $0x18, v2;
	v4 =	vadd.s32 v5, v4  }
0x24b: {  	v2 =	vshll.u32 v1, v2;
	[tilespmem:$0x4310] =	vst v4  }
0x24c: {  	[tilespmem:$0x4B10] =	vst v2  }
0x24d: {  	v2 =	vld.idx.msk [tilespmem:v17+s14+$0x0], $0xffff  }
0x24e: {  	v18 =	vld [tilespmem:$0x230]  }
0x24f: {  	v19 =	vld [tilespmem:$0xA20]  }
0x250: {  	v3 =	vshll.u32 v3, $0x3  }
0x251: {  	v3 =	vand.u32 $0x18, v3  }
0x252: {  	v2 =	vshrl.u32 v2, v3  }
0x253: {  	v20 =	vshra.s32 v18, $0x2;
	v3 =	vshrl.u32 v2, $0x2  }
0x254: {  	v5 =	vshll.u32 v19, $0x5;
	v2 =	vshll.u32 v2, $0x3;
	v3 =	vand.u32 $0x3F, v3  }
0x255: {  	v2 =	vand.u32 $0x18, v2;
	v3 =	vadd.s32 v5, v3  }
0x256: {  	v2 =	vshll.u32 v1, v2;
	[tilespmem:$0x4320] =	vst v3  }
0x257: {  	[tilespmem:$0x4B20] =	vst v2  }
0x258: {  	v2 =	vld.idx.msk [tilespmem:v20+s14+$0x0], $0xffff  }
0x259: {  	v3 =	vld [tilespmem:$0x240]  }
0x25a: {  	v21 =	vld [tilespmem:$0xA30]  }
0x25b: {  	v4 =	vshll.u32 v18, $0x3  }
0x25c: {  	v4 =	vand.u32 $0x18, v4  }
0x25d: {  	v2 =	vshrl.u32 v2, v4  }
0x25e: {  	v22 =	vshra.s32 v3, $0x2;
	v4 =	vshrl.u32 v2, $0x2  }
0x25f: {  	v5 =	vshll.u32 v21, $0x5;
	v2 =	vshll.u32 v2, $0x3;
	v4 =	vand.u32 $0x3F, v4  }
0x260: {  	v2 =	vand.u32 $0x18, v2;
	v4 =	vadd.s32 v5, v4  }
0x261: {  	v2 =	vshll.u32 v1, v2;
	[tilespmem:$0x4330] =	vst v4  }
0x262: {  	[tilespmem:$0x4B30] =	vst v2  }
0x263: {  	v2 =	vld.idx.msk [tilespmem:v22+s14+$0x0], $0xffff  }
0x264: {  	v23 =	vld [tilespmem:$0x250]  }
0x265: {  	v24 =	vld [tilespmem:$0xA40]  }
0x266: {  	v3 =	vshll.u32 v3, $0x3  }
0x267: {  	v3 =	vand.u32 $0x18, v3  }
0x268: {  	v2 =	vshrl.u32 v2, v3  }
0x269: {  	v25 =	vshra.s32 v23, $0x2;
	v3 =	vshrl.u32 v2, $0x2  }
0x26a: {  	v5 =	vshll.u32 v24, $0x5;
	v2 =	vshll.u32 v2, $0x3;
	v3 =	vand.u32 $0x3F, v3  }
0x26b: {  	v2 =	vand.u32 $0x18, v2;
	v3 =	vadd.s32 v5, v3  }
0x26c: {  	v2 =	vshll.u32 v1, v2;
	[tilespmem:$0x4340] =	vst v3  }
0x26d: {  	[tilespmem:$0x4B40] =	vst v2;
	v2 =	vld [tilespmem:$0xA50]  }
0x26e: {  	v3 =	vld.idx.msk [tilespmem:v25+s14+$0x0], $0xffff  }
0x26f: {  	v26 =	vld [tilespmem:$0x260];
	_ =	sdelay $0x1  }
0x270: {  	v4 =	vshll.u32 v23, $0x3  }
0x271: {  	v4 =	vand.u32 $0x18, v4  }
0x272: {  	v3 =	vshrl.u32 v3, v4  }
0x273: {  	v27 =	vshra.s32 v26, $0x2;
	v4 =	vshrl.u32 v3, $0x2  }
0x274: {  	v2 =	vshll.u32 v2, $0x5;
	v3 =	vshll.u32 v3, $0x3;
	v4 =	vand.u32 $0x3F, v4  }
0x275: {  	v3 =	vand.u32 $0x18, v3;
	v2 =	vadd.s32 v2, v4  }
0x276: {  	[tilespmem:$0x4350] =	vst v2;
	v2 =	vshll.u32 v1, v3  }
0x277: {  	[tilespmem:$0x4B50] =	vst v2  }
0x278: {  	v2 =	vld.idx.msk [tilespmem:v27+s14+$0x0], $0xffff  }
0x279: {  	v3 =	vld [tilespmem:$0x270]  }
0x27a: {  	v28 =	vld [tilespmem:$0xA60]  }
0x27b: {  	v5 =	vshll.u32 v26, $0x3  }
0x27c: {  	v5 =	vand.u32 $0x18, v5  }
0x27d: {  	v2 =	vshrl.u32 v2, v5  }
0x27e: {  	v29 =	vshra.s32 v3, $0x2;
	v5 =	vshrl.u32 v2, $0x2  }
0x27f: {  	v4 =	vshll.u32 v28, $0x5;
	v2 =	vshll.u32 v2, $0x3;
	v5 =	vand.u32 $0x3F, v5  }
0x280: {  	v2 =	vand.u32 $0x18, v2;
	v4 =	vadd.s32 v4, v5  }
0x281: {  	v2 =	vshll.u32 v1, v2;
	[tilespmem:$0x4360] =	vst v4  }
0x282: {  	[tilespmem:$0x4B60] =	vst v2  }
0x283: {  	v2 =	vld.idx.msk [tilespmem:v29+s14+$0x0], $0xffff;
	_ =	sdelay $0x1  }
0x284: {  	v30 =	vld [tilespmem:$0xA70]  }
0x285: {  	v3 =	vshll.u32 v3, $0x3  }
0x286: {  	v3 =	vand.u32 $0x18, v3  }
0x287: {  	v2 =	vshrl.u32 v2, v3  }
0x288: {  	v3 =	vshrl.u32 v2, $0x2  }
0x289: {  	v4 =	vshll.u32 v30, $0x5;
	v2 =	vshll.u32 v2, $0x3;
	v3 =	vand.u32 $0x3F, v3  }
0x28a: {  	v2 =	vand.u32 $0x18, v2;
	v3 =	vadd.s32 v4, v3  }
0x28b: {  	s28 =	rddreg [dreg:$0xf];
	v2 =	vshll.u32 v1, v2;
	[tilespmem:$0x4370] =	vst v3  }
0x28c: {  	s30 =	rddreg [dreg:$0x10];
	[tilespmem:$0x4B70] =	vst v2  }
0x28d: {  	[spmem:s3] =	stream.indirect.scatter.add.s32 [tilespmem:s30], [sflag:$0x2], $0x1, s28, s19, $0xb8;
	[tilespmem:$0x1FBA8] =	vst v63  }
0x28e: {  	v2 =	vld [tilespmem:$0x280];
	_ =	sdelay $0x4  }
0x28f: {  	v3 =	vshra.s32 v2, $0x2;
	_ =	sdelay $0x4  }
0x290: {  	v3 =	vld.idx.msk [tilespmem:v3+s14+$0x0], $0xffff  }
0x291: {  	v31 =	vld [tilespmem:$0x290]  }
0x292: {  	v32 =	vld [tilespmem:$0xA80]  }
0x293: {  	v2 =	vshll.u32 v2, $0x3  }
0x294: {  	v2 =	vand.u32 $0x18, v2  }
0x295: {  	v2 =	vshrl.u32 v3, v2  }
0x296: {  	v33 =	vshra.s32 v31, $0x2;
	v3 =	vshrl.u32 v2, $0x2  }
0x297: {  	v5 =	vshll.u32 v32, $0x5;
	v2 =	vshll.u32 v2, $0x3;
	v3 =	vand.u32 $0x3F, v3  }
0x298: {  	v2 =	vand.u32 $0x18, v2;
	v3 =	vadd.s32 v5, v3  }
0x299: {  	v2 =	vshll.u32 v1, v2;
	[tilespmem:$0x4380] =	vst v3  }
0x29a: {  	[tilespmem:$0x4B80] =	vst v2  }
0x29b: {  	v2 =	vld.idx.msk [tilespmem:v33+s14+$0x0], $0xffff  }
0x29c: {  	v3 =	vld [tilespmem:$0x2A0]  }
0x29d: {  	v34 =	vld [tilespmem:$0xA90]  }
0x29e: {  	v4 =	vshll.u32 v31, $0x3  }
0x29f: {  	v4 =	vand.u32 $0x18, v4  }
0x2a0: {  	v2 =	vshrl.u32 v2, v4  }
0x2a1: {  	v35 =	vshra.s32 v3, $0x2;
	v4 =	vshrl.u32 v2, $0x2  }
0x2a2: {  	v5 =	vshll.u32 v34, $0x5;
	v2 =	vshll.u32 v2, $0x3;
	v4 =	vand.u32 $0x3F, v4  }
0x2a3: {  	v2 =	vand.u32 $0x18, v2;
	v4 =	vadd.s32 v5, v4  }
0x2a4: {  	v2 =	vshll.u32 v1, v2;
	[tilespmem:$0x4390] =	vst v4  }
0x2a5: {  	[tilespmem:$0x4B90] =	vst v2  }
0x2a6: {  	v2 =	vld.idx.msk [tilespmem:v35+s14+$0x0], $0xffff  }
0x2a7: {  	v36 =	vld [tilespmem:$0x2B0]  }
0x2a8: {  	v37 =	vld [tilespmem:$0xAA0]  }
0x2a9: {  	v3 =	vshll.u32 v3, $0x3  }
0x2aa: {  	v3 =	vand.u32 $0x18, v3  }
0x2ab: {  	v2 =	vshrl.u32 v2, v3  }
0x2ac: {  	v38 =	vshra.s32 v36, $0x2;
	v3 =	vshrl.u32 v2, $0x2  }
0x2ad: {  	v5 =	vshll.u32 v37, $0x5;
	v2 =	vshll.u32 v2, $0x3;
	v3 =	vand.u32 $0x3F, v3  }
0x2ae: {  	v2 =	vand.u32 $0x18, v2;
	v3 =	vadd.s32 v5, v3  }
0x2af: {  	v2 =	vshll.u32 v1, v2;
	[tilespmem:$0x43A0] =	vst v3  }
0x2b0: {  	[tilespmem:$0x4BA0] =	vst v2  }
0x2b1: {  	v2 =	vld.idx.msk [tilespmem:v38+s14+$0x0], $0xffff  }
0x2b2: {  	v3 =	vld [tilespmem:$0x2C0]  }
0x2b3: {  	v39 =	vld [tilespmem:$0xAB0]  }
0x2b4: {  	v4 =	vshll.u32 v36, $0x3  }
0x2b5: {  	v4 =	vand.u32 $0x18, v4  }
0x2b6: {  	v2 =	vshrl.u32 v2, v4  }
0x2b7: {  	v40 =	vshra.s32 v3, $0x2;
	v4 =	vshrl.u32 v2, $0x2  }
0x2b8: {  	v5 =	vshll.u32 v39, $0x5;
	v2 =	vshll.u32 v2, $0x3;
	v4 =	vand.u32 $0x3F, v4  }
0x2b9: {  	v2 =	vand.u32 $0x18, v2;
	v4 =	vadd.s32 v5, v4  }
0x2ba: {  	v2 =	vshll.u32 v1, v2;
	[tilespmem:$0x43B0] =	vst v4  }
0x2bb: {  	[tilespmem:$0x4BB0] =	vst v2  }
0x2bc: {  	v2 =	vld.idx.msk [tilespmem:v40+s14+$0x0], $0xffff  }
0x2bd: {  	v41 =	vld [tilespmem:$0x2D0]  }
0x2be: {  	v42 =	vld [tilespmem:$0xAC0]  }
0x2bf: {  	v3 =	vshll.u32 v3, $0x3  }
0x2c0: {  	v3 =	vand.u32 $0x18, v3  }
0x2c1: {  	v2 =	vshrl.u32 v2, v3  }
0x2c2: {  	v43 =	vshra.s32 v41, $0x2;
	v3 =	vshrl.u32 v2, $0x2  }
0x2c3: {  	v5 =	vshll.u32 v42, $0x5;
	v2 =	vshll.u32 v2, $0x3;
	v3 =	vand.u32 $0x3F, v3  }
0x2c4: {  	v2 =	vand.u32 $0x18, v2;
	v3 =	vadd.s32 v5, v3  }
0x2c5: {  	v2 =	vshll.u32 v1, v2;
	[tilespmem:$0x43C0] =	vst v3  }
0x2c6: {  	[tilespmem:$0x4BC0] =	vst v2  }
0x2c7: {  	v2 =	vld.idx.msk [tilespmem:v43+s14+$0x0], $0xffff  }
0x2c8: {  	v3 =	vld [tilespmem:$0x2E0]  }
0x2c9: {  	v44 =	vld [tilespmem:$0xAD0]  }
0x2ca: {  	v4 =	vshll.u32 v41, $0x3  }
0x2cb: {  	v4 =	vand.u32 $0x18, v4  }
0x2cc: {  	v2 =	vshrl.u32 v2, v4  }
0x2cd: {  	v45 =	vshra.s32 v3, $0x2;
	v4 =	vshrl.u32 v2, $0x2  }
0x2ce: {  	v5 =	vshll.u32 v44, $0x5;
	v2 =	vshll.u32 v2, $0x3;
	v4 =	vand.u32 $0x3F, v4  }
0x2cf: {  	v2 =	vand.u32 $0x18, v2;
	v4 =	vadd.s32 v5, v4  }
0x2d0: {  	v2 =	vshll.u32 v1, v2;
	[tilespmem:$0x43D0] =	vst v4  }
0x2d1: {  	[tilespmem:$0x4BD0] =	vst v2  }
0x2d2: {  	v2 =	vld.idx.msk [tilespmem:v45+s14+$0x0], $0xffff  }
0x2d3: {  	v46 =	vld [tilespmem:$0x2F0]  }
0x2d4: {  	v47 =	vld [tilespmem:$0xAE0]  }
0x2d5: {  	v3 =	vshll.u32 v3, $0x3  }
0x2d6: {  	v3 =	vand.u32 $0x18, v3  }
0x2d7: {  	v2 =	vshrl.u32 v2, v3  }
0x2d8: {  	v48 =	vshra.s32 v46, $0x2;
	v3 =	vshrl.u32 v2, $0x2  }
0x2d9: {  	v5 =	vshll.u32 v47, $0x5;
	v2 =	vshll.u32 v2, $0x3;
	v3 =	vand.u32 $0x3F, v3  }
0x2da: {  	v2 =	vand.u32 $0x18, v2;
	v3 =	vadd.s32 v5, v3  }
0x2db: {  	v2 =	vshll.u32 v1, v2;
	[tilespmem:$0x43E0] =	vst v3  }
0x2dc: {  	[tilespmem:$0x4BE0] =	vst v2  }
0x2dd: {  	v2 =	vld.idx.msk [tilespmem:v48+s14+$0x0], $0xffff;
	_ =	sdelay $0x1  }
0x2de: {  	v3 =	vld [tilespmem:$0xAF0]  }
0x2df: {  	v4 =	vshll.u32 v46, $0x3  }
0x2e0: {  	v4 =	vand.u32 $0x18, v4  }
0x2e1: {  	v2 =	vshrl.u32 v2, v4  }
0x2e2: {  	v4 =	vshrl.u32 v2, $0x2  }
0x2e3: {  	v3 =	vshll.u32 v3, $0x5;
	v2 =	vshll.u32 v2, $0x3;
	v4 =	vand.u32 $0x3F, v4  }
0x2e4: {  	v2 =	vand.u32 $0x18, v2;
	v3 =	vadd.s32 v3, v4  }
0x2e5: {  	v2 =	vshll.u32 v1, v2;
	[tilespmem:$0x43F0] =	vst v3  }
0x2e6: {  	s28 =	rddreg [dreg:$0x11];
	s30 =	simm.s32 $0x4B80;
	[tilespmem:$0x4BF0] =	vst v2  }
0x2e7: {  	[spmem:s3] =	stream.indirect.scatter.add.s32 [tilespmem:s30], [sflag:$0x2], $0x1, s28, s19, $0xb8;
	[tilespmem:$0x1FBA8] =	vst v63  }
0x2e8: {  	v2 =	vld [tilespmem:$0x300];
	_ =	sdelay $0x4  }
0x2e9: {  	v3 =	vshra.s32 v2, $0x2;
	_ =	sdelay $0x4  }
0x2ea: {  	v3 =	vld.idx.msk [tilespmem:v3+s14+$0x0], $0xffff  }
0x2eb: {  	v49 =	vld [tilespmem:$0x310]  }
0x2ec: {  	v50 =	vld [tilespmem:$0xB00]  }
0x2ed: {  	v2 =	vshll.u32 v2, $0x3  }
0x2ee: {  	v2 =	vand.u32 $0x18, v2  }
0x2ef: {  	v2 =	vshrl.u32 v3, v2  }
0x2f0: {  	v51 =	vshra.s32 v49, $0x2;
	v3 =	vshrl.u32 v2, $0x2  }
0x2f1: {  	v5 =	vshll.u32 v50, $0x5;
	v2 =	vshll.u32 v2, $0x3;
	v3 =	vand.u32 $0x3F, v3  }
0x2f2: {  	v2 =	vand.u32 $0x18, v2;
	v3 =	vadd.s32 v5, v3  }
0x2f3: {  	v2 =	vshll.u32 v1, v2;
	[tilespmem:$0x4400] =	vst v3  }
0x2f4: {  	[tilespmem:$0x4C00] =	vst v2  }
0x2f5: {  	v2 =	vld.idx.msk [tilespmem:v51+s14+$0x0], $0xffff  }
0x2f6: {  	v3 =	vld [tilespmem:$0x320]  }
0x2f7: {  	v52 =	vld [tilespmem:$0xB10]  }
0x2f8: {  	v4 =	vshll.u32 v49, $0x3  }
0x2f9: {  	v4 =	vand.u32 $0x18, v4  }
0x2fa: {  	v2 =	vshrl.u32 v2, v4  }
0x2fb: {  	v53 =	vshra.s32 v3, $0x2;
	v4 =	vshrl.u32 v2, $0x2  }
0x2fc: {  	v5 =	vshll.u32 v52, $0x5;
	v2 =	vshll.u32 v2, $0x3;
	v4 =	vand.u32 $0x3F, v4  }
0x2fd: {  	v2 =	vand.u32 $0x18, v2;
	v4 =	vadd.s32 v5, v4  }
0x2fe: {  	v2 =	vshll.u32 v1, v2;
	[tilespmem:$0x4410] =	vst v4  }
0x2ff: {  	[tilespmem:$0x4C10] =	vst v2  }
0x300: {  	v2 =	vld.idx.msk [tilespmem:v53+s14+$0x0], $0xffff  }
0x301: {  	v54 =	vld [tilespmem:$0x330]  }
0x302: {  	v55 =	vld [tilespmem:$0xB20]  }
0x303: {  	v3 =	vshll.u32 v3, $0x3  }
0x304: {  	v3 =	vand.u32 $0x18, v3  }
0x305: {  	v2 =	vshrl.u32 v2, v3  }
0x306: {  	v56 =	vshra.s32 v54, $0x2;
	v3 =	vshrl.u32 v2, $0x2  }
0x307: {  	v5 =	vshll.u32 v55, $0x5;
	v2 =	vshll.u32 v2, $0x3;
	v3 =	vand.u32 $0x3F, v3  }
0x308: {  	v2 =	vand.u32 $0x18, v2;
	v3 =	vadd.s32 v5, v3  }
0x309: {  	v2 =	vshll.u32 v1, v2;
	[tilespmem:$0x4420] =	vst v3  }
0x30a: {  	[tilespmem:$0x4C20] =	vst v2  }
0x30b: {  	v2 =	vld.idx.msk [tilespmem:v56+s14+$0x0], $0xffff  }
0x30c: {  	v3 =	vld [tilespmem:$0x340]  }
0x30d: {  	v57 =	vld [tilespmem:$0xB30]  }
0x30e: {  	v4 =	vshll.u32 v54, $0x3  }
0x30f: {  	v4 =	vand.u32 $0x18, v4  }
0x310: {  	v2 =	vshrl.u32 v2, v4  }
0x311: {  	v58 =	vshra.s32 v3, $0x2;
	v4 =	vshrl.u32 v2, $0x2  }
0x312: {  	v5 =	vshll.u32 v57, $0x5;
	v2 =	vshll.u32 v2, $0x3;
	v4 =	vand.u32 $0x3F, v4  }
0x313: {  	v2 =	vand.u32 $0x18, v2;
	v4 =	vadd.s32 v5, v4  }
0x314: {  	v2 =	vshll.u32 v1, v2;
	[tilespmem:$0x4430] =	vst v4  }
0x315: {  	[tilespmem:$0x4C30] =	vst v2  }
0x316: {  	v2 =	vld.idx.msk [tilespmem:v58+s14+$0x0], $0xffff  }
0x317: {  	v59 =	vld [tilespmem:$0x350]  }
0x318: {  	v60 =	vld [tilespmem:$0xB40]  }
0x319: {  	v3 =	vshll.u32 v3, $0x3  }
0x31a: {  	v3 =	vand.u32 $0x18, v3  }
0x31b: {  	v2 =	vshrl.u32 v2, v3  }
0x31c: {  	v61 =	vshra.s32 v59, $0x2;
	v3 =	vshrl.u32 v2, $0x2  }
0x31d: {  	v5 =	vshll.u32 v60, $0x5;
	v2 =	vshll.u32 v2, $0x3;
	v3 =	vand.u32 $0x3F, v3  }
0x31e: {  	v2 =	vand.u32 $0x18, v2;
	v3 =	vadd.s32 v5, v3  }
0x31f: {  	v2 =	vshll.u32 v1, v2;
	[tilespmem:$0x4440] =	vst v3  }
0x320: {  	[tilespmem:$0x4C40] =	vst v2  }
0x321: {  	v2 =	vld.idx.msk [tilespmem:v61+s14+$0x0], $0xffff  }
0x322: {  	v3 =	vld [tilespmem:$0x360]  }
0x323: {  	v62 =	vld [tilespmem:$0xB50]  }
0x324: {  	v4 =	vshll.u32 v59, $0x3  }
0x325: {  	v4 =	vand.u32 $0x18, v4  }
0x326: {  	v2 =	vshrl.u32 v2, v4  }
0x327: {  	v63 =	vshra.s32 v3, $0x2;
	v4 =	vshrl.u32 v2, $0x2  }
0x328: {  	v5 =	vshll.u32 v62, $0x5;
	v2 =	vshll.u32 v2, $0x3;
	v4 =	vand.u32 $0x3F, v4  }
0x329: {  	v2 =	vand.u32 $0x18, v2;
	v4 =	vadd.s32 v5, v4  }
0x32a: {  	v2 =	vshll.u32 v1, v2;
	[tilespmem:$0x4450] =	vst v4  }
0x32b: {  	[tilespmem:$0x4C50] =	vst v2  }
0x32c: {  	v2 =	vld.idx.msk [tilespmem:v63+s14+$0x0], $0xffff  }
0x32d: {  	v9 =	vld [tilespmem:$0x370]  }
0x32e: {  	v10 =	vld [tilespmem:$0xB60]  }
0x32f: {  	v3 =	vshll.u32 v3, $0x3  }
0x330: {  	v3 =	vand.u32 $0x18, v3  }
0x331: {  	v2 =	vshrl.u32 v2, v3  }
0x332: {  	v11 =	vshra.s32 v9, $0x2;
	v3 =	vshrl.u32 v2, $0x2  }
0x333: {  	v5 =	vshll.u32 v10, $0x5;
	v2 =	vshll.u32 v2, $0x3;
	v3 =	vand.u32 $0x3F, v3  }
0x334: {  	v2 =	vand.u32 $0x18, v2;
	v3 =	vadd.s32 v5, v3  }
0x335: {  	v2 =	vshll.u32 v1, v2;
	[tilespmem:$0x4460] =	vst v3  }
0x336: {  	[tilespmem:$0x4C60] =	vst v2  }
0x337: {  	v2 =	vld.idx.msk [tilespmem:v11+s14+$0x0], $0xffff;
	_ =	sdelay $0x1  }
0x338: {  	v3 =	vld [tilespmem:$0xB70]  }
0x339: {  	v4 =	vshll.u32 v9, $0x3  }
0x33a: {  	v4 =	vand.u32 $0x18, v4  }
0x33b: {  	v2 =	vshrl.u32 v2, v4  }
0x33c: {  	v4 =	vshrl.u32 v2, $0x2  }
0x33d: {  	v3 =	vshll.u32 v3, $0x5;
	v2 =	vshll.u32 v2, $0x3;
	v4 =	vand.u32 $0x3F, v4  }
0x33e: {  	v2 =	vand.u32 $0x18, v2;
	v3 =	vadd.s32 v3, v4  }
0x33f: {  	v2 =	vshll.u32 v1, v2;
	[tilespmem:$0x4470] =	vst v3  }
0x340: {  	s28 =	simm.s32 $0x4400;
	s30 =	simm.s32 $0x4C00;
	[tilespmem:$0x4C70] =	vst v2  }
0x341: {  	[spmem:s3] =	stream.indirect.scatter.add.s32 [tilespmem:s30], [sflag:$0x2], $0x1, s28, s19, $0xb8;
	[tilespmem:$0x1FBA8] =	vst v63  }
0x342: {  	v2 =	vld [tilespmem:$0x380];
	_ =	sdelay $0x4  }
0x343: {  	v3 =	vshra.s32 v2, $0x2;
	_ =	sdelay $0x4  }
0x344: {  	v3 =	vld.idx.msk [tilespmem:v3+s14+$0x0], $0xffff  }
0x345: {  	v12 =	vld [tilespmem:$0x390]  }
0x346: {  	v13 =	vld [tilespmem:$0xB80]  }
0x347: {  	v2 =	vshll.u32 v2, $0x3  }
0x348: {  	v2 =	vand.u32 $0x18, v2  }
0x349: {  	v2 =	vshrl.u32 v3, v2  }
0x34a: {  	v14 =	vshra.s32 v12, $0x2;
	v3 =	vshrl.u32 v2, $0x2  }
0x34b: {  	v5 =	vshll.u32 v13, $0x5;
	v2 =	vshll.u32 v2, $0x3;
	v3 =	vand.u32 $0x3F, v3  }
0x34c: {  	v2 =	vand.u32 $0x18, v2;
	v3 =	vadd.s32 v5, v3  }
0x34d: {  	v2 =	vshll.u32 v1, v2;
	[tilespmem:$0x4480] =	vst v3  }
0x34e: {  	[tilespmem:$0x4C80] =	vst v2  }
0x34f: {  	v2 =	vld.idx.msk [tilespmem:v14+s14+$0x0], $0xffff  }
0x350: {  	v3 =	vld [tilespmem:$0x3A0]  }
0x351: {  	v15 =	vld [tilespmem:$0xB90]  }
0x352: {  	v4 =	vshll.u32 v12, $0x3  }
0x353: {  	v4 =	vand.u32 $0x18, v4  }
0x354: {  	v2 =	vshrl.u32 v2, v4  }
0x355: {  	v16 =	vshra.s32 v3, $0x2;
	v4 =	vshrl.u32 v2, $0x2  }
0x356: {  	v5 =	vshll.u32 v15, $0x5;
	v2 =	vshll.u32 v2, $0x3;
	v4 =	vand.u32 $0x3F, v4  }
0x357: {  	v2 =	vand.u32 $0x18, v2;
	v4 =	vadd.s32 v5, v4  }
0x358: {  	v2 =	vshll.u32 v1, v2;
	[tilespmem:$0x4490] =	vst v4  }
0x359: {  	[tilespmem:$0x4C90] =	vst v2  }
0x35a: {  	v2 =	vld.idx.msk [tilespmem:v16+s14+$0x0], $0xffff  }
0x35b: {  	v17 =	vld [tilespmem:$0x3B0]  }
0x35c: {  	v18 =	vld [tilespmem:$0xBA0]  }
0x35d: {  	v3 =	vshll.u32 v3, $0x3  }
0x35e: {  	v3 =	vand.u32 $0x18, v3  }
0x35f: {  	v2 =	vshrl.u32 v2, v3  }
0x360: {  	v19 =	vshra.s32 v17, $0x2;
	v3 =	vshrl.u32 v2, $0x2  }
0x361: {  	v5 =	vshll.u32 v18, $0x5;
	v2 =	vshll.u32 v2, $0x3;
	v3 =	vand.u32 $0x3F, v3  }
0x362: {  	v2 =	vand.u32 $0x18, v2;
	v3 =	vadd.s32 v5, v3  }
0x363: {  	v2 =	vshll.u32 v1, v2;
	[tilespmem:$0x44A0] =	vst v3  }
0x364: {  	[tilespmem:$0x4CA0] =	vst v2  }
0x365: {  	v2 =	vld.idx.msk [tilespmem:v19+s14+$0x0], $0xffff  }
0x366: {  	v3 =	vld [tilespmem:$0x3C0]  }
0x367: {  	v20 =	vld [tilespmem:$0xBB0]  }
0x368: {  	v4 =	vshll.u32 v17, $0x3  }
0x369: {  	v4 =	vand.u32 $0x18, v4  }
0x36a: {  	v2 =	vshrl.u32 v2, v4  }
0x36b: {  	v21 =	vshra.s32 v3, $0x2;
	v4 =	vshrl.u32 v2, $0x2  }
0x36c: {  	v5 =	vshll.u32 v20, $0x5;
	v2 =	vshll.u32 v2, $0x3;
	v4 =	vand.u32 $0x3F, v4  }
0x36d: {  	v2 =	vand.u32 $0x18, v2;
	v4 =	vadd.s32 v5, v4  }
0x36e: {  	v2 =	vshll.u32 v1, v2;
	[tilespmem:$0x44B0] =	vst v4  }
0x36f: {  	[tilespmem:$0x4CB0] =	vst v2  }
0x370: {  	v2 =	vld.idx.msk [tilespmem:v21+s14+$0x0], $0xffff  }
0x371: {  	v22 =	vld [tilespmem:$0x3D0]  }
0x372: {  	v23 =	vld [tilespmem:$0xBC0]  }
0x373: {  	v3 =	vshll.u32 v3, $0x3  }
0x374: {  	v3 =	vand.u32 $0x18, v3  }
0x375: {  	v2 =	vshrl.u32 v2, v3  }
0x376: {  	v24 =	vshra.s32 v22, $0x2;
	v3 =	vshrl.u32 v2, $0x2  }
0x377: {  	v5 =	vshll.u32 v23, $0x5;
	v2 =	vshll.u32 v2, $0x3;
	v3 =	vand.u32 $0x3F, v3  }
0x378: {  	v2 =	vand.u32 $0x18, v2;
	v3 =	vadd.s32 v5, v3  }
0x379: {  	v2 =	vshll.u32 v1, v2;
	[tilespmem:$0x44C0] =	vst v3  }
0x37a: {  	[tilespmem:$0x4CC0] =	vst v2  }
0x37b: {  	v2 =	vld.idx.msk [tilespmem:v24+s14+$0x0], $0xffff  }
0x37c: {  	v3 =	vld [tilespmem:$0x3E0]  }
0x37d: {  	v25 =	vld [tilespmem:$0xBD0]  }
0x37e: {  	v4 =	vshll.u32 v22, $0x3  }
0x37f: {  	v4 =	vand.u32 $0x18, v4  }
0x380: {  	v2 =	vshrl.u32 v2, v4  }
0x381: {  	v26 =	vshra.s32 v3, $0x2;
	v4 =	vshrl.u32 v2, $0x2  }
0x382: {  	v5 =	vshll.u32 v25, $0x5;
	v2 =	vshll.u32 v2, $0x3;
	v4 =	vand.u32 $0x3F, v4  }
0x383: {  	v2 =	vand.u32 $0x18, v2;
	v4 =	vadd.s32 v5, v4  }
0x384: {  	v2 =	vshll.u32 v1, v2;
	[tilespmem:$0x44D0] =	vst v4  }
0x385: {  	[tilespmem:$0x4CD0] =	vst v2  }
0x386: {  	v2 =	vld.idx.msk [tilespmem:v26+s14+$0x0], $0xffff  }
0x387: {  	v27 =	vld [tilespmem:$0x3F0]  }
0x388: {  	v28 =	vld [tilespmem:$0xBE0]  }
0x389: {  	v3 =	vshll.u32 v3, $0x3  }
0x38a: {  	v3 =	vand.u32 $0x18, v3  }
0x38b: {  	v2 =	vshrl.u32 v2, v3  }
0x38c: {  	v29 =	vshra.s32 v27, $0x2;
	v3 =	vshrl.u32 v2, $0x2  }
0x38d: {  	v5 =	vshll.u32 v28, $0x5;
	v2 =	vshll.u32 v2, $0x3;
	v3 =	vand.u32 $0x3F, v3  }
0x38e: {  	v2 =	vand.u32 $0x18, v2;
	v3 =	vadd.s32 v5, v3  }
0x38f: {  	v2 =	vshll.u32 v1, v2;
	[tilespmem:$0x44E0] =	vst v3  }
0x390: {  	[tilespmem:$0x4CE0] =	vst v2  }
0x391: {  	v2 =	vld.idx.msk [tilespmem:v29+s14+$0x0], $0xffff;
	_ =	sdelay $0x1  }
0x392: {  	v3 =	vld [tilespmem:$0xBF0]  }
0x393: {  	v4 =	vshll.u32 v27, $0x3  }
0x394: {  	v4 =	vand.u32 $0x18, v4  }
0x395: {  	v2 =	vshrl.u32 v2, v4  }
0x396: {  	v4 =	vshrl.u32 v2, $0x2  }
0x397: {  	v3 =	vshll.u32 v3, $0x5;
	v2 =	vshll.u32 v2, $0x3;
	v4 =	vand.u32 $0x3F, v4  }
0x398: {  	v2 =	vand.u32 $0x18, v2;
	v3 =	vadd.s32 v3, v4  }
0x399: {  	v2 =	vshll.u32 v1, v2;
	[tilespmem:$0x44F0] =	vst v3  }
0x39a: {  	s28 =	simm.s32 $0x4480;
	s30 =	simm.s32 $0x4C80;
	[tilespmem:$0x4CF0] =	vst v2  }
0x39b: {  	[spmem:s3] =	stream.indirect.scatter.add.s32 [tilespmem:s30], [sflag:$0x2], $0x1, s28, s19, $0xb8;
	[tilespmem:$0x1FBA8] =	vst v63  }
0x39c: {  	v2 =	vld [tilespmem:$0x400];
	_ =	sdelay $0x4  }
0x39d: {  	v3 =	vshra.s32 v2, $0x2;
	_ =	sdelay $0x4  }
0x39e: {  	v3 =	vld.idx.msk [tilespmem:v3+s14+$0x0], $0xffff  }
0x39f: {  	v30 =	vld [tilespmem:$0x410]  }
0x3a0: {  	v31 =	vld [tilespmem:$0xC00]  }
0x3a1: {  	v2 =	vshll.u32 v2, $0x3  }
0x3a2: {  	v2 =	vand.u32 $0x18, v2  }
0x3a3: {  	v2 =	vshrl.u32 v3, v2  }
0x3a4: {  	v32 =	vshra.s32 v30, $0x2;
	v3 =	vshrl.u32 v2, $0x2  }
0x3a5: {  	v5 =	vshll.u32 v31, $0x5;
	v2 =	vshll.u32 v2, $0x3;
	v3 =	vand.u32 $0x3F, v3  }
0x3a6: {  	v2 =	vand.u32 $0x18, v2;
	v3 =	vadd.s32 v5, v3  }
0x3a7: {  	v2 =	vshll.u32 v1, v2;
	[tilespmem:$0x4500] =	vst v3  }
0x3a8: {  	[tilespmem:$0x4D00] =	vst v2  }
0x3a9: {  	v2 =	vld.idx.msk [tilespmem:v32+s14+$0x0], $0xffff  }
0x3aa: {  	v3 =	vld [tilespmem:$0x420]  }
0x3ab: {  	v33 =	vld [tilespmem:$0xC10]  }
0x3ac: {  	v4 =	vshll.u32 v30, $0x3  }
0x3ad: {  	v4 =	vand.u32 $0x18, v4  }
0x3ae: {  	v2 =	vshrl.u32 v2, v4  }
0x3af: {  	v34 =	vshra.s32 v3, $0x2;
	v4 =	vshrl.u32 v2, $0x2  }
0x3b0: {  	v5 =	vshll.u32 v33, $0x5;
	v2 =	vshll.u32 v2, $0x3;
	v4 =	vand.u32 $0x3F, v4  }
0x3b1: {  	v2 =	vand.u32 $0x18, v2;
	v4 =	vadd.s32 v5, v4  }
0x3b2: {  	v2 =	vshll.u32 v1, v2;
	[tilespmem:$0x4510] =	vst v4  }
0x3b3: {  	[tilespmem:$0x4D10] =	vst v2  }
0x3b4: {  	v2 =	vld.idx.msk [tilespmem:v34+s14+$0x0], $0xffff  }
0x3b5: {  	v35 =	vld [tilespmem:$0x430]  }
0x3b6: {  	v36 =	vld [tilespmem:$0xC20]  }
0x3b7: {  	v3 =	vshll.u32 v3, $0x3  }
0x3b8: {  	v3 =	vand.u32 $0x18, v3  }
0x3b9: {  	v2 =	vshrl.u32 v2, v3  }
0x3ba: {  	v37 =	vshra.s32 v35, $0x2;
	v3 =	vshrl.u32 v2, $0x2  }
0x3bb: {  	v5 =	vshll.u32 v36, $0x5;
	v2 =	vshll.u32 v2, $0x3;
	v3 =	vand.u32 $0x3F, v3  }
0x3bc: {  	v2 =	vand.u32 $0x18, v2;
	v3 =	vadd.s32 v5, v3  }
0x3bd: {  	v2 =	vshll.u32 v1, v2;
	[tilespmem:$0x4520] =	vst v3  }
0x3be: {  	[tilespmem:$0x4D20] =	vst v2  }
0x3bf: {  	v2 =	vld.idx.msk [tilespmem:v37+s14+$0x0], $0xffff  }
0x3c0: {  	v3 =	vld [tilespmem:$0x440]  }
0x3c1: {  	v38 =	vld [tilespmem:$0xC30]  }
0x3c2: {  	v4 =	vshll.u32 v35, $0x3  }
0x3c3: {  	v4 =	vand.u32 $0x18, v4  }
0x3c4: {  	v2 =	vshrl.u32 v2, v4  }
0x3c5: {  	v39 =	vshra.s32 v3, $0x2;
	v4 =	vshrl.u32 v2, $0x2  }
0x3c6: {  	v5 =	vshll.u32 v38, $0x5;
	v2 =	vshll.u32 v2, $0x3;
	v4 =	vand.u32 $0x3F, v4  }
0x3c7: {  	v2 =	vand.u32 $0x18, v2;
	v4 =	vadd.s32 v5, v4  }
0x3c8: {  	v2 =	vshll.u32 v1, v2;
	[tilespmem:$0x4530] =	vst v4  }
0x3c9: {  	[tilespmem:$0x4D30] =	vst v2  }
0x3ca: {  	v2 =	vld.idx.msk [tilespmem:v39+s14+$0x0], $0xffff  }
0x3cb: {  	v40 =	vld [tilespmem:$0x450]  }
0x3cc: {  	v41 =	vld [tilespmem:$0xC40]  }
0x3cd: {  	v3 =	vshll.u32 v3, $0x3  }
0x3ce: {  	v3 =	vand.u32 $0x18, v3  }
0x3cf: {  	v2 =	vshrl.u32 v2, v3  }
0x3d0: {  	v42 =	vshra.s32 v40, $0x2;
	v3 =	vshrl.u32 v2, $0x2  }
0x3d1: {  	v5 =	vshll.u32 v41, $0x5;
	v2 =	vshll.u32 v2, $0x3;
	v3 =	vand.u32 $0x3F, v3  }
0x3d2: {  	v2 =	vand.u32 $0x18, v2;
	v3 =	vadd.s32 v5, v3  }
0x3d3: {  	v2 =	vshll.u32 v1, v2;
	[tilespmem:$0x4540] =	vst v3  }
0x3d4: {  	[tilespmem:$0x4D40] =	vst v2  }
0x3d5: {  	v2 =	vld.idx.msk [tilespmem:v42+s14+$0x0], $0xffff  }
0x3d6: {  	v3 =	vld [tilespmem:$0x460]  }
0x3d7: {  	v43 =	vld [tilespmem:$0xC50]  }
0x3d8: {  	v4 =	vshll.u32 v40, $0x3  }
0x3d9: {  	v4 =	vand.u32 $0x18, v4  }
0x3da: {  	v2 =	vshrl.u32 v2, v4  }
0x3db: {  	v44 =	vshra.s32 v3, $0x2;
	v4 =	vshrl.u32 v2, $0x2  }
0x3dc: {  	v5 =	vshll.u32 v43, $0x5;
	v2 =	vshll.u32 v2, $0x3;
	v4 =	vand.u32 $0x3F, v4  }
0x3dd: {  	v2 =	vand.u32 $0x18, v2;
	v4 =	vadd.s32 v5, v4  }
0x3de: {  	v2 =	vshll.u32 v1, v2;
	[tilespmem:$0x4550] =	vst v4  }
0x3df: {  	[tilespmem:$0x4D50] =	vst v2  }
0x3e0: {  	v2 =	vld.idx.msk [tilespmem:v44+s14+$0x0], $0xffff  }
0x3e1: {  	v45 =	vld [tilespmem:$0x470]  }
0x3e2: {  	v46 =	vld [tilespmem:$0xC60]  }
0x3e3: {  	v3 =	vshll.u32 v3, $0x3  }
0x3e4: {  	v3 =	vand.u32 $0x18, v3  }
0x3e5: {  	v2 =	vshrl.u32 v2, v3  }
0x3e6: {  	v47 =	vshra.s32 v45, $0x2;
	v3 =	vshrl.u32 v2, $0x2  }
0x3e7: {  	v5 =	vshll.u32 v46, $0x5;
	v2 =	vshll.u32 v2, $0x3;
	v3 =	vand.u32 $0x3F, v3  }
0x3e8: {  	v2 =	vand.u32 $0x18, v2;
	v3 =	vadd.s32 v5, v3  }
0x3e9: {  	v2 =	vshll.u32 v1, v2;
	[tilespmem:$0x4560] =	vst v3  }
0x3ea: {  	[tilespmem:$0x4D60] =	vst v2  }
0x3eb: {  	v2 =	vld.idx.msk [tilespmem:v47+s14+$0x0], $0xffff;
	_ =	sdelay $0x1  }
0x3ec: {  	v3 =	vld [tilespmem:$0xC70]  }
0x3ed: {  	v4 =	vshll.u32 v45, $0x3  }
0x3ee: {  	v4 =	vand.u32 $0x18, v4  }
0x3ef: {  	v2 =	vshrl.u32 v2, v4  }
0x3f0: {  	v4 =	vshrl.u32 v2, $0x2  }
0x3f1: {  	v3 =	vshll.u32 v3, $0x5;
	v2 =	vshll.u32 v2, $0x3;
	v4 =	vand.u32 $0x3F, v4  }
0x3f2: {  	v2 =	vand.u32 $0x18, v2;
	v3 =	vadd.s32 v3, v4  }
0x3f3: {  	v2 =	vshll.u32 v1, v2;
	[tilespmem:$0x4570] =	vst v3  }
0x3f4: {  	s28 =	simm.s32 $0x4500;
	s30 =	simm.s32 $0x4D00;
	[tilespmem:$0x4D70] =	vst v2  }
0x3f5: {  	[spmem:s3] =	stream.indirect.scatter.add.s32 [tilespmem:s30], [sflag:$0x2], $0x1, s28, s19, $0xb8;
	[tilespmem:$0x1FBA8] =	vst v63  }
0x3f6: {  	v2 =	vld [tilespmem:$0x480];
	_ =	sdelay $0x4  }
0x3f7: {  	v3 =	vshra.s32 v2, $0x2;
	_ =	sdelay $0x4  }
0x3f8: {  	v3 =	vld.idx.msk [tilespmem:v3+s14+$0x0], $0xffff  }
0x3f9: {  	v48 =	vld [tilespmem:$0x490]  }
0x3fa: {  	v49 =	vld [tilespmem:$0xC80]  }
0x3fb: {  	v2 =	vshll.u32 v2, $0x3  }
0x3fc: {  	v2 =	vand.u32 $0x18, v2  }
0x3fd: {  	v2 =	vshrl.u32 v3, v2  }
0x3fe: {  	v50 =	vshra.s32 v48, $0x2;
	v3 =	vshrl.u32 v2, $0x2  }
0x3ff: {  	v5 =	vshll.u32 v49, $0x5;
	v2 =	vshll.u32 v2, $0x3;
	v3 =	vand.u32 $0x3F, v3  }
0x400: {  	v2 =	vand.u32 $0x18, v2;
	v3 =	vadd.s32 v5, v3  }
0x401: {  	v2 =	vshll.u32 v1, v2;
	[tilespmem:$0x4580] =	vst v3  }
0x402: {  	[tilespmem:$0x4D80] =	vst v2  }
0x403: {  	v2 =	vld.idx.msk [tilespmem:v50+s14+$0x0], $0xffff  }
0x404: {  	v3 =	vld [tilespmem:$0x4A0]  }
0x405: {  	v51 =	vld [tilespmem:$0xC90]  }
0x406: {  	v4 =	vshll.u32 v48, $0x3  }
0x407: {  	v4 =	vand.u32 $0x18, v4  }
0x408: {  	v2 =	vshrl.u32 v2, v4  }
0x409: {  	v52 =	vshra.s32 v3, $0x2;
	v4 =	vshrl.u32 v2, $0x2  }
0x40a: {  	v5 =	vshll.u32 v51, $0x5;
	v2 =	vshll.u32 v2, $0x3;
	v4 =	vand.u32 $0x3F, v4  }
0x40b: {  	v2 =	vand.u32 $0x18, v2;
	v4 =	vadd.s32 v5, v4  }
0x40c: {  	v2 =	vshll.u32 v1, v2;
	[tilespmem:$0x4590] =	vst v4  }
0x40d: {  	[tilespmem:$0x4D90] =	vst v2  }
0x40e: {  	v2 =	vld.idx.msk [tilespmem:v52+s14+$0x0], $0xffff  }
0x40f: {  	v53 =	vld [tilespmem:$0x4B0]  }
0x410: {  	v54 =	vld [tilespmem:$0xCA0]  }
0x411: {  	v3 =	vshll.u32 v3, $0x3  }
0x412: {  	v3 =	vand.u32 $0x18, v3  }
0x413: {  	v2 =	vshrl.u32 v2, v3  }
0x414: {  	v55 =	vshra.s32 v53, $0x2;
	v3 =	vshrl.u32 v2, $0x2  }
0x415: {  	v5 =	vshll.u32 v54, $0x5;
	v2 =	vshll.u32 v2, $0x3;
	v3 =	vand.u32 $0x3F, v3  }
0x416: {  	v2 =	vand.u32 $0x18, v2;
	v3 =	vadd.s32 v5, v3  }
0x417: {  	v2 =	vshll.u32 v1, v2;
	[tilespmem:$0x45A0] =	vst v3  }
0x418: {  	[tilespmem:$0x4DA0] =	vst v2  }
0x419: {  	v2 =	vld.idx.msk [tilespmem:v55+s14+$0x0], $0xffff  }
0x41a: {  	v3 =	vld [tilespmem:$0x4C0]  }
0x41b: {  	v56 =	vld [tilespmem:$0xCB0]  }
0x41c: {  	v4 =	vshll.u32 v53, $0x3  }
0x41d: {  	v4 =	vand.u32 $0x18, v4  }
0x41e: {  	v2 =	vshrl.u32 v2, v4  }
0x41f: {  	v57 =	vshra.s32 v3, $0x2;
	v4 =	vshrl.u32 v2, $0x2  }
0x420: {  	v5 =	vshll.u32 v56, $0x5;
	v2 =	vshll.u32 v2, $0x3;
	v4 =	vand.u32 $0x3F, v4  }
0x421: {  	v2 =	vand.u32 $0x18, v2;
	v4 =	vadd.s32 v5, v4  }
0x422: {  	v2 =	vshll.u32 v1, v2;
	[tilespmem:$0x45B0] =	vst v4  }
0x423: {  	[tilespmem:$0x4DB0] =	vst v2  }
0x424: {  	v2 =	vld.idx.msk [tilespmem:v57+s14+$0x0], $0xffff  }
0x425: {  	v58 =	vld [tilespmem:$0x4D0]  }
0x426: {  	v59 =	vld [tilespmem:$0xCC0]  }
0x427: {  	v3 =	vshll.u32 v3, $0x3  }
0x428: {  	v3 =	vand.u32 $0x18, v3  }
0x429: {  	v2 =	vshrl.u32 v2, v3  }
0x42a: {  	v60 =	vshra.s32 v58, $0x2;
	v3 =	vshrl.u32 v2, $0x2  }
0x42b: {  	v5 =	vshll.u32 v59, $0x5;
	v2 =	vshll.u32 v2, $0x3;
	v3 =	vand.u32 $0x3F, v3  }
0x42c: {  	v2 =	vand.u32 $0x18, v2;
	v3 =	vadd.s32 v5, v3  }
0x42d: {  	v2 =	vshll.u32 v1, v2;
	[tilespmem:$0x45C0] =	vst v3  }
0x42e: {  	[tilespmem:$0x4DC0] =	vst v2  }
0x42f: {  	v2 =	vld.idx.msk [tilespmem:v60+s14+$0x0], $0xffff  }
0x430: {  	v3 =	vld [tilespmem:$0x4E0]  }
0x431: {  	v61 =	vld [tilespmem:$0xCD0]  }
0x432: {  	v4 =	vshll.u32 v58, $0x3  }
0x433: {  	v4 =	vand.u32 $0x18, v4  }
0x434: {  	v2 =	vshrl.u32 v2, v4  }
0x435: {  	v62 =	vshra.s32 v3, $0x2;
	v4 =	vshrl.u32 v2, $0x2  }
0x436: {  	v5 =	vshll.u32 v61, $0x5;
	v2 =	vshll.u32 v2, $0x3;
	v4 =	vand.u32 $0x3F, v4  }
0x437: {  	v2 =	vand.u32 $0x18, v2;
	v4 =	vadd.s32 v5, v4  }
0x438: {  	v2 =	vshll.u32 v1, v2;
	[tilespmem:$0x45D0] =	vst v4  }
0x439: {  	[tilespmem:$0x4DD0] =	vst v2  }
0x43a: {  	v2 =	vld.idx.msk [tilespmem:v62+s14+$0x0], $0xffff  }
0x43b: {  	v63 =	vld [tilespmem:$0x4F0]  }
0x43c: {  	v9 =	vld [tilespmem:$0xCE0]  }
0x43d: {  	v3 =	vshll.u32 v3, $0x3  }
0x43e: {  	v3 =	vand.u32 $0x18, v3  }
0x43f: {  	v2 =	vshrl.u32 v2, v3  }
0x440: {  	v10 =	vshra.s32 v63, $0x2;
	v3 =	vshrl.u32 v2, $0x2  }
0x441: {  	v5 =	vshll.u32 v9, $0x5;
	v2 =	vshll.u32 v2, $0x3;
	v3 =	vand.u32 $0x3F, v3  }
0x442: {  	v2 =	vand.u32 $0x18, v2;
	v3 =	vadd.s32 v5, v3  }
0x443: {  	v2 =	vshll.u32 v1, v2;
	[tilespmem:$0x45E0] =	vst v3  }
0x444: {  	[tilespmem:$0x4DE0] =	vst v2  }
0x445: {  	v2 =	vld.idx.msk [tilespmem:v10+s14+$0x0], $0xffff;
	_ =	sdelay $0x1  }
0x446: {  	v3 =	vld [tilespmem:$0xCF0]  }
0x447: {  	v4 =	vshll.u32 v63, $0x3  }
0x448: {  	v4 =	vand.u32 $0x18, v4  }
0x449: {  	v2 =	vshrl.u32 v2, v4  }
0x44a: {  	v4 =	vshrl.u32 v2, $0x2  }
0x44b: {  	v3 =	vshll.u32 v3, $0x5;
	v2 =	vshll.u32 v2, $0x3;
	v4 =	vand.u32 $0x3F, v4  }
0x44c: {  	v2 =	vand.u32 $0x18, v2;
	v3 =	vadd.s32 v3, v4  }
0x44d: {  	v2 =	vshll.u32 v1, v2;
	[tilespmem:$0x45F0] =	vst v3  }
0x44e: {  	s30 =	simm.s32 $0x4580;
	[tilespmem:$0x4DF0] =	vst v2  }
0x44f: {  	[spmem:s3] =	stream.indirect.scatter.add.s32 [tilespmem:s13], [sflag:$0x2], $0x1, s30, s19, $0xb8;
	[tilespmem:$0x1FBA8] =	vst v63  }
0x450: {  	v2 =	vld [tilespmem:$0x500];
	_ =	sdelay $0x4  }
0x451: {  	v3 =	vshra.s32 v2, $0x2;
	_ =	sdelay $0x4  }
0x452: {  	v3 =	vld.idx.msk [tilespmem:v3+s14+$0x0], $0xffff  }
0x453: {  	v11 =	vld [tilespmem:$0x510]  }
0x454: {  	v12 =	vld [tilespmem:$0xD00]  }
0x455: {  	v2 =	vshll.u32 v2, $0x3  }
0x456: {  	v2 =	vand.u32 $0x18, v2  }
0x457: {  	v2 =	vshrl.u32 v3, v2  }
0x458: {  	v13 =	vshra.s32 v11, $0x2;
	v3 =	vshrl.u32 v2, $0x2  }
0x459: {  	v5 =	vshll.u32 v12, $0x5;
	v2 =	vshll.u32 v2, $0x3;
	v3 =	vand.u32 $0x3F, v3  }
0x45a: {  	v2 =	vand.u32 $0x18, v2;
	v3 =	vadd.s32 v5, v3  }
0x45b: {  	v2 =	vshll.u32 v1, v2;
	[tilespmem:$0x4600] =	vst v3  }
0x45c: {  	[tilespmem:$0x4E00] =	vst v2  }
0x45d: {  	v2 =	vld.idx.msk [tilespmem:v13+s14+$0x0], $0xffff  }
0x45e: {  	v3 =	vld [tilespmem:$0x520]  }
0x45f: {  	v14 =	vld [tilespmem:$0xD10]  }
0x460: {  	v4 =	vshll.u32 v11, $0x3  }
0x461: {  	v4 =	vand.u32 $0x18, v4  }
0x462: {  	v2 =	vshrl.u32 v2, v4  }
0x463: {  	v15 =	vshra.s32 v3, $0x2;
	v4 =	vshrl.u32 v2, $0x2  }
0x464: {  	v5 =	vshll.u32 v14, $0x5;
	v2 =	vshll.u32 v2, $0x3;
	v4 =	vand.u32 $0x3F, v4  }
0x465: {  	v2 =	vand.u32 $0x18, v2;
	v4 =	vadd.s32 v5, v4  }
0x466: {  	v2 =	vshll.u32 v1, v2;
	[tilespmem:$0x4610] =	vst v4  }
0x467: {  	[tilespmem:$0x4E10] =	vst v2  }
0x468: {  	v2 =	vld.idx.msk [tilespmem:v15+s14+$0x0], $0xffff  }
0x469: {  	v16 =	vld [tilespmem:$0x530]  }
0x46a: {  	v17 =	vld [tilespmem:$0xD20]  }
0x46b: {  	v3 =	vshll.u32 v3, $0x3  }
0x46c: {  	v3 =	vand.u32 $0x18, v3  }
0x46d: {  	v2 =	vshrl.u32 v2, v3  }
0x46e: {  	v18 =	vshra.s32 v16, $0x2;
	v3 =	vshrl.u32 v2, $0x2  }
0x46f: {  	v5 =	vshll.u32 v17, $0x5;
	v2 =	vshll.u32 v2, $0x3;
	v3 =	vand.u32 $0x3F, v3  }
0x470: {  	v2 =	vand.u32 $0x18, v2;
	v3 =	vadd.s32 v5, v3  }
0x471: {  	v2 =	vshll.u32 v1, v2;
	[tilespmem:$0x4620] =	vst v3  }
0x472: {  	[tilespmem:$0x4E20] =	vst v2  }
0x473: {  	v2 =	vld.idx.msk [tilespmem:v18+s14+$0x0], $0xffff  }
0x474: {  	v3 =	vld [tilespmem:$0x540]  }
0x475: {  	v19 =	vld [tilespmem:$0xD30]  }
0x476: {  	v4 =	vshll.u32 v16, $0x3  }
0x477: {  	v4 =	vand.u32 $0x18, v4  }
0x478: {  	v2 =	vshrl.u32 v2, v4  }
0x479: {  	v20 =	vshra.s32 v3, $0x2;
	v4 =	vshrl.u32 v2, $0x2  }
0x47a: {  	v5 =	vshll.u32 v19, $0x5;
	v2 =	vshll.u32 v2, $0x3;
	v4 =	vand.u32 $0x3F, v4  }
0x47b: {  	v2 =	vand.u32 $0x18, v2;
	v4 =	vadd.s32 v5, v4  }
0x47c: {  	v2 =	vshll.u32 v1, v2;
	[tilespmem:$0x4630] =	vst v4  }
0x47d: {  	[tilespmem:$0x4E30] =	vst v2  }
0x47e: {  	v2 =	vld.idx.msk [tilespmem:v20+s14+$0x0], $0xffff  }
0x47f: {  	v21 =	vld [tilespmem:$0x550]  }
0x480: {  	v22 =	vld [tilespmem:$0xD40]  }
0x481: {  	v3 =	vshll.u32 v3, $0x3  }
0x482: {  	v3 =	vand.u32 $0x18, v3  }
0x483: {  	v2 =	vshrl.u32 v2, v3  }
0x484: {  	v23 =	vshra.s32 v21, $0x2;
	v3 =	vshrl.u32 v2, $0x2  }
0x485: {  	v5 =	vshll.u32 v22, $0x5;
	v2 =	vshll.u32 v2, $0x3;
	v3 =	vand.u32 $0x3F, v3  }
0x486: {  	v2 =	vand.u32 $0x18, v2;
	v3 =	vadd.s32 v5, v3  }
0x487: {  	v2 =	vshll.u32 v1, v2;
	[tilespmem:$0x4640] =	vst v3  }
0x488: {  	[tilespmem:$0x4E40] =	vst v2  }
0x489: {  	v2 =	vld.idx.msk [tilespmem:v23+s14+$0x0], $0xffff  }
0x48a: {  	v3 =	vld [tilespmem:$0x560]  }
0x48b: {  	v24 =	vld [tilespmem:$0xD50]  }
0x48c: {  	v4 =	vshll.u32 v21, $0x3  }
0x48d: {  	v4 =	vand.u32 $0x18, v4  }
0x48e: {  	v2 =	vshrl.u32 v2, v4  }
0x48f: {  	v25 =	vshra.s32 v3, $0x2;
	v4 =	vshrl.u32 v2, $0x2  }
0x490: {  	v5 =	vshll.u32 v24, $0x5;
	v2 =	vshll.u32 v2, $0x3;
	v4 =	vand.u32 $0x3F, v4  }
0x491: {  	v2 =	vand.u32 $0x18, v2;
	v4 =	vadd.s32 v5, v4  }
0x492: {  	v2 =	vshll.u32 v1, v2;
	[tilespmem:$0x4650] =	vst v4  }
0x493: {  	[tilespmem:$0x4E50] =	vst v2  }
0x494: {  	v2 =	vld.idx.msk [tilespmem:v25+s14+$0x0], $0xffff  }
0x495: {  	v26 =	vld [tilespmem:$0x570]  }
0x496: {  	v27 =	vld [tilespmem:$0xD60]  }
0x497: {  	v3 =	vshll.u32 v3, $0x3  }
0x498: {  	v3 =	vand.u32 $0x18, v3  }
0x499: {  	v2 =	vshrl.u32 v2, v3  }
0x49a: {  	v28 =	vshra.s32 v26, $0x2;
	v3 =	vshrl.u32 v2, $0x2  }
0x49b: {  	v5 =	vshll.u32 v27, $0x5;
	v2 =	vshll.u32 v2, $0x3;
	v3 =	vand.u32 $0x3F, v3  }
0x49c: {  	v2 =	vand.u32 $0x18, v2;
	v3 =	vadd.s32 v5, v3  }
0x49d: {  	v2 =	vshll.u32 v1, v2;
	[tilespmem:$0x4660] =	vst v3  }
0x49e: {  	[tilespmem:$0x4E60] =	vst v2  }
0x49f: {  	v2 =	vld.idx.msk [tilespmem:v28+s14+$0x0], $0xffff;
	_ =	sdelay $0x1  }
0x4a0: {  	v3 =	vld [tilespmem:$0xD70]  }
0x4a1: {  	v4 =	vshll.u32 v26, $0x3  }
0x4a2: {  	v4 =	vand.u32 $0x18, v4  }
0x4a3: {  	v2 =	vshrl.u32 v2, v4  }
0x4a4: {  	v4 =	vshrl.u32 v2, $0x2  }
0x4a5: {  	v3 =	vshll.u32 v3, $0x5;
	v2 =	vshll.u32 v2, $0x3;
	v4 =	vand.u32 $0x3F, v4  }
0x4a6: {  	v2 =	vand.u32 $0x18, v2;
	v3 =	vadd.s32 v3, v4  }
0x4a7: {  	v2 =	vshll.u32 v1, v2;
	[tilespmem:$0x4670] =	vst v3  }
0x4a8: {  	[tilespmem:$0x4E70] =	vst v2  }
0x4a9: {  	[spmem:s3] =	stream.indirect.scatter.add.s32 [tilespmem:s7], [sflag:$0x2], $0x1, s6, s19, $0xb8;
	[tilespmem:$0x1FBA8] =	vst v63  }
0x4aa: {  	v2 =	vld [tilespmem:$0x580];
	_ =	sdelay $0x4  }
0x4ab: {  	v3 =	vshra.s32 v2, $0x2;
	_ =	sdelay $0x4  }
0x4ac: {  	v3 =	vld.idx.msk [tilespmem:v3+s14+$0x0], $0xffff  }
0x4ad: {  	v29 =	vld [tilespmem:$0x590]  }
0x4ae: {  	v30 =	vld [tilespmem:$0xD80]  }
0x4af: {  	v2 =	vshll.u32 v2, $0x3  }
0x4b0: {  	v2 =	vand.u32 $0x18, v2  }
0x4b1: {  	v2 =	vshrl.u32 v3, v2  }
0x4b2: {  	v31 =	vshra.s32 v29, $0x2;
	v3 =	vshrl.u32 v2, $0x2  }
0x4b3: {  	v5 =	vshll.u32 v30, $0x5;
	v2 =	vshll.u32 v2, $0x3;
	v3 =	vand.u32 $0x3F, v3  }
0x4b4: {  	v2 =	vand.u32 $0x18, v2;
	v3 =	vadd.s32 v5, v3  }
0x4b5: {  	v2 =	vshll.u32 v1, v2;
	[tilespmem:$0x4680] =	vst v3  }
0x4b6: {  	[tilespmem:$0x4E80] =	vst v2  }
0x4b7: {  	v2 =	vld.idx.msk [tilespmem:v31+s14+$0x0], $0xffff  }
0x4b8: {  	v3 =	vld [tilespmem:$0x5A0]  }
0x4b9: {  	v32 =	vld [tilespmem:$0xD90]  }
0x4ba: {  	v4 =	vshll.u32 v29, $0x3  }
0x4bb: {  	v4 =	vand.u32 $0x18, v4  }
0x4bc: {  	v2 =	vshrl.u32 v2, v4  }
0x4bd: {  	v33 =	vshra.s32 v3, $0x2;
	v4 =	vshrl.u32 v2, $0x2  }
0x4be: {  	v5 =	vshll.u32 v32, $0x5;
	v2 =	vshll.u32 v2, $0x3;
	v4 =	vand.u32 $0x3F, v4  }
0x4bf: {  	v2 =	vand.u32 $0x18, v2;
	v4 =	vadd.s32 v5, v4  }
0x4c0: {  	v2 =	vshll.u32 v1, v2;
	[tilespmem:$0x4690] =	vst v4  }
0x4c1: {  	[tilespmem:$0x4E90] =	vst v2  }
0x4c2: {  	v2 =	vld.idx.msk [tilespmem:v33+s14+$0x0], $0xffff  }
0x4c3: {  	v34 =	vld [tilespmem:$0x5B0]  }
0x4c4: {  	v35 =	vld [tilespmem:$0xDA0]  }
0x4c5: {  	v3 =	vshll.u32 v3, $0x3  }
0x4c6: {  	v3 =	vand.u32 $0x18, v3  }
0x4c7: {  	v2 =	vshrl.u32 v2, v3  }
0x4c8: {  	v36 =	vshra.s32 v34, $0x2;
	v3 =	vshrl.u32 v2, $0x2  }
0x4c9: {  	v5 =	vshll.u32 v35, $0x5;
	v2 =	vshll.u32 v2, $0x3;
	v3 =	vand.u32 $0x3F, v3  }
0x4ca: {  	v2 =	vand.u32 $0x18, v2;
	v3 =	vadd.s32 v5, v3  }
0x4cb: {  	v2 =	vshll.u32 v1, v2;
	[tilespmem:$0x46A0] =	vst v3  }
0x4cc: {  	[tilespmem:$0x4EA0] =	vst v2  }
0x4cd: {  	v2 =	vld.idx.msk [tilespmem:v36+s14+$0x0], $0xffff  }
0x4ce: {  	v3 =	vld [tilespmem:$0x5C0]  }
0x4cf: {  	v37 =	vld [tilespmem:$0xDB0]  }
0x4d0: {  	v4 =	vshll.u32 v34, $0x3  }
0x4d1: {  	v4 =	vand.u32 $0x18, v4  }
0x4d2: {  	v2 =	vshrl.u32 v2, v4  }
0x4d3: {  	v38 =	vshra.s32 v3, $0x2;
	v4 =	vshrl.u32 v2, $0x2  }
0x4d4: {  	v5 =	vshll.u32 v37, $0x5;
	v2 =	vshll.u32 v2, $0x3;
	v4 =	vand.u32 $0x3F, v4  }
0x4d5: {  	v2 =	vand.u32 $0x18, v2;
	v4 =	vadd.s32 v5, v4  }
0x4d6: {  	v2 =	vshll.u32 v1, v2;
	[tilespmem:$0x46B0] =	vst v4  }
0x4d7: {  	[tilespmem:$0x4EB0] =	vst v2  }
0x4d8: {  	v2 =	vld.idx.msk [tilespmem:v38+s14+$0x0], $0xffff  }
0x4d9: {  	v39 =	vld [tilespmem:$0x5D0]  }
0x4da: {  	v40 =	vld [tilespmem:$0xDC0]  }
0x4db: {  	v3 =	vshll.u32 v3, $0x3  }
0x4dc: {  	v3 =	vand.u32 $0x18, v3  }
0x4dd: {  	v2 =	vshrl.u32 v2, v3  }
0x4de: {  	v41 =	vshra.s32 v39, $0x2;
	v3 =	vshrl.u32 v2, $0x2  }
0x4df: {  	v5 =	vshll.u32 v40, $0x5;
	v2 =	vshll.u32 v2, $0x3;
	v3 =	vand.u32 $0x3F, v3  }
0x4e0: {  	v2 =	vand.u32 $0x18, v2;
	v3 =	vadd.s32 v5, v3  }
0x4e1: {  	v2 =	vshll.u32 v1, v2;
	[tilespmem:$0x46C0] =	vst v3  }
0x4e2: {  	[tilespmem:$0x4EC0] =	vst v2  }
0x4e3: {  	v2 =	vld.idx.msk [tilespmem:v41+s14+$0x0], $0xffff  }
0x4e4: {  	v3 =	vld [tilespmem:$0x5E0]  }
0x4e5: {  	v42 =	vld [tilespmem:$0xDD0]  }
0x4e6: {  	v4 =	vshll.u32 v39, $0x3  }
0x4e7: {  	v4 =	vand.u32 $0x18, v4  }
0x4e8: {  	v2 =	vshrl.u32 v2, v4  }
0x4e9: {  	v43 =	vshra.s32 v3, $0x2;
	v4 =	vshrl.u32 v2, $0x2  }
0x4ea: {  	v5 =	vshll.u32 v42, $0x5;
	v2 =	vshll.u32 v2, $0x3;
	v4 =	vand.u32 $0x3F, v4  }
0x4eb: {  	v2 =	vand.u32 $0x18, v2;
	v4 =	vadd.s32 v5, v4  }
0x4ec: {  	v2 =	vshll.u32 v1, v2;
	[tilespmem:$0x46D0] =	vst v4  }
0x4ed: {  	[tilespmem:$0x4ED0] =	vst v2  }
0x4ee: {  	v2 =	vld.idx.msk [tilespmem:v43+s14+$0x0], $0xffff  }
0x4ef: {  	v44 =	vld [tilespmem:$0x5F0]  }
0x4f0: {  	v45 =	vld [tilespmem:$0xDE0]  }
0x4f1: {  	v3 =	vshll.u32 v3, $0x3  }
0x4f2: {  	v3 =	vand.u32 $0x18, v3  }
0x4f3: {  	v2 =	vshrl.u32 v2, v3  }
0x4f4: {  	v46 =	vshra.s32 v44, $0x2;
	v3 =	vshrl.u32 v2, $0x2  }
0x4f5: {  	v5 =	vshll.u32 v45, $0x5;
	v2 =	vshll.u32 v2, $0x3;
	v3 =	vand.u32 $0x3F, v3  }
0x4f6: {  	v2 =	vand.u32 $0x18, v2;
	v3 =	vadd.s32 v5, v3  }
0x4f7: {  	v2 =	vshll.u32 v1, v2;
	[tilespmem:$0x46E0] =	vst v3  }
0x4f8: {  	[tilespmem:$0x4EE0] =	vst v2  }
0x4f9: {  	v2 =	vld.idx.msk [tilespmem:v46+s14+$0x0], $0xffff;
	_ =	sdelay $0x1  }
0x4fa: {  	v3 =	vld [tilespmem:$0xDF0]  }
0x4fb: {  	v4 =	vshll.u32 v44, $0x3  }
0x4fc: {  	v4 =	vand.u32 $0x18, v4  }
0x4fd: {  	v2 =	vshrl.u32 v2, v4  }
0x4fe: {  	v4 =	vshrl.u32 v2, $0x2  }
0x4ff: {  	v3 =	vshll.u32 v3, $0x5;
	v2 =	vshll.u32 v2, $0x3;
	v4 =	vand.u32 $0x3F, v4  }
0x500: {  	v2 =	vand.u32 $0x18, v2;
	v3 =	vadd.s32 v3, v4  }
0x501: {  	v2 =	vshll.u32 v1, v2;
	[tilespmem:$0x46F0] =	vst v3  }
0x502: {  	[tilespmem:$0x4EF0] =	vst v2  }
0x503: {  	[spmem:s3] =	stream.indirect.scatter.add.s32 [tilespmem:s12], [sflag:$0x2], $0x1, s5, s19, $0xb8;
	[tilespmem:$0x1FBA8] =	vst v63  }
0x504: {  	v2 =	vld [tilespmem:$0x600];
	_ =	sdelay $0x4  }
0x505: {  	v3 =	vshra.s32 v2, $0x2;
	_ =	sdelay $0x4  }
0x506: {  	v3 =	vld.idx.msk [tilespmem:v3+s14+$0x0], $0xffff  }
0x507: {  	v47 =	vld [tilespmem:$0x610]  }
0x508: {  	v48 =	vld [tilespmem:$0xE00]  }
0x509: {  	v2 =	vshll.u32 v2, $0x3  }
0x50a: {  	v2 =	vand.u32 $0x18, v2  }
0x50b: {  	v2 =	vshrl.u32 v3, v2  }
0x50c: {  	v49 =	vshra.s32 v47, $0x2;
	v3 =	vshrl.u32 v2, $0x2  }
0x50d: {  	v5 =	vshll.u32 v48, $0x5;
	v2 =	vshll.u32 v2, $0x3;
	v3 =	vand.u32 $0x3F, v3  }
0x50e: {  	v2 =	vand.u32 $0x18, v2;
	v3 =	vadd.s32 v5, v3  }
0x50f: {  	v2 =	vshll.u32 v1, v2;
	[tilespmem:$0x4700] =	vst v3  }
0x510: {  	[tilespmem:$0x4F00] =	vst v2  }
0x511: {  	v2 =	vld.idx.msk [tilespmem:v49+s14+$0x0], $0xffff  }
0x512: {  	v3 =	vld [tilespmem:$0x620]  }
0x513: {  	v50 =	vld [tilespmem:$0xE10]  }
0x514: {  	v4 =	vshll.u32 v47, $0x3  }
0x515: {  	v4 =	vand.u32 $0x18, v4  }
0x516: {  	v2 =	vshrl.u32 v2, v4  }
0x517: {  	v51 =	vshra.s32 v3, $0x2;
	v4 =	vshrl.u32 v2, $0x2  }
0x518: {  	v5 =	vshll.u32 v50, $0x5;
	v2 =	vshll.u32 v2, $0x3;
	v4 =	vand.u32 $0x3F, v4  }
0x519: {  	v2 =	vand.u32 $0x18, v2;
	v4 =	vadd.s32 v5, v4  }
0x51a: {  	v2 =	vshll.u32 v1, v2;
	[tilespmem:$0x4710] =	vst v4  }
0x51b: {  	[tilespmem:$0x4F10] =	vst v2  }
0x51c: {  	v2 =	vld.idx.msk [tilespmem:v51+s14+$0x0], $0xffff  }
0x51d: {  	v52 =	vld [tilespmem:$0x630]  }
0x51e: {  	v53 =	vld [tilespmem:$0xE20]  }
0x51f: {  	v3 =	vshll.u32 v3, $0x3  }
0x520: {  	v3 =	vand.u32 $0x18, v3  }
0x521: {  	v2 =	vshrl.u32 v2, v3  }
0x522: {  	v54 =	vshra.s32 v52, $0x2;
	v3 =	vshrl.u32 v2, $0x2  }
0x523: {  	v5 =	vshll.u32 v53, $0x5;
	v2 =	vshll.u32 v2, $0x3;
	v3 =	vand.u32 $0x3F, v3  }
0x524: {  	v2 =	vand.u32 $0x18, v2;
	v3 =	vadd.s32 v5, v3  }
0x525: {  	v2 =	vshll.u32 v1, v2;
	[tilespmem:$0x4720] =	vst v3  }
0x526: {  	[tilespmem:$0x4F20] =	vst v2  }
0x527: {  	v2 =	vld.idx.msk [tilespmem:v54+s14+$0x0], $0xffff  }
0x528: {  	v3 =	vld [tilespmem:$0x640]  }
0x529: {  	v55 =	vld [tilespmem:$0xE30]  }
0x52a: {  	v4 =	vshll.u32 v52, $0x3  }
0x52b: {  	v4 =	vand.u32 $0x18, v4  }
0x52c: {  	v2 =	vshrl.u32 v2, v4  }
0x52d: {  	v56 =	vshra.s32 v3, $0x2;
	v4 =	vshrl.u32 v2, $0x2  }
0x52e: {  	v5 =	vshll.u32 v55, $0x5;
	v2 =	vshll.u32 v2, $0x3;
	v4 =	vand.u32 $0x3F, v4  }
0x52f: {  	v2 =	vand.u32 $0x18, v2;
	v4 =	vadd.s32 v5, v4  }
0x530: {  	v2 =	vshll.u32 v1, v2;
	[tilespmem:$0x4730] =	vst v4  }
0x531: {  	[tilespmem:$0x4F30] =	vst v2  }
0x532: {  	v2 =	vld.idx.msk [tilespmem:v56+s14+$0x0], $0xffff  }
0x533: {  	v57 =	vld [tilespmem:$0x650]  }
0x534: {  	v58 =	vld [tilespmem:$0xE40]  }
0x535: {  	v3 =	vshll.u32 v3, $0x3  }
0x536: {  	v3 =	vand.u32 $0x18, v3  }
0x537: {  	v2 =	vshrl.u32 v2, v3  }
0x538: {  	v59 =	vshra.s32 v57, $0x2;
	v3 =	vshrl.u32 v2, $0x2  }
0x539: {  	v5 =	vshll.u32 v58, $0x5;
	v2 =	vshll.u32 v2, $0x3;
	v3 =	vand.u32 $0x3F, v3  }
0x53a: {  	v2 =	vand.u32 $0x18, v2;
	v3 =	vadd.s32 v5, v3  }
0x53b: {  	v2 =	vshll.u32 v1, v2;
	[tilespmem:$0x4740] =	vst v3  }
0x53c: {  	[tilespmem:$0x4F40] =	vst v2  }
0x53d: {  	v2 =	vld.idx.msk [tilespmem:v59+s14+$0x0], $0xffff  }
0x53e: {  	v3 =	vld [tilespmem:$0x660]  }
0x53f: {  	v60 =	vld [tilespmem:$0xE50]  }
0x540: {  	v4 =	vshll.u32 v57, $0x3  }
0x541: {  	v4 =	vand.u32 $0x18, v4  }
0x542: {  	v2 =	vshrl.u32 v2, v4  }
0x543: {  	v61 =	vshra.s32 v3, $0x2;
	v4 =	vshrl.u32 v2, $0x2  }
0x544: {  	v5 =	vshll.u32 v60, $0x5;
	v2 =	vshll.u32 v2, $0x3;
	v4 =	vand.u32 $0x3F, v4  }
0x545: {  	v2 =	vand.u32 $0x18, v2;
	v4 =	vadd.s32 v5, v4  }
0x546: {  	v2 =	vshll.u32 v1, v2;
	[tilespmem:$0x4750] =	vst v4  }
0x547: {  	[tilespmem:$0x4F50] =	vst v2  }
0x548: {  	v2 =	vld.idx.msk [tilespmem:v61+s14+$0x0], $0xffff  }
0x549: {  	v62 =	vld [tilespmem:$0x670]  }
0x54a: {  	v63 =	vld [tilespmem:$0xE60]  }
0x54b: {  	v3 =	vshll.u32 v3, $0x3  }
0x54c: {  	v3 =	vand.u32 $0x18, v3  }
0x54d: {  	v2 =	vshrl.u32 v2, v3  }
0x54e: {  	v9 =	vshra.s32 v62, $0x2;
	v3 =	vshrl.u32 v2, $0x2  }
0x54f: {  	v5 =	vshll.u32 v63, $0x5;
	v2 =	vshll.u32 v2, $0x3;
	v3 =	vand.u32 $0x3F, v3  }
0x550: {  	v2 =	vand.u32 $0x18, v2;
	v3 =	vadd.s32 v5, v3  }
0x551: {  	v2 =	vshll.u32 v1, v2;
	[tilespmem:$0x4760] =	vst v3  }
0x552: {  	[tilespmem:$0x4F60] =	vst v2  }
0x553: {  	v2 =	vld.idx.msk [tilespmem:v9+s14+$0x0], $0xffff;
	_ =	sdelay $0x1  }
0x554: {  	v3 =	vld [tilespmem:$0xE70]  }
0x555: {  	v4 =	vshll.u32 v62, $0x3  }
0x556: {  	v4 =	vand.u32 $0x18, v4  }
0x557: {  	v2 =	vshrl.u32 v2, v4  }
0x558: {  	v4 =	vshrl.u32 v2, $0x2  }
0x559: {  	v3 =	vshll.u32 v3, $0x5;
	v2 =	vshll.u32 v2, $0x3;
	v4 =	vand.u32 $0x3F, v4  }
0x55a: {  	v2 =	vand.u32 $0x18, v2;
	v3 =	vadd.s32 v3, v4  }
0x55b: {  	v2 =	vshll.u32 v1, v2;
	[tilespmem:$0x4770] =	vst v3  }
0x55c: {  	[tilespmem:$0x4F70] =	vst v2  }
0x55d: {  	[spmem:s3] =	stream.indirect.scatter.add.s32 [tilespmem:s0], [sflag:$0x2], $0x1, s31, s19, $0xb8;
	[tilespmem:$0x1FBA8] =	vst v63  }
0x55e: {  	v2 =	vld [tilespmem:$0x680];
	_ =	sdelay $0x4  }
0x55f: {  	v3 =	vshra.s32 v2, $0x2;
	_ =	sdelay $0x4  }
0x560: {  	v3 =	vld.idx.msk [tilespmem:v3+s14+$0x0], $0xffff  }
0x561: {  	v10 =	vld [tilespmem:$0x690]  }
0x562: {  	v11 =	vld [tilespmem:$0xE80]  }
0x563: {  	v2 =	vshll.u32 v2, $0x3  }
0x564: {  	v2 =	vand.u32 $0x18, v2  }
0x565: {  	v2 =	vshrl.u32 v3, v2  }
0x566: {  	v12 =	vshra.s32 v10, $0x2;
	v3 =	vshrl.u32 v2, $0x2  }
0x567: {  	v5 =	vshll.u32 v11, $0x5;
	v2 =	vshll.u32 v2, $0x3;
	v3 =	vand.u32 $0x3F, v3  }
0x568: {  	v2 =	vand.u32 $0x18, v2;
	v3 =	vadd.s32 v5, v3  }
0x569: {  	v2 =	vshll.u32 v1, v2;
	[tilespmem:$0x4780] =	vst v3  }
0x56a: {  	[tilespmem:$0x4F80] =	vst v2  }
0x56b: {  	v2 =	vld.idx.msk [tilespmem:v12+s14+$0x0], $0xffff  }
0x56c: {  	v3 =	vld [tilespmem:$0x6A0]  }
0x56d: {  	v13 =	vld [tilespmem:$0xE90]  }
0x56e: {  	v4 =	vshll.u32 v10, $0x3  }
0x56f: {  	v4 =	vand.u32 $0x18, v4  }
0x570: {  	v2 =	vshrl.u32 v2, v4  }
0x571: {  	v14 =	vshra.s32 v3, $0x2;
	v4 =	vshrl.u32 v2, $0x2  }
0x572: {  	v5 =	vshll.u32 v13, $0x5;
	v2 =	vshll.u32 v2, $0x3;
	v4 =	vand.u32 $0x3F, v4  }
0x573: {  	v2 =	vand.u32 $0x18, v2;
	v4 =	vadd.s32 v5, v4  }
0x574: {  	v2 =	vshll.u32 v1, v2;
	[tilespmem:$0x4790] =	vst v4  }
0x575: {  	[tilespmem:$0x4F90] =	vst v2  }
0x576: {  	v2 =	vld.idx.msk [tilespmem:v14+s14+$0x0], $0xffff  }
0x577: {  	v15 =	vld [tilespmem:$0x6B0]  }
0x578: {  	v16 =	vld [tilespmem:$0xEA0]  }
0x579: {  	v3 =	vshll.u32 v3, $0x3  }
0x57a: {  	v3 =	vand.u32 $0x18, v3  }
0x57b: {  	v2 =	vshrl.u32 v2, v3  }
0x57c: {  	v17 =	vshra.s32 v15, $0x2;
	v3 =	vshrl.u32 v2, $0x2  }
0x57d: {  	v5 =	vshll.u32 v16, $0x5;
	v2 =	vshll.u32 v2, $0x3;
	v3 =	vand.u32 $0x3F, v3  }
0x57e: {  	v2 =	vand.u32 $0x18, v2;
	v3 =	vadd.s32 v5, v3  }
0x57f: {  	v2 =	vshll.u32 v1, v2;
	[tilespmem:$0x47A0] =	vst v3  }
0x580: {  	[tilespmem:$0x4FA0] =	vst v2  }
0x581: {  	v2 =	vld.idx.msk [tilespmem:v17+s14+$0x0], $0xffff  }
0x582: {  	v3 =	vld [tilespmem:$0x6C0]  }
0x583: {  	v18 =	vld [tilespmem:$0xEB0]  }
0x584: {  	v4 =	vshll.u32 v15, $0x3  }
0x585: {  	v4 =	vand.u32 $0x18, v4  }
0x586: {  	v2 =	vshrl.u32 v2, v4  }
0x587: {  	v19 =	vshra.s32 v3, $0x2;
	v4 =	vshrl.u32 v2, $0x2  }
0x588: {  	v5 =	vshll.u32 v18, $0x5;
	v2 =	vshll.u32 v2, $0x3;
	v4 =	vand.u32 $0x3F, v4  }
0x589: {  	v2 =	vand.u32 $0x18, v2;
	v4 =	vadd.s32 v5, v4  }
0x58a: {  	v2 =	vshll.u32 v1, v2;
	[tilespmem:$0x47B0] =	vst v4  }
0x58b: {  	[tilespmem:$0x4FB0] =	vst v2  }
0x58c: {  	v2 =	vld.idx.msk [tilespmem:v19+s14+$0x0], $0xffff  }
0x58d: {  	v20 =	vld [tilespmem:$0x6D0]  }
0x58e: {  	v21 =	vld [tilespmem:$0xEC0]  }
0x58f: {  	v3 =	vshll.u32 v3, $0x3  }
0x590: {  	v3 =	vand.u32 $0x18, v3  }
0x591: {  	v2 =	vshrl.u32 v2, v3  }
0x592: {  	v22 =	vshra.s32 v20, $0x2;
	v3 =	vshrl.u32 v2, $0x2  }
0x593: {  	v5 =	vshll.u32 v21, $0x5;
	v2 =	vshll.u32 v2, $0x3;
	v3 =	vand.u32 $0x3F, v3  }
0x594: {  	v2 =	vand.u32 $0x18, v2;
	v3 =	vadd.s32 v5, v3  }
0x595: {  	v2 =	vshll.u32 v1, v2;
	[tilespmem:$0x47C0] =	vst v3  }
0x596: {  	[tilespmem:$0x4FC0] =	vst v2  }
0x597: {  	v2 =	vld.idx.msk [tilespmem:v22+s14+$0x0], $0xffff  }
0x598: {  	v3 =	vld [tilespmem:$0x6E0]  }
0x599: {  	v23 =	vld [tilespmem:$0xED0]  }
0x59a: {  	v4 =	vshll.u32 v20, $0x3  }
0x59b: {  	v4 =	vand.u32 $0x18, v4  }
0x59c: {  	v2 =	vshrl.u32 v2, v4  }
0x59d: {  	v24 =	vshra.s32 v3, $0x2;
	v4 =	vshrl.u32 v2, $0x2  }
0x59e: {  	v5 =	vshll.u32 v23, $0x5;
	v2 =	vshll.u32 v2, $0x3;
	v4 =	vand.u32 $0x3F, v4  }
0x59f: {  	v2 =	vand.u32 $0x18, v2;
	v4 =	vadd.s32 v5, v4  }
0x5a0: {  	v2 =	vshll.u32 v1, v2;
	[tilespmem:$0x47D0] =	vst v4  }
0x5a1: {  	[tilespmem:$0x4FD0] =	vst v2  }
0x5a2: {  	v2 =	vld.idx.msk [tilespmem:v24+s14+$0x0], $0xffff  }
0x5a3: {  	v25 =	vld [tilespmem:$0x6F0]  }
0x5a4: {  	v26 =	vld [tilespmem:$0xEE0]  }
0x5a5: {  	v3 =	vshll.u32 v3, $0x3  }
0x5a6: {  	v3 =	vand.u32 $0x18, v3  }
0x5a7: {  	v2 =	vshrl.u32 v2, v3  }
0x5a8: {  	v27 =	vshra.s32 v25, $0x2;
	v3 =	vshrl.u32 v2, $0x2  }
0x5a9: {  	v5 =	vshll.u32 v26, $0x5;
	v2 =	vshll.u32 v2, $0x3;
	v3 =	vand.u32 $0x3F, v3  }
0x5aa: {  	v2 =	vand.u32 $0x18, v2;
	v3 =	vadd.s32 v5, v3  }
0x5ab: {  	v2 =	vshll.u32 v1, v2;
	[tilespmem:$0x47E0] =	vst v3  }
0x5ac: {  	[tilespmem:$0x4FE0] =	vst v2  }
0x5ad: {  	v2 =	vld.idx.msk [tilespmem:v27+s14+$0x0], $0xffff;
	_ =	sdelay $0x1  }
0x5ae: {  	v3 =	vld [tilespmem:$0xEF0]  }
0x5af: {  	v4 =	vshll.u32 v25, $0x3  }
0x5b0: {  	v4 =	vand.u32 $0x18, v4  }
0x5b1: {  	v2 =	vshrl.u32 v2, v4  }
0x5b2: {  	v4 =	vshrl.u32 v2, $0x2  }
0x5b3: {  	v3 =	vshll.u32 v3, $0x5;
	v2 =	vshll.u32 v2, $0x3;
	v4 =	vand.u32 $0x3F, v4  }
0x5b4: {  	v2 =	vand.u32 $0x18, v2;
	v3 =	vadd.s32 v3, v4  }
0x5b5: {  	v2 =	vshll.u32 v1, v2;
	[tilespmem:$0x47F0] =	vst v3  }
0x5b6: {  	[tilespmem:$0x4FF0] =	vst v2  }
0x5b7: {  	[spmem:s3] =	stream.indirect.scatter.add.s32 [tilespmem:s2], [sflag:$0x2], $0x1, s1, s19, $0xb8;
	[tilespmem:$0x1FBA8] =	vst v63  }
0x5b8: {  	v2 =	vld [tilespmem:$0x700];
	_ =	sdelay $0x4  }
0x5b9: {  	v3 =	vshra.s32 v2, $0x2;
	_ =	sdelay $0x4  }
0x5ba: {  	v3 =	vld.idx.msk [tilespmem:v3+s14+$0x0], $0xffff  }
0x5bb: {  	v28 =	vld [tilespmem:$0x710]  }
0x5bc: {  	v29 =	vld [tilespmem:$0xF00]  }
0x5bd: {  	v2 =	vshll.u32 v2, $0x3  }
0x5be: {  	v2 =	vand.u32 $0x18, v2  }
0x5bf: {  	v2 =	vshrl.u32 v3, v2  }
0x5c0: {  	v30 =	vshra.s32 v28, $0x2;
	v3 =	vshrl.u32 v2, $0x2  }
0x5c1: {  	v5 =	vshll.u32 v29, $0x5;
	v2 =	vshll.u32 v2, $0x3;
	v3 =	vand.u32 $0x3F, v3  }
0x5c2: {  	v2 =	vand.u32 $0x18, v2;
	v3 =	vadd.s32 v5, v3  }
0x5c3: {  	v2 =	vshll.u32 v1, v2;
	[tilespmem:$0x4800] =	vst v3  }
0x5c4: {  	[tilespmem:$0x5000] =	vst v2  }
0x5c5: {  	v2 =	vld.idx.msk [tilespmem:v30+s14+$0x0], $0xffff  }
0x5c6: {  	v3 =	vld [tilespmem:$0x720]  }
0x5c7: {  	v31 =	vld [tilespmem:$0xF10]  }
0x5c8: {  	v4 =	vshll.u32 v28, $0x3  }
0x5c9: {  	v4 =	vand.u32 $0x18, v4  }
0x5ca: {  	v2 =	vshrl.u32 v2, v4  }
0x5cb: {  	v32 =	vshra.s32 v3, $0x2;
	v4 =	vshrl.u32 v2, $0x2  }
0x5cc: {  	v5 =	vshll.u32 v31, $0x5;
	v2 =	vshll.u32 v2, $0x3;
	v4 =	vand.u32 $0x3F, v4  }
0x5cd: {  	v2 =	vand.u32 $0x18, v2;
	v4 =	vadd.s32 v5, v4  }
0x5ce: {  	v2 =	vshll.u32 v1, v2;
	[tilespmem:$0x4810] =	vst v4  }
0x5cf: {  	[tilespmem:$0x5010] =	vst v2  }
0x5d0: {  	v2 =	vld.idx.msk [tilespmem:v32+s14+$0x0], $0xffff  }
0x5d1: {  	v33 =	vld [tilespmem:$0x730]  }
0x5d2: {  	v34 =	vld [tilespmem:$0xF20]  }
0x5d3: {  	v3 =	vshll.u32 v3, $0x3  }
0x5d4: {  	v3 =	vand.u32 $0x18, v3  }
0x5d5: {  	v2 =	vshrl.u32 v2, v3  }
0x5d6: {  	v35 =	vshra.s32 v33, $0x2;
	v3 =	vshrl.u32 v2, $0x2  }
0x5d7: {  	v5 =	vshll.u32 v34, $0x5;
	v2 =	vshll.u32 v2, $0x3;
	v3 =	vand.u32 $0x3F, v3  }
0x5d8: {  	v2 =	vand.u32 $0x18, v2;
	v3 =	vadd.s32 v5, v3  }
0x5d9: {  	v2 =	vshll.u32 v1, v2;
	[tilespmem:$0x4820] =	vst v3  }
0x5da: {  	[tilespmem:$0x5020] =	vst v2  }
0x5db: {  	v2 =	vld.idx.msk [tilespmem:v35+s14+$0x0], $0xffff  }
0x5dc: {  	v3 =	vld [tilespmem:$0x740]  }
0x5dd: {  	v36 =	vld [tilespmem:$0xF30]  }
0x5de: {  	v4 =	vshll.u32 v33, $0x3  }
0x5df: {  	v4 =	vand.u32 $0x18, v4  }
0x5e0: {  	v2 =	vshrl.u32 v2, v4  }
0x5e1: {  	v37 =	vshra.s32 v3, $0x2;
	v4 =	vshrl.u32 v2, $0x2  }
0x5e2: {  	v5 =	vshll.u32 v36, $0x5;
	v2 =	vshll.u32 v2, $0x3;
	v4 =	vand.u32 $0x3F, v4  }
0x5e3: {  	v2 =	vand.u32 $0x18, v2;
	v4 =	vadd.s32 v5, v4  }
0x5e4: {  	v2 =	vshll.u32 v1, v2;
	[tilespmem:$0x4830] =	vst v4  }
0x5e5: {  	[tilespmem:$0x5030] =	vst v2  }
0x5e6: {  	v2 =	vld.idx.msk [tilespmem:v37+s14+$0x0], $0xffff  }
0x5e7: {  	v38 =	vld [tilespmem:$0x750]  }
0x5e8: {  	v39 =	vld [tilespmem:$0xF40]  }
0x5e9: {  	v3 =	vshll.u32 v3, $0x3  }
0x5ea: {  	v3 =	vand.u32 $0x18, v3  }
0x5eb: {  	v2 =	vshrl.u32 v2, v3  }
0x5ec: {  	v40 =	vshra.s32 v38, $0x2;
	v3 =	vshrl.u32 v2, $0x2  }
0x5ed: {  	v5 =	vshll.u32 v39, $0x5;
	v2 =	vshll.u32 v2, $0x3;
	v3 =	vand.u32 $0x3F, v3  }
0x5ee: {  	v2 =	vand.u32 $0x18, v2;
	v3 =	vadd.s32 v5, v3  }
0x5ef: {  	v2 =	vshll.u32 v1, v2;
	[tilespmem:$0x4840] =	vst v3  }
0x5f0: {  	[tilespmem:$0x5040] =	vst v2  }
0x5f1: {  	v2 =	vld.idx.msk [tilespmem:v40+s14+$0x0], $0xffff  }
0x5f2: {  	v3 =	vld [tilespmem:$0x760]  }
0x5f3: {  	v41 =	vld [tilespmem:$0xF50]  }
0x5f4: {  	v4 =	vshll.u32 v38, $0x3  }
0x5f5: {  	v4 =	vand.u32 $0x18, v4  }
0x5f6: {  	v2 =	vshrl.u32 v2, v4  }
0x5f7: {  	v42 =	vshra.s32 v3, $0x2;
	v4 =	vshrl.u32 v2, $0x2  }
0x5f8: {  	v5 =	vshll.u32 v41, $0x5;
	v2 =	vshll.u32 v2, $0x3;
	v4 =	vand.u32 $0x3F, v4  }
0x5f9: {  	v2 =	vand.u32 $0x18, v2;
	v4 =	vadd.s32 v5, v4  }
0x5fa: {  	v2 =	vshll.u32 v1, v2;
	[tilespmem:$0x4850] =	vst v4  }
0x5fb: {  	[tilespmem:$0x5050] =	vst v2  }
0x5fc: {  	v2 =	vld.idx.msk [tilespmem:v42+s14+$0x0], $0xffff  }
0x5fd: {  	v43 =	vld [tilespmem:$0x770]  }
0x5fe: {  	v44 =	vld [tilespmem:$0xF60]  }
0x5ff: {  	v3 =	vshll.u32 v3, $0x3  }
0x600: {  	v3 =	vand.u32 $0x18, v3  }
0x601: {  	v2 =	vshrl.u32 v2, v3  }
0x602: {  	v45 =	vshra.s32 v43, $0x2;
	v3 =	vshrl.u32 v2, $0x2  }
0x603: {  	v5 =	vshll.u32 v44, $0x5;
	v2 =	vshll.u32 v2, $0x3;
	v3 =	vand.u32 $0x3F, v3  }
0x604: {  	v2 =	vand.u32 $0x18, v2;
	v3 =	vadd.s32 v5, v3  }
0x605: {  	v2 =	vshll.u32 v1, v2;
	[tilespmem:$0x4860] =	vst v3  }
0x606: {  	[tilespmem:$0x5060] =	vst v2  }
0x607: {  	v2 =	vld.idx.msk [tilespmem:v45+s14+$0x0], $0xffff;
	_ =	sdelay $0x1  }
0x608: {  	v3 =	vld [tilespmem:$0xF70]  }
0x609: {  	v4 =	vshll.u32 v43, $0x3  }
0x60a: {  	v4 =	vand.u32 $0x18, v4  }
0x60b: {  	v2 =	vshrl.u32 v2, v4  }
0x60c: {  	v4 =	vshrl.u32 v2, $0x2  }
0x60d: {  	v3 =	vshll.u32 v3, $0x5;
	v2 =	vshll.u32 v2, $0x3;
	v4 =	vand.u32 $0x3F, v4  }
0x60e: {  	v2 =	vand.u32 $0x18, v2;
	v3 =	vadd.s32 v3, v4  }
0x60f: {  	v2 =	vshll.u32 v1, v2;
	[tilespmem:$0x4870] =	vst v3  }
0x610: {  	[tilespmem:$0x5070] =	vst v2  }
0x611: {  	[spmem:s3] =	stream.indirect.scatter.add.s32 [tilespmem:s9], [sflag:$0x2], $0x1, s8, s19, $0xb8;
	[tilespmem:$0x1FBA8] =	vst v63  }
0x612: {  	v2 =	vld [tilespmem:$0x780];
	_ =	sdelay $0x4  }
0x613: {  	v3 =	vshra.s32 v2, $0x2;
	_ =	sdelay $0x4  }
0x614: {  	v3 =	vld.idx.msk [tilespmem:v3+s14+$0x0], $0xffff  }
0x615: {  	v46 =	vld [tilespmem:$0x790]  }
0x616: {  	v47 =	vld [tilespmem:$0xF80]  }
0x617: {  	v2 =	vshll.u32 v2, $0x3  }
0x618: {  	v2 =	vand.u32 $0x18, v2  }
0x619: {  	v2 =	vshrl.u32 v3, v2  }
0x61a: {  	v48 =	vshra.s32 v46, $0x2;
	v3 =	vshrl.u32 v2, $0x2  }
0x61b: {  	v5 =	vshll.u32 v47, $0x5;
	v2 =	vshll.u32 v2, $0x3;
	v3 =	vand.u32 $0x3F, v3  }
0x61c: {  	v2 =	vand.u32 $0x18, v2;
	v3 =	vadd.s32 v5, v3  }
0x61d: {  	v2 =	vshll.u32 v1, v2;
	[tilespmem:$0x4880] =	vst v3  }
0x61e: {  	[tilespmem:$0x5080] =	vst v2  }
0x61f: {  	v2 =	vld.idx.msk [tilespmem:v48+s14+$0x0], $0xffff  }
0x620: {  	v3 =	vld [tilespmem:$0x7A0]  }
0x621: {  	v49 =	vld [tilespmem:$0xF90]  }
0x622: {  	v4 =	vshll.u32 v46, $0x3  }
0x623: {  	v4 =	vand.u32 $0x18, v4  }
0x624: {  	v2 =	vshrl.u32 v2, v4  }
0x625: {  	v50 =	vshra.s32 v3, $0x2;
	v4 =	vshrl.u32 v2, $0x2  }
0x626: {  	v5 =	vshll.u32 v49, $0x5;
	v2 =	vshll.u32 v2, $0x3;
	v4 =	vand.u32 $0x3F, v4  }
0x627: {  	v2 =	vand.u32 $0x18, v2;
	v4 =	vadd.s32 v5, v4  }
0x628: {  	v2 =	vshll.u32 v1, v2;
	[tilespmem:$0x4890] =	vst v4  }
0x629: {  	[tilespmem:$0x5090] =	vst v2  }
0x62a: {  	v2 =	vld.idx.msk [tilespmem:v50+s14+$0x0], $0xffff  }
0x62b: {  	v51 =	vld [tilespmem:$0x7B0]  }
0x62c: {  	v52 =	vld [tilespmem:$0xFA0]  }
0x62d: {  	v3 =	vshll.u32 v3, $0x3  }
0x62e: {  	v3 =	vand.u32 $0x18, v3  }
0x62f: {  	v2 =	vshrl.u32 v2, v3  }
0x630: {  	v53 =	vshra.s32 v51, $0x2;
	v3 =	vshrl.u32 v2, $0x2  }
0x631: {  	v5 =	vshll.u32 v52, $0x5;
	v2 =	vshll.u32 v2, $0x3;
	v3 =	vand.u32 $0x3F, v3  }
0x632: {  	v2 =	vand.u32 $0x18, v2;
	v3 =	vadd.s32 v5, v3  }
0x633: {  	v2 =	vshll.u32 v1, v2;
	[tilespmem:$0x48A0] =	vst v3  }
0x634: {  	[tilespmem:$0x50A0] =	vst v2  }
0x635: {  	v2 =	vld.idx.msk [tilespmem:v53+s14+$0x0], $0xffff  }
0x636: {  	v3 =	vld [tilespmem:$0x7C0]  }
0x637: {  	v54 =	vld [tilespmem:$0xFB0]  }
0x638: {  	v4 =	vshll.u32 v51, $0x3  }
0x639: {  	v4 =	vand.u32 $0x18, v4  }
0x63a: {  	v2 =	vshrl.u32 v2, v4  }
0x63b: {  	v55 =	vshra.s32 v3, $0x2;
	v4 =	vshrl.u32 v2, $0x2  }
0x63c: {  	v5 =	vshll.u32 v54, $0x5;
	v2 =	vshll.u32 v2, $0x3;
	v4 =	vand.u32 $0x3F, v4  }
0x63d: {  	v2 =	vand.u32 $0x18, v2;
	v4 =	vadd.s32 v5, v4  }
0x63e: {  	v2 =	vshll.u32 v1, v2;
	[tilespmem:$0x48B0] =	vst v4  }
0x63f: {  	[tilespmem:$0x50B0] =	vst v2  }
0x640: {  	v2 =	vld.idx.msk [tilespmem:v55+s14+$0x0], $0xffff  }
0x641: {  	v56 =	vld [tilespmem:$0x7D0]  }
0x642: {  	v57 =	vld [tilespmem:$0xFC0]  }
0x643: {  	v3 =	vshll.u32 v3, $0x3  }
0x644: {  	v3 =	vand.u32 $0x18, v3  }
0x645: {  	v2 =	vshrl.u32 v2, v3  }
0x646: {  	v58 =	vshra.s32 v56, $0x2;
	v3 =	vshrl.u32 v2, $0x2  }
0x647: {  	v5 =	vshll.u32 v57, $0x5;
	v2 =	vshll.u32 v2, $0x3;
	v3 =	vand.u32 $0x3F, v3  }
0x648: {  	v2 =	vand.u32 $0x18, v2;
	v3 =	vadd.s32 v5, v3  }
0x649: {  	v2 =	vshll.u32 v1, v2;
	[tilespmem:$0x48C0] =	vst v3  }
0x64a: {  	[tilespmem:$0x50C0] =	vst v2  }
0x64b: {  	v2 =	vld.idx.msk [tilespmem:v58+s14+$0x0], $0xffff  }
0x64c: {  	v3 =	vld [tilespmem:$0x7E0]  }
0x64d: {  	v59 =	vld [tilespmem:$0xFD0]  }
0x64e: {  	v4 =	vshll.u32 v56, $0x3  }
0x64f: {  	v4 =	vand.u32 $0x18, v4  }
0x650: {  	v2 =	vshrl.u32 v2, v4  }
0x651: {  	v60 =	vshra.s32 v3, $0x2;
	v4 =	vshrl.u32 v2, $0x2  }
0x652: {  	v5 =	vshll.u32 v59, $0x5;
	v2 =	vshll.u32 v2, $0x3;
	v4 =	vand.u32 $0x3F, v4  }
0x653: {  	v2 =	vand.u32 $0x18, v2;
	v4 =	vadd.s32 v5, v4  }
0x654: {  	v2 =	vshll.u32 v1, v2;
	[tilespmem:$0x48D0] =	vst v4  }
0x655: {  	[tilespmem:$0x50D0] =	vst v2  }
0x656: {  	v2 =	vld.idx.msk [tilespmem:v60+s14+$0x0], $0xffff  }
0x657: {  	v61 =	vld [tilespmem:$0x7F0]  }
0x658: {  	v62 =	vld [tilespmem:$0xFE0]  }
0x659: {  	v3 =	vshll.u32 v3, $0x3  }
0x65a: {  	v3 =	vand.u32 $0x18, v3  }
0x65b: {  	v2 =	vshrl.u32 v2, v3  }
0x65c: {  	v63 =	vshra.s32 v61, $0x2;
	v3 =	vshrl.u32 v2, $0x2  }
0x65d: {  	v5 =	vshll.u32 v62, $0x5;
	v2 =	vshll.u32 v2, $0x3;
	v3 =	vand.u32 $0x3F, v3  }
0x65e: {  	v2 =	vand.u32 $0x18, v2;
	v3 =	vadd.s32 v5, v3  }
0x65f: {  	v2 =	vshll.u32 v1, v2;
	[tilespmem:$0x48E0] =	vst v3  }
0x660: {  	[tilespmem:$0x50E0] =	vst v2  }
0x661: {  	v2 =	vld.idx.msk [tilespmem:v63+s14+$0x0], $0xffff;
	_ =	sdelay $0x1  }
0x662: {  	v3 =	vld [tilespmem:$0xFF0]  }
0x663: {  	v4 =	vshll.u32 v61, $0x3  }
0x664: {  	v4 =	vand.u32 $0x18, v4  }
0x665: {  	v2 =	vshrl.u32 v2, v4  }
0x666: {  	v4 =	vshrl.u32 v2, $0x2  }
0x667: {  	v3 =	vshll.u32 v3, $0x5;
	v2 =	vshll.u32 v2, $0x3;
	v4 =	vand.u32 $0x3F, v4  }
0x668: {  	v2 =	vand.u32 $0x18, v2;
	v3 =	vadd.s32 v3, v4  }
0x669: {  	v2 =	vshll.u32 v1, v2;
	[tilespmem:$0x48F0] =	vst v3  }
0x66a: {  	[tilespmem:$0x50F0] =	vst v2  }
0x66b: {  	[spmem:s3] =	stream.indirect.scatter.add.s32 [tilespmem:s11], [sflag:$0x2], $0x1, s10, s19, $0xb8;
	[tilespmem:$0x1FBA8] =	vst v63  }
0x66c: {  	_ =	swait.ge [sflag:s20], $0x80  }
0x66d: {  	[sflag:s20] =	ssyncset.done $0x0  }
0x66e: {  	[sflag:s20] =	ssyncadd.s32 $0xFFFFFF80  }
0x66f: {  	_ =	swait.ge [sflag:s20], $0x80  }
0x670: {  	[sflag:s20] =	ssyncset.done $0x0  }
0x671: {  	[sflag:s20] =	ssyncadd.s32 $0xFFFFFF80  }
0x672: {  	_ =	swait.ge [sflag:s20], $0x80  }
0x673: {  	[sflag:s20] =	ssyncset.done $0x0  }
0x674: {  	[sflag:s20] =	ssyncadd.s32 $0xFFFFFF80  }
0x675: {  	_ =	swait.ge [sflag:s20], $0x80  }
0x676: {  	[sflag:s20] =	ssyncset.done $0x0  }
0x677: {  	[sflag:s20] =	ssyncadd.s32 $0xFFFFFF80  }
0x678: {  	_ =	swait.ge [sflag:s20], $0x80  }
0x679: {  	[sflag:s20] =	ssyncset.done $0x0  }
0x67a: {  	[sflag:s20] =	ssyncadd.s32 $0xFFFFFF80  }
0x67b: {  	_ =	swait.ge [sflag:s20], $0x80  }
0x67c: {  	[sflag:s20] =	ssyncset.done $0x0  }
0x67d: {  	[sflag:s20] =	ssyncadd.s32 $0xFFFFFF80  }
0x67e: {  	_ =	swait.ge [sflag:s20], $0x80  }
0x67f: {  	[sflag:s20] =	ssyncset.done $0x0  }
0x680: {  	[sflag:s20] =	ssyncadd.s32 $0xFFFFFF80  }
0x681: {  	_ =	swait.ge [sflag:s20], $0x80  }
0x682: {  	[sflag:s20] =	ssyncset.done $0x0  }
0x683: {  	[sflag:s20] =	ssyncadd.s32 $0xFFFFFF80  }
0x684: {  	_ =	swait.ge [sflag:s20], $0x80  }
0x685: {  	[sflag:s20] =	ssyncset.done $0x0  }
0x686: {  	[sflag:s20] =	ssyncadd.s32 $0xFFFFFF80  }
0x687: {  	_ =	swait.ge [sflag:s20], $0x80  }
0x688: {  	[sflag:s20] =	ssyncset.done $0x0  }
0x689: {  	[sflag:s20] =	ssyncadd.s32 $0xFFFFFF80  }
0x68a: {  	_ =	swait.ge [sflag:s20], $0x80  }
0x68b: {  	[sflag:s20] =	ssyncset.done $0x0  }
0x68c: {  	[sflag:s20] =	ssyncadd.s32 $0xFFFFFF80  }
0x68d: {  	_ =	swait.ge [sflag:s20], $0x80  }
0x68e: {  	[sflag:s20] =	ssyncset.done $0x0  }
0x68f: {  	[sflag:s20] =	ssyncadd.s32 $0xFFFFFF80  }
0x690: {  	_ =	swait.ge [sflag:s20], $0x80  }
0x691: {  	[sflag:s20] =	ssyncset.done $0x0  }
0x692: {  	[sflag:s20] =	ssyncadd.s32 $0xFFFFFF80  }
0x693: {  	_ =	swait.ge [sflag:s20], $0x80  }
0x694: {  	[sflag:s20] =	ssyncset.done $0x0  }
0x695: {  	[sflag:s20] =	ssyncadd.s32 $0xFFFFFF80  }
0x696: {  	p0 =	sne.s32 s26, $0x1A000;
	_ =	swait.ge [sflag:s20], $0x80  }
.Ltmp1:
0x697: {  	[sflag:s20] =	ssyncset.done $0x0;
	(pc) =	sbr.rel @p0 .LBB2_4-.Ltmp1, $4  }
0x698: {  	[sflag:s20] =	ssyncadd.s32 $0xFFFFFF80  }
0x699: {  	_ =	swait.ge [sflag:s20], $0x80  }
0x69a: {  	[sflag:s20] =	ssyncset.done $0x0  }
0x69b: {  	s26 =	sadd.s32 $0x2000, s26;
	[sflag:s20] =	ssyncadd.s32 $0xFFFFFF80  }
0x69c: {  	[bflag:$0x0] =	sbarrier.arrive $0xFFFF  }
0x69d: {  	s26 =	rddreg [dreg:$0x13]  }
0x69e: {  	[tilespmem:s16], [sflag:$0x6] =	stream.linear.gather [spmem:s26], $0xFA0, $0x38;
	[tilespmem:$0x1FBA8] =	vst v63  }
0x69f: {  	_ =	swait.ge [sflag:s15], $0xFA0  }
0x6a0: {  	[sflag:s15] =	ssyncset.done $0x0  }
0x6a1: {  	s30 =	simm.s32 $0x0;
	s28 =	rddreg [dreg:$0x14];
	[sflag:s15] =	ssyncadd.s32 $0xFFFFF060  }
0x6a2: {  	[hbm4b:s28+s30] =	stream.linear.scatter [tilespmem:s16], [sflag:$0x4], $0xFA0, $0x38;
	[tilespmem:$0x1FBA8] =	vst v63  }
0x6a3: {  	s28 =	sld [smem:$0x7FA];
	_ =	sdelay $0x2  }
0x6a4: {  	[tilespmem:s21], [sflag:$0x6] =	stream.linear.gather [spmem:s28], $0xFA0, $0x38;
	[tilespmem:$0x1FBA8] =	vst v63  }
0x6a5: {  	_ =	swait.ge [sflag:s15], $0xFA0  }
0x6a6: {  	s28 =	sld [smem:$0x7FB]  }
0x6a7: {  	[sflag:s15] =	ssyncset.done $0x0  }
0x6a8: {  	[sflag:s15] =	ssyncadd.s32 $0xFFFFF060  }
0x6a9: {  	[hbm4b:s28+s30] =	stream.linear.scatter [tilespmem:s21], [sflag:$0x5], $0xFA0, $0x38;
	[tilespmem:$0x1FBA8] =	vst v63  }
0x6aa: {  	_ =	swait.ge [sflag:s24], $0xFA0  }
0x6ab: {  	s28 =	sld [smem:$0x7FC]  }
0x6ac: {  	[sflag:s24] =	ssyncset.done $0x0  }
0x6ad: {  	[sflag:s24] =	ssyncadd.s32 $0xFFFFF060  }
0x6ae: {  	[tilespmem:s16], [sflag:$0x6] =	stream.linear.gather [spmem:s28], $0xFA0, $0x38;
	[tilespmem:$0x1FBA8] =	vst v63  }
0x6af: {  	_ =	swait.ge [sflag:s15], $0xFA0  }
0x6b0: {  	s28 =	sld [smem:$0x7FD]  }
0x6b1: {  	[sflag:s15] =	ssyncset.done $0x0  }
0x6b2: {  	[sflag:s15] =	ssyncadd.s32 $0xFFFFF060  }
0x6b3: {  	[hbm4b:s28+s30] =	stream.linear.scatter [tilespmem:s16], [sflag:$0x4], $0xFA0, $0x38;
	[tilespmem:$0x1FBA8] =	vst v63  }
0x6b4: {  	_ =	swait.ge [sflag:s25], $0xFA0  }
0x6b5: {  	[sflag:s25] =	ssyncset.done $0x0;
	s28 =	rddreg [dreg:$0x19]  }
0x6b6: {  	[sflag:s25] =	ssyncadd.s32 $0xFFFFF060;
	s0 =	sadd.s32 $0xFFFFF060, s28  }
0x6b7: {  	[tilespmem:s21], [sflag:$0x6] =	stream.linear.gather [spmem:s0], $0xFA0, $0x38;
	[tilespmem:$0x1FBA8] =	vst v63  }
0x6b8: {  	_ =	swait.ge [sflag:s15], $0xFA0  }
0x6b9: {  	[sflag:s15] =	ssyncset.done $0x0  }
0x6ba: {  	s30 =	sadd.s32 $0x0, s23;
	[sflag:s15] =	ssyncadd.s32 $0xFFFFF060  }
0x6bb: {  	[hbm4b:s30+s4] =	stream.linear.scatter [tilespmem:s21], [sflag:$0x5], $0xFA0, $0x38;
	[tilespmem:$0x1FBA8] =	vst v63  }
0x6bc: {  	_ =	swait.ge [sflag:s24], $0xFA0  }
0x6bd: {  	[sflag:s24] =	ssyncset.done $0x0  }
0x6be: {  	[sflag:s24] =	ssyncadd.s32 $0xFFFFF060  }
0x6bf: {  	[tilespmem:s16], [sflag:$0x6] =	stream.linear.gather [spmem:s28], $0xFA0, $0x38;
	[tilespmem:$0x1FBA8] =	vst v63  }
0x6c0: {  	_ =	swait.ge [sflag:s15], $0xFA0  }
0x6c1: {  	s29 =	sadd.s32 $0x0, s22;
	[sflag:s15] =	ssyncset.done $0x0  }
0x6c2: {  	s26 =	simm.s32 $0x3E8;
	s28 =	sadd.s32 $0x1F40, s28;
	[sflag:s15] =	ssyncadd.s32 $0xFFFFF060  }
.LBB2_6:
0x6c3: {  	[hbm4b:s29+s4] =	stream.linear.scatter [tilespmem:s16], [sflag:$0x4], $0xFA0, $0x38;
	[tilespmem:$0x1FBA8] =	vst v63  }
0x6c4: {  	s29 =	smov.u32 s26  }
0x6c5: {  	p0 =	sne.s32 s26, $0x2710;
	s26 =	sadd.s32 $0x3E8, s26;
	_ =	swait.ge [sflag:s25], $0xFA0  }
0x6c6: {  	[sflag:s25] =	ssyncset.done $0x0  }
0x6c7: {  	s30 =	sadd.s32 $0xFFFFF060, s28;
	[sflag:s25] =	ssyncadd.s32 $0xFFFFF060  }
0x6c8: {  	[tilespmem:s21], [sflag:$0x6] =	stream.linear.gather [spmem:s30], $0xFA0, $0x38;
	[tilespmem:$0x1FBA8] =	vst v63  }
0x6c9: {  	_ =	swait.ge [sflag:s15], $0xFA0  }
0x6ca: {  	[sflag:s15] =	ssyncset.done $0x0  }
0x6cb: {  	s30 =	sadd.s32 s29, s23;
	[sflag:s15] =	ssyncadd.s32 $0xFFFFF060  }
0x6cc: {  	[hbm4b:s30+s4] =	stream.linear.scatter [tilespmem:s21], [sflag:$0x5], $0xFA0, $0x38;
	[tilespmem:$0x1FBA8] =	vst v63  }
0x6cd: {  	_ =	swait.ge [sflag:s24], $0xFA0  }
0x6ce: {  	[sflag:s24] =	ssyncset.done $0x0  }
.Ltmp2:
0x6cf: {  	[sflag:s24] =	ssyncadd.s32 $0xFFFFF060;
	(pc) =	sbr.rel @p0 .LBB2_6-.Ltmp2, $4  }
0x6d0: {  	[tilespmem:s16], [sflag:$0x6] =	stream.linear.gather [spmem:s28], $0xFA0, $0x38;
	[tilespmem:$0x1FBA8] =	vst v63  }
0x6d1: {  	_ =	swait.ge [sflag:s15], $0xFA0  }
0x6d2: {  	[sflag:s15] =	ssyncset.done $0x0  }
0x6d3: {  	s29 =	sadd.s32 s29, s22;
	s28 =	sadd.s32 $0x1F40, s28;
	[sflag:s15] =	ssyncadd.s32 $0xFFFFF060  }
0x6d4: {  	[hbm4b:s29+s4] =	stream.linear.scatter [tilespmem:s16], [sflag:$0x4], $0xFA0, $0x38;
	[tilespmem:$0x1FBA8] =	vst v63  }
0x6d5: {  	_ =	swait.ge [sflag:s25], $0xFA0  }
0x6d6: {  	[sflag:s25] =	ssyncset.done $0x0  }
0x6d7: {  	[sflag:s25] =	ssyncadd.s32 $0xFFFFF060  }
0x6d8: {  	_ =	swait.ge [sflag:s24], $0xFA0  }
0x6d9: {  	s0 =	sld [smem:$0x7EB];
	_ =	sdelay $0x2  }
0x6da: {  	s26 =	rddreg [dreg:$0x15];
	s0 =	sadd.s32 $0x1, s0  }
0x6db: {  	p0 =	sne.s32 s0, s26  }
.Ltmp3:
0x6dc: {  	_ = 	snop;
	(pc) =	sbr.rel @p0 .LBB2_1-.Ltmp3, $3  }
0x6dd: {  	_ =	sdelay $0x1  }
0x6de: {  	[sflag:s24] =	ssyncset.done $0x0  }
0x6df: {  	[sflag:s24] =	ssyncadd.s32 $0xFFFFF060  }
0x6e0: {  	_ =	sfence.sel $0x180000  }
0x6e1: {  	[bflag:$0x0] =	sbarrier.arrive $0xFFFF  }
0x6e2: {  	_ =	strace $0x90000047  }
0x6e3: {  	s0 =	stileid.u32;
	[bflag:$0x2] =	sbarrier.arrive $0xFFFF  }
0x6e4: {  	p0 =	sne.s32 s0, $0x0;
	s0 =	rddreg [dreg:$0x3]  }
0x6e5: {  	s0 =	sadd.s32 @!p0 $0x100000, s0  }
0x6e6: {  	[sflag:s0] =	ssyncadd.tile.s32 @!p0 $0x1;
	_ =	shalt  }
.Lfunc_end2:
_tile_overlayer_lowered:
.L_overlay_start_2:
0x6e7: {  	(tag) =	ssettag $0x2  }
0x6e8: {  	s0 =	rddreg [dreg:$0x0];
	s2 =	stileid.u32  }
0x6e9: {  	s1 =	rddreg [dreg:$0x1];
	p0 =	sne.s32 s2, $0x0  }
0x6ea: {  	s3 =	rddreg [dreg:$0x2];
	[bflag:$0x3] =	sbarrier.arrive $0xFFFF;
	s2 =	simm.s32 @!p0 $0x1C06  }
0x6eb: {  	[timem:s3], [sflag:s2] =	dma.local @!p0 [hbm:s0], s1  }
0x6ec: {  	s0 =	simm.s32 @!p0 $0x6  }
0x6ed: {  	_ =	swait.ge @!p0 [sflag:s0], s1  }
0x6ee: {  	s1 =	ssub.s32 @!p0 $0x0, s1;
	[sflag:s0] =	ssyncset.done @!p0 $0x0  }
0x6ef: {  	[sflag:s0] =	ssyncadd.s32 @!p0 s1  }
0x6f0: {  	[bflag:$0x3] =	sbarrier.arrive $0xFFFF  }
0x6f1: {  	_ =	shalt  }

</sc_bundles>
